<compile_context>
chip_gen: v7x
topology: tpu7x:2x2x1
jax: 0.10.2.dev20260603
libtpu: 0.0.44.dev20260713+nightly
codegen_flags: <defaults>
</compile_context>

<pallas_src>
import functools

import jax
import jax.numpy as jnp
from jax import lax
from jax.experimental import pallas as pl
from jax.experimental.pallas import tpu as pltpu
from jax.experimental.pallas import tpu_sc as plsc

NUM_ENTITIES = 1000000
EMBED_DIM = 64
BATCH = 16384
FIELDS = 26

NC = 2
NS = 16
NW = NC * NS

B_PER_W = BATCH // NW
ROWS = B_PER_W
NBUF = 3
DELAY = NBUF - 1


@functools.partial(
    pl.kernel,
    out_type=jax.ShapeDtypeStruct((FIELDS * BATCH, EMBED_DIM), jnp.float32),
    mesh=plsc.VectorSubcoreMesh(core_axis_name="c", subcore_axis_name="s"),
    scratch_types=[
        pltpu.VMEM((FIELDS * ROWS,), jnp.int32),
        [pltpu.VMEM((ROWS, EMBED_DIM), jnp.float32) for _ in range(NBUF)],
        [pltpu.SemaphoreType.DMA for _ in range(NBUF)],
        [pltpu.SemaphoreType.DMA for _ in range(NBUF)],
        pltpu.SemaphoreType.DMA,
    ],
    compiler_params=pltpu.CompilerParams(use_tc_tiling_on_sc=False),
)
def _gather_kernel(idx_hbm, table_hbm, out_hbm, idx_v, rows, gsem, wsem, isem):
    wid = lax.axis_index("s") * NC + lax.axis_index("c")
    b0 = wid * B_PER_W

    for f in range(FIELDS):
        pltpu.make_async_copy(
            idx_hbm.at[pl.ds(f * BATCH + b0, ROWS)],
            idx_v.at[pl.ds(f * ROWS, ROWS)],
            isem,
        ).start()
    for f in range(FIELDS):
        pltpu.make_async_copy(
            idx_hbm.at[pl.ds(f * BATCH + b0, ROWS)],
            idx_v.at[pl.ds(f * ROWS, ROWS)],
            isem,
        ).wait()

    def start_gather(f):
        s = f % NBUF
        pltpu.make_async_copy(
            table_hbm.at[idx_v.at[pl.ds(f * ROWS, ROWS)]], rows[s], gsem[s]
        ).start()

    def finish_and_writeback(f):
        s = f % NBUF
        pltpu.make_async_copy(
            table_hbm.at[idx_v.at[pl.ds(f * ROWS, ROWS)]], rows[s], gsem[s]
        ).wait()
        pltpu.make_async_copy(
            rows[s], out_hbm.at[pl.ds(f * BATCH + b0, ROWS)], wsem[s]
        ).start()

    def wait_writeback(f):
        s = f % NBUF
        pltpu.make_async_copy(
            rows[s], out_hbm.at[pl.ds(f * BATCH + b0, ROWS)], wsem[s]
        ).wait()

    for f in range(FIELDS + DELAY):
        if f < FIELDS:
            if f >= NBUF:
                wait_writeback(f - NBUF)
            start_gather(f)
        if f >= DELAY:
            finish_and_writeback(f - DELAY)
    for f in range(max(FIELDS - NBUF, 0), FIELDS):
        wait_writeback(f)


def kernel(indices, entity_embeddings):
    flat_idx = jnp.transpose(indices).astype(jnp.int32).reshape(FIELDS * BATCH)
    out = _gather_kernel(flat_idx, entity_embeddings)
    return jnp.transpose(out.reshape(FIELDS, BATCH, EMBED_DIM), (1, 0, 2))

# --- scband reference (transcript-rebuilt; emitter-appended) ---
"""Pipeline reference for scband-base-module-21973052686600 (READ-ONLY COPY).

The authoritative reference and input builder live on the scoring server;
editing this copy changes nothing except your own understanding.
"""

import jax, jax.numpy as jnp
import numpy as np

NUM_ENTITIES = 1000000
EMBED_DIM = 64
BATCH = 16384
FIELDS = 26

def setup_inputs(seed: int = 0) -> dict:
    key = jax.random.key(seed)
    k_idx, k_tab = jax.random.split(key)
    indices = jax.random.randint(k_idx, (BATCH, FIELDS), 0, NUM_ENTITIES, dtype=jnp.int64 if jax.config.jax_enable_x64 else jnp.int32)
    # entity embedding table, initialized uniform in [-bound, bound] like TransE-style init
    bound = 6.0 / np.sqrt(EMBED_DIM)
    entity_embeddings = jax.random.uniform(k_tab, (NUM_ENTITIES, EMBED_DIM), minval=-bound, maxval=bound, dtype=jnp.float32)
    return {"indices": indices, "entity_embeddings": entity_embeddings}

def reference(indices, entity_embeddings):
    # Faithful translation of nn.Embedding forward: row gather from the table.
    # (max_norm is None in this module, so no renormalization occurs.)
    return jnp.take(entity_embeddings, indices, axis=0)

if __name__ == "__main__":
    import jax
    _d = setup_inputs()
    print(jax.jit(kernel)(*tuple(_d.values())))

</pallas_src>

<mosaic_0001>
#map = affine_map<(d0, d1) -> (0)>
#map1 = affine_map<(d0, d1) -> (0, 0)>
module attributes {stable_mosaic.version = 14 : i64} {
  func.func @_gather_kernel(%arg0: i32, %arg1: i32, %arg2: memref<425984xi32, #tpu.memory_space<hbm>>, %arg3: memref<1000000x64xf32, #tpu.memory_space<hbm>>, %arg4: memref<425984x64xf32, #tpu.memory_space<hbm>>, %arg5: memref<13312xi32, #tpu.memory_space<vmem>>, %arg6: memref<512x64xf32, #tpu.memory_space<vmem>>, %arg7: memref<512x64xf32, #tpu.memory_space<vmem>>, %arg8: memref<512x64xf32, #tpu.memory_space<vmem>>, %arg9: memref<!tpu.dma_semaphore, #tpu.memory_space<semaphore_mem>>, %arg10: memref<!tpu.dma_semaphore, #tpu.memory_space<semaphore_mem>>, %arg11: memref<!tpu.dma_semaphore, #tpu.memory_space<semaphore_mem>>, %arg12: memref<!tpu.dma_semaphore, #tpu.memory_space<semaphore_mem>>, %arg13: memref<!tpu.dma_semaphore, #tpu.memory_space<semaphore_mem>>, %arg14: memref<!tpu.dma_semaphore, #tpu.memory_space<semaphore_mem>>, %arg15: memref<!tpu.dma_semaphore, #tpu.memory_space<semaphore_mem>>) attributes {dimension_semantics = [#tpu.dimension_semantics<core_parallel>, #tpu.dimension_semantics<subcore_parallel>], iteration_bounds = array<i64: 2, 16>, scalar_prefetch = 0 : i64, scratch_operands = 11 : i64, tpu.core_type = #tpu.core_type<sc_vector_subcore>, window_params = [{transform_indices = #map}, {transform_indices = #map1}, {transform_indices = #map1}]} {
    %mul3A = arith.constant 2 : i32
    %mul3A_0 = arith.muli %arg1, %mul3A : i32
    %add3A = arith.addi %mul3A_0, %arg0 : i32
    %mul3A_1 = arith.constant 512 : i32
    %mul3A_2 = arith.muli %add3A, %mul3A_1 : i32
    %add3A_3 = arith.constant 0 : i32
    %add3A_4 = arith.addi %add3A_3, %mul3A_2 : i32
    %dma_start3A = arith.constant 0 : i32
    %dma_start3A_5 = tpu.memref_slice %arg5[%dma_start3A] : memref<13312xi32, #tpu.memory_space<vmem>> -> memref<512xi32, #tpu.memory_space<vmem>>
    %dma_start3A_6 = tpu.memref_slice %arg2[%add3A_4] : memref<425984xi32, #tpu.memory_space<hbm>> -> memref<512xi32, #tpu.memory_space<hbm>>
    %dma_start3A_7 = arith.constant 0 : i32
    %dma_start3A_8 = tpu.memref_slice %arg5[%dma_start3A_7] : memref<13312xi32, #tpu.memory_space<vmem>> -> memref<512xi32, #tpu.memory_space<vmem>>
    %dma_start3A_9 = tpu.memref_slice %arg2[%add3A_4] : memref<425984xi32, #tpu.memory_space<hbm>> -> memref<512xi32, #tpu.memory_space<hbm>>
    tpu.enqueue_dma source(%dma_start3A_9 : memref<512xi32, #tpu.memory_space<hbm>>) target(%dma_start3A_8 : memref<512xi32, #tpu.memory_space<vmem>>) target_semaphore(%arg15 : memref<!tpu.dma_semaphore, #tpu.memory_space<semaphore_mem>>)
    %add3A_10 = arith.constant 16384 : i32
    %add3A_11 = arith.addi %add3A_10, %mul3A_2 : i32
    %dma_start3A_12 = arith.constant 512 : i32
    %dma_start3A_13 = tpu.memref_slice %arg5[%dma_start3A_12] : memref<13312xi32, #tpu.memory_space<vmem>> -> memref<512xi32, #tpu.memory_space<vmem>>
    %dma_start3A_14 = tpu.memref_slice %arg2[%add3A_11] : memref<425984xi32, #tpu.memory_space<hbm>> -> memref<512xi32, #tpu.memory_space<hbm>>
    %dma_start3A_15 = arith.constant 512 : i32
    %dma_start3A_16 = tpu.memref_slice %arg5[%dma_start3A_15] : memref<13312xi32, #tpu.memory_space<vmem>> -> memref<512xi32, #tpu.memory_space<vmem>>
    %dma_start3A_17 = tpu.memref_slice %arg2[%add3A_11] : memref<425984xi32, #tpu.memory_space<hbm>> -> memref<512xi32, #tpu.memory_space<hbm>>
    tpu.enqueue_dma source(%dma_start3A_17 : memref<512xi32, #tpu.memory_space<hbm>>) target(%dma_start3A_16 : memref<512xi32, #tpu.memory_space<vmem>>) target_semaphore(%arg15 : memref<!tpu.dma_semaphore, #tpu.memory_space<semaphore_mem>>)
    %add3A_18 = arith.constant 32768 : i32
    %add3A_19 = arith.addi %add3A_18, %mul3A_2 : i32
    %dma_start3A_20 = arith.constant 1024 : i32
    %dma_start3A_21 = tpu.memref_slice %arg5[%dma_start3A_20] : memref<13312xi32, #tpu.memory_space<vmem>> -> memref<512xi32, #tpu.memory_space<vmem>>
    %dma_start3A_22 = tpu.memref_slice %arg2[%add3A_19] : memref<425984xi32, #tpu.memory_space<hbm>> -> memref<512xi32, #tpu.memory_space<hbm>>
    %dma_start3A_23 = arith.constant 1024 : i32
    %dma_start3A_24 = tpu.memref_slice %arg5[%dma_start3A_23] : memref<13312xi32, #tpu.memory_space<vmem>> -> memref<512xi32, #tpu.memory_space<vmem>>
    %dma_start3A_25 = tpu.memref_slice %arg2[%add3A_19] : memref<425984xi32, #tpu.memory_space<hbm>> -> memref<512xi32, #tpu.memory_space<hbm>>
    tpu.enqueue_dma source(%dma_start3A_25 : memref<512xi32, #tpu.memory_space<hbm>>) target(%dma_start3A_24 : memref<512xi32, #tpu.memory_space<vmem>>) target_semaphore(%arg15 : memref<!tpu.dma_semaphore, #tpu.memory_space<semaphore_mem>>)
    %add3A_26 = arith.constant 49152 : i32
    %add3A_27 = arith.addi %add3A_26, %mul3A_2 : i32
    %dma_start3A_28 = arith.constant 1536 : i32
    %dma_start3A_29 = tpu.memref_slice %arg5[%dma_start3A_28] : memref<13312xi32, #tpu.memory_space<vmem>> -> memref<512xi32, #tpu.memory_space<vmem>>
    %dma_start3A_30 = tpu.memref_slice %arg2[%add3A_27] : memref<425984xi32, #tpu.memory_space<hbm>> -> memref<512xi32, #tpu.memory_space<hbm>>
    %dma_start3A_31 = arith.constant 1536 : i32
    %dma_start3A_32 = tpu.memref_slice %arg5[%dma_start3A_31] : memref<13312xi32, #tpu.memory_space<vmem>> -> memref<512xi32, #tpu.memory_space<vmem>>
    %dma_start3A_33 = tpu.memref_slice %arg2[%add3A_27] : memref<425984xi32, #tpu.memory_space<hbm>> -> memref<512xi32, #tpu.memory_space<hbm>>
    tpu.enqueue_dma source(%dma_start3A_33 : memref<512xi32, #tpu.memory_space<hbm>>) target(%dma_start3A_32 : memref<512xi32, #tpu.memory_space<vmem>>) target_semaphore(%arg15 : memref<!tpu.dma_semaphore, #tpu.memory_space<semaphore_mem>>)
    %add3A_34 = arith.constant 65536 : i32
    %add3A_35 = arith.addi %add3A_34, %mul3A_2 : i32
    %dma_start3A_36 = arith.constant 2048 : i32
    %dma_start3A_37 = tpu.memref_slice %arg5[%dma_start3A_36] : memref<13312xi32, #tpu.memory_space<vmem>> -> memref<512xi32, #tpu.memory_space<vmem>>
    %dma_start3A_38 = tpu.memref_slice %arg2[%add3A_35] : memref<425984xi32, #tpu.memory_space<hbm>> -> memref<512xi32, #tpu.memory_space<hbm>>
    %dma_start3A_39 = arith.constant 2048 : i32
    %dma_start3A_40 = tpu.memref_slice %arg5[%dma_start3A_39] : memref<13312xi32, #tpu.memory_space<vmem>> -> memref<512xi32, #tpu.memory_space<vmem>>
    %dma_start3A_41 = tpu.memref_slice %arg2[%add3A_35] : memref<425984xi32, #tpu.memory_space<hbm>> -> memref<512xi32, #tpu.memory_space<hbm>>
    tpu.enqueue_dma source(%dma_start3A_41 : memref<512xi32, #tpu.memory_space<hbm>>) target(%dma_start3A_40 : memref<512xi32, #tpu.memory_space<vmem>>) target_semaphore(%arg15 : memref<!tpu.dma_semaphore, #tpu.memory_space<semaphore_mem>>)
    %add3A_42 = arith.constant 81920 : i32
    %add3A_43 = arith.addi %add3A_42, %mul3A_2 : i32
    %dma_start3A_44 = arith.constant 2560 : i32
    %dma_start3A_45 = tpu.memref_slice %arg5[%dma_start3A_44] : memref<13312xi32, #tpu.memory_space<vmem>> -> memref<512xi32, #tpu.memory_space<vmem>>
    %dma_start3A_46 = tpu.memref_slice %arg2[%add3A_43] : memref<425984xi32, #tpu.memory_space<hbm>> -> memref<512xi32, #tpu.memory_space<hbm>>
    %dma_start3A_47 = arith.constant 2560 : i32
    %dma_start3A_48 = tpu.memref_slice %arg5[%dma_start3A_47] : memref<13312xi32, #tpu.memory_space<vmem>> -> memref<512xi32, #tpu.memory_space<vmem>>
    %dma_start3A_49 = tpu.memref_slice %arg2[%add3A_43] : memref<425984xi32, #tpu.memory_space<hbm>> -> memref<512xi32, #tpu.memory_space<hbm>>
    tpu.enqueue_dma source(%dma_start3A_49 : memref<512xi32, #tpu.memory_space<hbm>>) target(%dma_start3A_48 : memref<512xi32, #tpu.memory_space<vmem>>) target_semaphore(%arg15 : memref<!tpu.dma_semaphore, #tpu.memory_space<semaphore_mem>>)
    %add3A_50 = arith.constant 98304 : i32
    %add3A_51 = arith.addi %add3A_50, %mul3A_2 : i32
    %dma_start3A_52 = arith.constant 3072 : i32
    %dma_start3A_53 = tpu.memref_slice %arg5[%dma_start3A_52] : memref<13312xi32, #tpu.memory_space<vmem>> -> memref<512xi32, #tpu.memory_space<vmem>>
    %dma_start3A_54 = tpu.memref_slice %arg2[%add3A_51] : memref<425984xi32, #tpu.memory_space<hbm>> -> memref<512xi32, #tpu.memory_space<hbm>>
    %dma_start3A_55 = arith.constant 3072 : i32
    %dma_start3A_56 = tpu.memref_slice %arg5[%dma_start3A_55] : memref<13312xi32, #tpu.memory_space<vmem>> -> memref<512xi32, #tpu.memory_space<vmem>>
    %dma_start3A_57 = tpu.memref_slice %arg2[%add3A_51] : memref<425984xi32, #tpu.memory_space<hbm>> -> memref<512xi32, #tpu.memory_space<hbm>>
    tpu.enqueue_dma source(%dma_start3A_57 : memref<512xi32, #tpu.memory_space<hbm>>) target(%dma_start3A_56 : memref<512xi32, #tpu.memory_space<vmem>>) target_semaphore(%arg15 : memref<!tpu.dma_semaphore, #tpu.memory_space<semaphore_mem>>)
    %add3A_58 = arith.constant 114688 : i32
    %add3A_59 = arith.addi %add3A_58, %mul3A_2 : i32
    %dma_start3A_60 = arith.constant 3584 : i32
    %dma_start3A_61 = tpu.memref_slice %arg5[%dma_start3A_60] : memref<13312xi32, #tpu.memory_space<vmem>> -> memref<512xi32, #tpu.memory_space<vmem>>
    %dma_start3A_62 = tpu.memref_slice %arg2[%add3A_59] : memref<425984xi32, #tpu.memory_space<hbm>> -> memref<512xi32, #tpu.memory_space<hbm>>
    %dma_start3A_63 = arith.constant 3584 : i32
    %dma_start3A_64 = tpu.memref_slice %arg5[%dma_start3A_63] : memref<13312xi32, #tpu.memory_space<vmem>> -> memref<512xi32, #tpu.memory_space<vmem>>
    %dma_start3A_65 = tpu.memref_slice %arg2[%add3A_59] : memref<425984xi32, #tpu.memory_space<hbm>> -> memref<512xi32, #tpu.memory_space<hbm>>
    tpu.enqueue_dma source(%dma_start3A_65 : memref<512xi32, #tpu.memory_space<hbm>>) target(%dma_start3A_64 : memref<512xi32, #tpu.memory_space<vmem>>) target_semaphore(%arg15 : memref<!tpu.dma_semaphore, #tpu.memory_space<semaphore_mem>>)
    %add3A_66 = arith.constant 131072 : i32
    %add3A_67 = arith.addi %add3A_66, %mul3A_2 : i32
    %dma_start3A_68 = arith.constant 4096 : i32
    %dma_start3A_69 = tpu.memref_slice %arg5[%dma_start3A_68] : memref<13312xi32, #tpu.memory_space<vmem>> -> memref<512xi32, #tpu.memory_space<vmem>>
    %dma_start3A_70 = tpu.memref_slice %arg2[%add3A_67] : memref<425984xi32, #tpu.memory_space<hbm>> -> memref<512xi32, #tpu.memory_space<hbm>>
    %dma_start3A_71 = arith.constant 4096 : i32
    %dma_start3A_72 = tpu.memref_slice %arg5[%dma_start3A_71] : memref<13312xi32, #tpu.memory_space<vmem>> -> memref<512xi32, #tpu.memory_space<vmem>>
    %dma_start3A_73 = tpu.memref_slice %arg2[%add3A_67] : memref<425984xi32, #tpu.memory_space<hbm>> -> memref<512xi32, #tpu.memory_space<hbm>>
    tpu.enqueue_dma source(%dma_start3A_73 : memref<512xi32, #tpu.memory_space<hbm>>) target(%dma_start3A_72 : memref<512xi32, #tpu.memory_space<vmem>>) target_semaphore(%arg15 : memref<!tpu.dma_semaphore, #tpu.memory_space<semaphore_mem>>)
    %add3A_74 = arith.constant 147456 : i32
    %add3A_75 = arith.addi %add3A_74, %mul3A_2 : i32
    %dma_start3A_76 = arith.constant 4608 : i32
    %dma_start3A_77 = tpu.memref_slice %arg5[%dma_start3A_76] : memref<13312xi32, #tpu.memory_space<vmem>> -> memref<512xi32, #tpu.memory_space<vmem>>
    %dma_start3A_78 = tpu.memref_slice %arg2[%add3A_75] : memref<425984xi32, #tpu.memory_space<hbm>> -> memref<512xi32, #tpu.memory_space<hbm>>
    %dma_start3A_79 = arith.constant 4608 : i32
    %dma_start3A_80 = tpu.memref_slice %arg5[%dma_start3A_79] : memref<13312xi32, #tpu.memory_space<vmem>> -> memref<512xi32, #tpu.memory_space<vmem>>
    %dma_start3A_81 = tpu.memref_slice %arg2[%add3A_75] : memref<425984xi32, #tpu.memory_space<hbm>> -> memref<512xi32, #tpu.memory_space<hbm>>
    tpu.enqueue_dma source(%dma_start3A_81 : memref<512xi32, #tpu.memory_space<hbm>>) target(%dma_start3A_80 : memref<512xi32, #tpu.memory_space<vmem>>) target_semaphore(%arg15 : memref<!tpu.dma_semaphore, #tpu.memory_space<semaphore_mem>>)
    %add3A_82 = arith.constant 163840 : i32
    %add3A_83 = arith.addi %add3A_82, %mul3A_2 : i32
    %dma_start3A_84 = arith.constant 5120 : i32
    %dma_start3A_85 = tpu.memref_slice %arg5[%dma_start3A_84] : memref<13312xi32, #tpu.memory_space<vmem>> -> memref<512xi32, #tpu.memory_space<vmem>>
    %dma_start3A_86 = tpu.memref_slice %arg2[%add3A_83] : memref<425984xi32, #tpu.memory_space<hbm>> -> memref<512xi32, #tpu.memory_space<hbm>>
    %dma_start3A_87 = arith.constant 5120 : i32
    %dma_start3A_88 = tpu.memref_slice %arg5[%dma_start3A_87] : memref<13312xi32, #tpu.memory_space<vmem>> -> memref<512xi32, #tpu.memory_space<vmem>>
    %dma_start3A_89 = tpu.memref_slice %arg2[%add3A_83] : memref<425984xi32, #tpu.memory_space<hbm>> -> memref<512xi32, #tpu.memory_space<hbm>>
    tpu.enqueue_dma source(%dma_start3A_89 : memref<512xi32, #tpu.memory_space<hbm>>) target(%dma_start3A_88 : memref<512xi32, #tpu.memory_space<vmem>>) target_semaphore(%arg15 : memref<!tpu.dma_semaphore, #tpu.memory_space<semaphore_mem>>)
    %add3A_90 = arith.constant 180224 : i32
    %add3A_91 = arith.addi %add3A_90, %mul3A_2 : i32
    %dma_start3A_92 = arith.constant 5632 : i32
    %dma_start3A_93 = tpu.memref_slice %arg5[%dma_start3A_92] : memref<13312xi32, #tpu.memory_space<vmem>> -> memref<512xi32, #tpu.memory_space<vmem>>
    %dma_start3A_94 = tpu.memref_slice %arg2[%add3A_91] : memref<425984xi32, #tpu.memory_space<hbm>> -> memref<512xi32, #tpu.memory_space<hbm>>
    %dma_start3A_95 = arith.constant 5632 : i32
    %dma_start3A_96 = tpu.memref_slice %arg5[%dma_start3A_95] : memref<13312xi32, #tpu.memory_space<vmem>> -> memref<512xi32, #tpu.memory_space<vmem>>
    %dma_start3A_97 = tpu.memref_slice %arg2[%add3A_91] : memref<425984xi32, #tpu.memory_space<hbm>> -> memref<512xi32, #tpu.memory_space<hbm>>
    tpu.enqueue_dma source(%dma_start3A_97 : memref<512xi32, #tpu.memory_space<hbm>>) target(%dma_start3A_96 : memref<512xi32, #tpu.memory_space<vmem>>) target_semaphore(%arg15 : memref<!tpu.dma_semaphore, #tpu.memory_space<semaphore_mem>>)
    %add3A_98 = arith.constant 196608 : i32
    %add3A_99 = arith.addi %add3A_98, %mul3A_2 : i32
    %dma_start3A_100 = arith.constant 6144 : i32
    %dma_start3A_101 = tpu.memref_slice %arg5[%dma_start3A_100] : memref<13312xi32, #tpu.memory_space<vmem>> -> memref<512xi32, #tpu.memory_space<vmem>>
    %dma_start3A_102 = tpu.memref_slice %arg2[%add3A_99] : memref<425984xi32, #tpu.memory_space<hbm>> -> memref<512xi32, #tpu.memory_space<hbm>>
    %dma_start3A_103 = arith.constant 6144 : i32
    %dma_start3A_104 = tpu.memref_slice %arg5[%dma_start3A_103] : memref<13312xi32, #tpu.memory_space<vmem>> -> memref<512xi32, #tpu.memory_space<vmem>>
    %dma_start3A_105 = tpu.memref_slice %arg2[%add3A_99] : memref<425984xi32, #tpu.memory_space<hbm>> -> memref<512xi32, #tpu.memory_space<hbm>>
    tpu.enqueue_dma source(%dma_start3A_105 : memref<512xi32, #tpu.memory_space<hbm>>) target(%dma_start3A_104 : memref<512xi32, #tpu.memory_space<vmem>>) target_semaphore(%arg15 : memref<!tpu.dma_semaphore, #tpu.memory_space<semaphore_mem>>)
    %add3A_106 = arith.constant 212992 : i32
    %add3A_107 = arith.addi %add3A_106, %mul3A_2 : i32
    %dma_start3A_108 = arith.constant 6656 : i32
    %dma_start3A_109 = tpu.memref_slice %arg5[%dma_start3A_108] : memref<13312xi32, #tpu.memory_space<vmem>> -> memref<512xi32, #tpu.memory_space<vmem>>
    %dma_start3A_110 = tpu.memref_slice %arg2[%add3A_107] : memref<425984xi32, #tpu.memory_space<hbm>> -> memref<512xi32, #tpu.memory_space<hbm>>
    %dma_start3A_111 = arith.constant 6656 : i32
    %dma_start3A_112 = tpu.memref_slice %arg5[%dma_start3A_111] : memref<13312xi32, #tpu.memory_space<vmem>> -> memref<512xi32, #tpu.memory_space<vmem>>
    %dma_start3A_113 = tpu.memref_slice %arg2[%add3A_107] : memref<425984xi32, #tpu.memory_space<hbm>> -> memref<512xi32, #tpu.memory_space<hbm>>
    tpu.enqueue_dma source(%dma_start3A_113 : memref<512xi32, #tpu.memory_space<hbm>>) target(%dma_start3A_112 : memref<512xi32, #tpu.memory_space<vmem>>) target_semaphore(%arg15 : memref<!tpu.dma_semaphore, #tpu.memory_space<semaphore_mem>>)
    %add3A_114 = arith.constant 229376 : i32
    %add3A_115 = arith.addi %add3A_114, %mul3A_2 : i32
    %dma_start3A_116 = arith.constant 7168 : i32
    %dma_start3A_117 = tpu.memref_slice %arg5[%dma_start3A_116] : memref<13312xi32, #tpu.memory_space<vmem>> -> memref<512xi32, #tpu.memory_space<vmem>>
    %dma_start3A_118 = tpu.memref_slice %arg2[%add3A_115] : memref<425984xi32, #tpu.memory_space<hbm>> -> memref<512xi32, #tpu.memory_space<hbm>>
    %dma_start3A_119 = arith.constant 7168 : i32
    %dma_start3A_120 = tpu.memref_slice %arg5[%dma_start3A_119] : memref<13312xi32, #tpu.memory_space<vmem>> -> memref<512xi32, #tpu.memory_space<vmem>>
    %dma_start3A_121 = tpu.memref_slice %arg2[%add3A_115] : memref<425984xi32, #tpu.memory_space<hbm>> -> memref<512xi32, #tpu.memory_space<hbm>>
    tpu.enqueue_dma source(%dma_start3A_121 : memref<512xi32, #tpu.memory_space<hbm>>) target(%dma_start3A_120 : memref<512xi32, #tpu.memory_space<vmem>>) target_semaphore(%arg15 : memref<!tpu.dma_semaphore, #tpu.memory_space<semaphore_mem>>)
    %add3A_122 = arith.constant 245760 : i32
    %add3A_123 = arith.addi %add3A_122, %mul3A_2 : i32
    %dma_start3A_124 = arith.constant 7680 : i32
    %dma_start3A_125 = tpu.memref_slice %arg5[%dma_start3A_124] : memref<13312xi32, #tpu.memory_space<vmem>> -> memref<512xi32, #tpu.memory_space<vmem>>
    %dma_start3A_126 = tpu.memref_slice %arg2[%add3A_123] : memref<425984xi32, #tpu.memory_space<hbm>> -> memref<512xi32, #tpu.memory_space<hbm>>
    %dma_start3A_127 = arith.constant 7680 : i32
    %dma_start3A_128 = tpu.memref_slice %arg5[%dma_start3A_127] : memref<13312xi32, #tpu.memory_space<vmem>> -> memref<512xi32, #tpu.memory_space<vmem>>
    %dma_start3A_129 = tpu.memref_slice %arg2[%add3A_123] : memref<425984xi32, #tpu.memory_space<hbm>> -> memref<512xi32, #tpu.memory_space<hbm>>
    tpu.enqueue_dma source(%dma_start3A_129 : memref<512xi32, #tpu.memory_space<hbm>>) target(%dma_start3A_128 : memref<512xi32, #tpu.memory_space<vmem>>) target_semaphore(%arg15 : memref<!tpu.dma_semaphore, #tpu.memory_space<semaphore_mem>>)
    %add3A_130 = arith.constant 262144 : i32
    %add3A_131 = arith.addi %add3A_130, %mul3A_2 : i32
    %dma_start3A_132 = arith.constant 8192 : i32
    %dma_start3A_133 = tpu.memref_slice %arg5[%dma_start3A_132] : memref<13312xi32, #tpu.memory_space<vmem>> -> memref<512xi32, #tpu.memory_space<vmem>>
    %dma_start3A_134 = tpu.memref_slice %arg2[%add3A_131] : memref<425984xi32, #tpu.memory_space<hbm>> -> memref<512xi32, #tpu.memory_space<hbm>>
    %dma_start3A_135 = arith.constant 8192 : i32
    %dma_start3A_136 = tpu.memref_slice %arg5[%dma_start3A_135] : memref<13312xi32, #tpu.memory_space<vmem>> -> memref<512xi32, #tpu.memory_space<vmem>>
    %dma_start3A_137 = tpu.memref_slice %arg2[%add3A_131] : memref<425984xi32, #tpu.memory_space<hbm>> -> memref<512xi32, #tpu.memory_space<hbm>>
    tpu.enqueue_dma source(%dma_start3A_137 : memref<512xi32, #tpu.memory_space<hbm>>) target(%dma_start3A_136 : memref<512xi32, #tpu.memory_space<vmem>>) target_semaphore(%arg15 : memref<!tpu.dma_semaphore, #tpu.memory_space<semaphore_mem>>)
    %add3A_138 = arith.constant 278528 : i32
    %add3A_139 = arith.addi %add3A_138, %mul3A_2 : i32
    %dma_start3A_140 = arith.constant 8704 : i32
    %dma_start3A_141 = tpu.memref_slice %arg5[%dma_start3A_140] : memref<13312xi32, #tpu.memory_space<vmem>> -> memref<512xi32, #tpu.memory_space<vmem>>
    %dma_start3A_142 = tpu.memref_slice %arg2[%add3A_139] : memref<425984xi32, #tpu.memory_space<hbm>> -> memref<512xi32, #tpu.memory_space<hbm>>
    %dma_start3A_143 = arith.constant 8704 : i32
    %dma_start3A_144 = tpu.memref_slice %arg5[%dma_start3A_143] : memref<13312xi32, #tpu.memory_space<vmem>> -> memref<512xi32, #tpu.memory_space<vmem>>
    %dma_start3A_145 = tpu.memref_slice %arg2[%add3A_139] : memref<425984xi32, #tpu.memory_space<hbm>> -> memref<512xi32, #tpu.memory_space<hbm>>
    tpu.enqueue_dma source(%dma_start3A_145 : memref<512xi32, #tpu.memory_space<hbm>>) target(%dma_start3A_144 : memref<512xi32, #tpu.memory_space<vmem>>) target_semaphore(%arg15 : memref<!tpu.dma_semaphore, #tpu.memory_space<semaphore_mem>>)
    %add3A_146 = arith.constant 294912 : i32
    %add3A_147 = arith.addi %add3A_146, %mul3A_2 : i32
    %dma_start3A_148 = arith.constant 9216 : i32
    %dma_start3A_149 = tpu.memref_slice %arg5[%dma_start3A_148] : memref<13312xi32, #tpu.memory_space<vmem>> -> memref<512xi32, #tpu.memory_space<vmem>>
    %dma_start3A_150 = tpu.memref_slice %arg2[%add3A_147] : memref<425984xi32, #tpu.memory_space<hbm>> -> memref<512xi32, #tpu.memory_space<hbm>>
    %dma_start3A_151 = arith.constant 9216 : i32
    %dma_start3A_152 = tpu.memref_slice %arg5[%dma_start3A_151] : memref<13312xi32, #tpu.memory_space<vmem>> -> memref<512xi32, #tpu.memory_space<vmem>>
    %dma_start3A_153 = tpu.memref_slice %arg2[%add3A_147] : memref<425984xi32, #tpu.memory_space<hbm>> -> memref<512xi32, #tpu.memory_space<hbm>>
    tpu.enqueue_dma source(%dma_start3A_153 : memref<512xi32, #tpu.memory_space<hbm>>) target(%dma_start3A_152 : memref<512xi32, #tpu.memory_space<vmem>>) target_semaphore(%arg15 : memref<!tpu.dma_semaphore, #tpu.memory_space<semaphore_mem>>)
    %add3A_154 = arith.constant 311296 : i32
    %add3A_155 = arith.addi %add3A_154, %mul3A_2 : i32
    %dma_start3A_156 = arith.constant 9728 : i32
    %dma_start3A_157 = tpu.memref_slice %arg5[%dma_start3A_156] : memref<13312xi32, #tpu.memory_space<vmem>> -> memref<512xi32, #tpu.memory_space<vmem>>
    %dma_start3A_158 = tpu.memref_slice %arg2[%add3A_155] : memref<425984xi32, #tpu.memory_space<hbm>> -> memref<512xi32, #tpu.memory_space<hbm>>
    %dma_start3A_159 = arith.constant 9728 : i32
    %dma_start3A_160 = tpu.memref_slice %arg5[%dma_start3A_159] : memref<13312xi32, #tpu.memory_space<vmem>> -> memref<512xi32, #tpu.memory_space<vmem>>
    %dma_start3A_161 = tpu.memref_slice %arg2[%add3A_155] : memref<425984xi32, #tpu.memory_space<hbm>> -> memref<512xi32, #tpu.memory_space<hbm>>
    tpu.enqueue_dma source(%dma_start3A_161 : memref<512xi32, #tpu.memory_space<hbm>>) target(%dma_start3A_160 : memref<512xi32, #tpu.memory_space<vmem>>) target_semaphore(%arg15 : memref<!tpu.dma_semaphore, #tpu.memory_space<semaphore_mem>>)
    %add3A_162 = arith.constant 327680 : i32
    %add3A_163 = arith.addi %add3A_162, %mul3A_2 : i32
    %dma_start3A_164 = arith.constant 10240 : i32
    %dma_start3A_165 = tpu.memref_slice %arg5[%dma_start3A_164] : memref<13312xi32, #tpu.memory_space<vmem>> -> memref<512xi32, #tpu.memory_space<vmem>>
    %dma_start3A_166 = tpu.memref_slice %arg2[%add3A_163] : memref<425984xi32, #tpu.memory_space<hbm>> -> memref<512xi32, #tpu.memory_space<hbm>>
    %dma_start3A_167 = arith.constant 10240 : i32
    %dma_start3A_168 = tpu.memref_slice %arg5[%dma_start3A_167] : memref<13312xi32, #tpu.memory_space<vmem>> -> memref<512xi32, #tpu.memory_space<vmem>>
    %dma_start3A_169 = tpu.memref_slice %arg2[%add3A_163] : memref<425984xi32, #tpu.memory_space<hbm>> -> memref<512xi32, #tpu.memory_space<hbm>>
    tpu.enqueue_dma source(%dma_start3A_169 : memref<512xi32, #tpu.memory_space<hbm>>) target(%dma_start3A_168 : memref<512xi32, #tpu.memory_space<vmem>>) target_semaphore(%arg15 : memref<!tpu.dma_semaphore, #tpu.memory_space<semaphore_mem>>)
    %add3A_170 = arith.constant 344064 : i32
    %add3A_171 = arith.addi %add3A_170, %mul3A_2 : i32
    %dma_start3A_172 = arith.constant 10752 : i32
    %dma_start3A_173 = tpu.memref_slice %arg5[%dma_start3A_172] : memref<13312xi32, #tpu.memory_space<vmem>> -> memref<512xi32, #tpu.memory_space<vmem>>
    %dma_start3A_174 = tpu.memref_slice %arg2[%add3A_171] : memref<425984xi32, #tpu.memory_space<hbm>> -> memref<512xi32, #tpu.memory_space<hbm>>
    %dma_start3A_175 = arith.constant 10752 : i32
    %dma_start3A_176 = tpu.memref_slice %arg5[%dma_start3A_175] : memref<13312xi32, #tpu.memory_space<vmem>> -> memref<512xi32, #tpu.memory_space<vmem>>
    %dma_start3A_177 = tpu.memref_slice %arg2[%add3A_171] : memref<425984xi32, #tpu.memory_space<hbm>> -> memref<512xi32, #tpu.memory_space<hbm>>
    tpu.enqueue_dma source(%dma_start3A_177 : memref<512xi32, #tpu.memory_space<hbm>>) target(%dma_start3A_176 : memref<512xi32, #tpu.memory_space<vmem>>) target_semaphore(%arg15 : memref<!tpu.dma_semaphore, #tpu.memory_space<semaphore_mem>>)
    %add3A_178 = arith.constant 360448 : i32
    %add3A_179 = arith.addi %add3A_178, %mul3A_2 : i32
    %dma_start3A_180 = arith.constant 11264 : i32
    %dma_start3A_181 = tpu.memref_slice %arg5[%dma_start3A_180] : memref<13312xi32, #tpu.memory_space<vmem>> -> memref<512xi32, #tpu.memory_space<vmem>>
    %dma_start3A_182 = tpu.memref_slice %arg2[%add3A_179] : memref<425984xi32, #tpu.memory_space<hbm>> -> memref<512xi32, #tpu.memory_space<hbm>>
    %dma_start3A_183 = arith.constant 11264 : i32
    %dma_start3A_184 = tpu.memref_slice %arg5[%dma_start3A_183] : memref<13312xi32, #tpu.memory_space<vmem>> -> memref<512xi32, #tpu.memory_space<vmem>>
    %dma_start3A_185 = tpu.memref_slice %arg2[%add3A_179] : memref<425984xi32, #tpu.memory_space<hbm>> -> memref<512xi32, #tpu.memory_space<hbm>>
    tpu.enqueue_dma source(%dma_start3A_185 : memref<512xi32, #tpu.memory_space<hbm>>) target(%dma_start3A_184 : memref<512xi32, #tpu.memory_space<vmem>>) target_semaphore(%arg15 : memref<!tpu.dma_semaphore, #tpu.memory_space<semaphore_mem>>)
    %add3A_186 = arith.constant 376832 : i32
    %add3A_187 = arith.addi %add3A_186, %mul3A_2 : i32
    %dma_start3A_188 = arith.constant 11776 : i32
    %dma_start3A_189 = tpu.memref_slice %arg5[%dma_start3A_188] : memref<13312xi32, #tpu.memory_space<vmem>> -> memref<512xi32, #tpu.memory_space<vmem>>
    %dma_start3A_190 = tpu.memref_slice %arg2[%add3A_187] : memref<425984xi32, #tpu.memory_space<hbm>> -> memref<512xi32, #tpu.memory_space<hbm>>
    %dma_start3A_191 = arith.constant 11776 : i32
    %dma_start3A_192 = tpu.memref_slice %arg5[%dma_start3A_191] : memref<13312xi32, #tpu.memory_space<vmem>> -> memref<512xi32, #tpu.memory_space<vmem>>
    %dma_start3A_193 = tpu.memref_slice %arg2[%add3A_187] : memref<425984xi32, #tpu.memory_space<hbm>> -> memref<512xi32, #tpu.memory_space<hbm>>
    tpu.enqueue_dma source(%dma_start3A_193 : memref<512xi32, #tpu.memory_space<hbm>>) target(%dma_start3A_192 : memref<512xi32, #tpu.memory_space<vmem>>) target_semaphore(%arg15 : memref<!tpu.dma_semaphore, #tpu.memory_space<semaphore_mem>>)
    %add3A_194 = arith.constant 393216 : i32
    %add3A_195 = arith.addi %add3A_194, %mul3A_2 : i32
    %dma_start3A_196 = arith.constant 12288 : i32
    %dma_start3A_197 = tpu.memref_slice %arg5[%dma_start3A_196] : memref<13312xi32, #tpu.memory_space<vmem>> -> memref<512xi32, #tpu.memory_space<vmem>>
    %dma_start3A_198 = tpu.memref_slice %arg2[%add3A_195] : memref<425984xi32, #tpu.memory_space<hbm>> -> memref<512xi32, #tpu.memory_space<hbm>>
    %dma_start3A_199 = arith.constant 12288 : i32
    %dma_start3A_200 = tpu.memref_slice %arg5[%dma_start3A_199] : memref<13312xi32, #tpu.memory_space<vmem>> -> memref<512xi32, #tpu.memory_space<vmem>>
    %dma_start3A_201 = tpu.memref_slice %arg2[%add3A_195] : memref<425984xi32, #tpu.memory_space<hbm>> -> memref<512xi32, #tpu.memory_space<hbm>>
    tpu.enqueue_dma source(%dma_start3A_201 : memref<512xi32, #tpu.memory_space<hbm>>) target(%dma_start3A_200 : memref<512xi32, #tpu.memory_space<vmem>>) target_semaphore(%arg15 : memref<!tpu.dma_semaphore, #tpu.memory_space<semaphore_mem>>)
    %add3A_202 = arith.constant 409600 : i32
    %add3A_203 = arith.addi %add3A_202, %mul3A_2 : i32
    %dma_start3A_204 = arith.constant 12800 : i32
    %dma_start3A_205 = tpu.memref_slice %arg5[%dma_start3A_204] : memref<13312xi32, #tpu.memory_space<vmem>> -> memref<512xi32, #tpu.memory_space<vmem>>
    %dma_start3A_206 = tpu.memref_slice %arg2[%add3A_203] : memref<425984xi32, #tpu.memory_space<hbm>> -> memref<512xi32, #tpu.memory_space<hbm>>
    %dma_start3A_207 = arith.constant 12800 : i32
    %dma_start3A_208 = tpu.memref_slice %arg5[%dma_start3A_207] : memref<13312xi32, #tpu.memory_space<vmem>> -> memref<512xi32, #tpu.memory_space<vmem>>
    %dma_start3A_209 = tpu.memref_slice %arg2[%add3A_203] : memref<425984xi32, #tpu.memory_space<hbm>> -> memref<512xi32, #tpu.memory_space<hbm>>
    tpu.enqueue_dma source(%dma_start3A_209 : memref<512xi32, #tpu.memory_space<hbm>>) target(%dma_start3A_208 : memref<512xi32, #tpu.memory_space<vmem>>) target_semaphore(%arg15 : memref<!tpu.dma_semaphore, #tpu.memory_space<semaphore_mem>>)
    %add3A_210 = arith.constant 0 : i32
    %add3A_211 = arith.addi %add3A_210, %mul3A_2 : i32
    %dma_wait3A = arith.constant 0 : i32
    %dma_wait3A_212 = tpu.memref_slice %arg5[%dma_wait3A] : memref<13312xi32, #tpu.memory_space<vmem>> -> memref<512xi32, #tpu.memory_space<vmem>>
    %dma_wait3A_213 = tpu.memref_slice %arg2[%add3A_211] : memref<425984xi32, #tpu.memory_space<hbm>> -> memref<512xi32, #tpu.memory_space<hbm>>
    %dma_wait3A_214 = arith.constant 0 : i32
    %dma_wait3A_215 = tpu.memref_slice %arg5[%dma_wait3A_214] : memref<13312xi32, #tpu.memory_space<vmem>> -> memref<512xi32, #tpu.memory_space<vmem>>
    %dma_wait3A_216 = tpu.memref_slice %arg2[%add3A_211] : memref<425984xi32, #tpu.memory_space<hbm>> -> memref<512xi32, #tpu.memory_space<hbm>>
    tpu.wait_dma2 semaphore(%arg15 : memref<!tpu.dma_semaphore, #tpu.memory_space<semaphore_mem>>) src(%dma_wait3A_216 : memref<512xi32, #tpu.memory_space<hbm>>) dst(%dma_wait3A_215 : memref<512xi32, #tpu.memory_space<vmem>>)
    %add3A_217 = arith.constant 16384 : i32
    %add3A_218 = arith.addi %add3A_217, %mul3A_2 : i32
    %dma_wait3A_219 = arith.constant 512 : i32
    %dma_wait3A_220 = tpu.memref_slice %arg5[%dma_wait3A_219] : memref<13312xi32, #tpu.memory_space<vmem>> -> memref<512xi32, #tpu.memory_space<vmem>>
    %dma_wait3A_221 = tpu.memref_slice %arg2[%add3A_218] : memref<425984xi32, #tpu.memory_space<hbm>> -> memref<512xi32, #tpu.memory_space<hbm>>
    %dma_wait3A_222 = arith.constant 512 : i32
    %dma_wait3A_223 = tpu.memref_slice %arg5[%dma_wait3A_222] : memref<13312xi32, #tpu.memory_space<vmem>> -> memref<512xi32, #tpu.memory_space<vmem>>
    %dma_wait3A_224 = tpu.memref_slice %arg2[%add3A_218] : memref<425984xi32, #tpu.memory_space<hbm>> -> memref<512xi32, #tpu.memory_space<hbm>>
    tpu.wait_dma2 semaphore(%arg15 : memref<!tpu.dma_semaphore, #tpu.memory_space<semaphore_mem>>) src(%dma_wait3A_224 : memref<512xi32, #tpu.memory_space<hbm>>) dst(%dma_wait3A_223 : memref<512xi32, #tpu.memory_space<vmem>>)
    %add3A_225 = arith.constant 32768 : i32
    %add3A_226 = arith.addi %add3A_225, %mul3A_2 : i32
    %dma_wait3A_227 = arith.constant 1024 : i32
    %dma_wait3A_228 = tpu.memref_slice %arg5[%dma_wait3A_227] : memref<13312xi32, #tpu.memory_space<vmem>> -> memref<512xi32, #tpu.memory_space<vmem>>
    %dma_wait3A_229 = tpu.memref_slice %arg2[%add3A_226] : memref<425984xi32, #tpu.memory_space<hbm>> -> memref<512xi32, #tpu.memory_space<hbm>>
    %dma_wait3A_230 = arith.constant 1024 : i32
    %dma_wait3A_231 = tpu.memref_slice %arg5[%dma_wait3A_230] : memref<13312xi32, #tpu.memory_space<vmem>> -> memref<512xi32, #tpu.memory_space<vmem>>
    %dma_wait3A_232 = tpu.memref_slice %arg2[%add3A_226] : memref<425984xi32, #tpu.memory_space<hbm>> -> memref<512xi32, #tpu.memory_space<hbm>>
    tpu.wait_dma2 semaphore(%arg15 : memref<!tpu.dma_semaphore, #tpu.memory_space<semaphore_mem>>) src(%dma_wait3A_232 : memref<512xi32, #tpu.memory_space<hbm>>) dst(%dma_wait3A_231 : memref<512xi32, #tpu.memory_space<vmem>>)
    %add3A_233 = arith.constant 49152 : i32
    %add3A_234 = arith.addi %add3A_233, %mul3A_2 : i32
    %dma_wait3A_235 = arith.constant 1536 : i32
    %dma_wait3A_236 = tpu.memref_slice %arg5[%dma_wait3A_235] : memref<13312xi32, #tpu.memory_space<vmem>> -> memref<512xi32, #tpu.memory_space<vmem>>
    %dma_wait3A_237 = tpu.memref_slice %arg2[%add3A_234] : memref<425984xi32, #tpu.memory_space<hbm>> -> memref<512xi32, #tpu.memory_space<hbm>>
    %dma_wait3A_238 = arith.constant 1536 : i32
    %dma_wait3A_239 = tpu.memref_slice %arg5[%dma_wait3A_238] : memref<13312xi32, #tpu.memory_space<vmem>> -> memref<512xi32, #tpu.memory_space<vmem>>
    %dma_wait3A_240 = tpu.memref_slice %arg2[%add3A_234] : memref<425984xi32, #tpu.memory_space<hbm>> -> memref<512xi32, #tpu.memory_space<hbm>>
    tpu.wait_dma2 semaphore(%arg15 : memref<!tpu.dma_semaphore, #tpu.memory_space<semaphore_mem>>) src(%dma_wait3A_240 : memref<512xi32, #tpu.memory_space<hbm>>) dst(%dma_wait3A_239 : memref<512xi32, #tpu.memory_space<vmem>>)
    %add3A_241 = arith.constant 65536 : i32
    %add3A_242 = arith.addi %add3A_241, %mul3A_2 : i32
    %dma_wait3A_243 = arith.constant 2048 : i32
    %dma_wait3A_244 = tpu.memref_slice %arg5[%dma_wait3A_243] : memref<13312xi32, #tpu.memory_space<vmem>> -> memref<512xi32, #tpu.memory_space<vmem>>
    %dma_wait3A_245 = tpu.memref_slice %arg2[%add3A_242] : memref<425984xi32, #tpu.memory_space<hbm>> -> memref<512xi32, #tpu.memory_space<hbm>>
    %dma_wait3A_246 = arith.constant 2048 : i32
    %dma_wait3A_247 = tpu.memref_slice %arg5[%dma_wait3A_246] : memref<13312xi32, #tpu.memory_space<vmem>> -> memref<512xi32, #tpu.memory_space<vmem>>
    %dma_wait3A_248 = tpu.memref_slice %arg2[%add3A_242] : memref<425984xi32, #tpu.memory_space<hbm>> -> memref<512xi32, #tpu.memory_space<hbm>>
    tpu.wait_dma2 semaphore(%arg15 : memref<!tpu.dma_semaphore, #tpu.memory_space<semaphore_mem>>) src(%dma_wait3A_248 : memref<512xi32, #tpu.memory_space<hbm>>) dst(%dma_wait3A_247 : memref<512xi32, #tpu.memory_space<vmem>>)
    %add3A_249 = arith.constant 81920 : i32
    %add3A_250 = arith.addi %add3A_249, %mul3A_2 : i32
    %dma_wait3A_251 = arith.constant 2560 : i32
    %dma_wait3A_252 = tpu.memref_slice %arg5[%dma_wait3A_251] : memref<13312xi32, #tpu.memory_space<vmem>> -> memref<512xi32, #tpu.memory_space<vmem>>
    %dma_wait3A_253 = tpu.memref_slice %arg2[%add3A_250] : memref<425984xi32, #tpu.memory_space<hbm>> -> memref<512xi32, #tpu.memory_space<hbm>>
    %dma_wait3A_254 = arith.constant 2560 : i32
    %dma_wait3A_255 = tpu.memref_slice %arg5[%dma_wait3A_254] : memref<13312xi32, #tpu.memory_space<vmem>> -> memref<512xi32, #tpu.memory_space<vmem>>
    %dma_wait3A_256 = tpu.memref_slice %arg2[%add3A_250] : memref<425984xi32, #tpu.memory_space<hbm>> -> memref<512xi32, #tpu.memory_space<hbm>>
    tpu.wait_dma2 semaphore(%arg15 : memref<!tpu.dma_semaphore, #tpu.memory_space<semaphore_mem>>) src(%dma_wait3A_256 : memref<512xi32, #tpu.memory_space<hbm>>) dst(%dma_wait3A_255 : memref<512xi32, #tpu.memory_space<vmem>>)
    %add3A_257 = arith.constant 98304 : i32
    %add3A_258 = arith.addi %add3A_257, %mul3A_2 : i32
    %dma_wait3A_259 = arith.constant 3072 : i32
    %dma_wait3A_260 = tpu.memref_slice %arg5[%dma_wait3A_259] : memref<13312xi32, #tpu.memory_space<vmem>> -> memref<512xi32, #tpu.memory_space<vmem>>
    %dma_wait3A_261 = tpu.memref_slice %arg2[%add3A_258] : memref<425984xi32, #tpu.memory_space<hbm>> -> memref<512xi32, #tpu.memory_space<hbm>>
    %dma_wait3A_262 = arith.constant 3072 : i32
    %dma_wait3A_263 = tpu.memref_slice %arg5[%dma_wait3A_262] : memref<13312xi32, #tpu.memory_space<vmem>> -> memref<512xi32, #tpu.memory_space<vmem>>
    %dma_wait3A_264 = tpu.memref_slice %arg2[%add3A_258] : memref<425984xi32, #tpu.memory_space<hbm>> -> memref<512xi32, #tpu.memory_space<hbm>>
    tpu.wait_dma2 semaphore(%arg15 : memref<!tpu.dma_semaphore, #tpu.memory_space<semaphore_mem>>) src(%dma_wait3A_264 : memref<512xi32, #tpu.memory_space<hbm>>) dst(%dma_wait3A_263 : memref<512xi32, #tpu.memory_space<vmem>>)
    %add3A_265 = arith.constant 114688 : i32
    %add3A_266 = arith.addi %add3A_265, %mul3A_2 : i32
    %dma_wait3A_267 = arith.constant 3584 : i32
    %dma_wait3A_268 = tpu.memref_slice %arg5[%dma_wait3A_267] : memref<13312xi32, #tpu.memory_space<vmem>> -> memref<512xi32, #tpu.memory_space<vmem>>
    %dma_wait3A_269 = tpu.memref_slice %arg2[%add3A_266] : memref<425984xi32, #tpu.memory_space<hbm>> -> memref<512xi32, #tpu.memory_space<hbm>>
    %dma_wait3A_270 = arith.constant 3584 : i32
    %dma_wait3A_271 = tpu.memref_slice %arg5[%dma_wait3A_270] : memref<13312xi32, #tpu.memory_space<vmem>> -> memref<512xi32, #tpu.memory_space<vmem>>
    %dma_wait3A_272 = tpu.memref_slice %arg2[%add3A_266] : memref<425984xi32, #tpu.memory_space<hbm>> -> memref<512xi32, #tpu.memory_space<hbm>>
    tpu.wait_dma2 semaphore(%arg15 : memref<!tpu.dma_semaphore, #tpu.memory_space<semaphore_mem>>) src(%dma_wait3A_272 : memref<512xi32, #tpu.memory_space<hbm>>) dst(%dma_wait3A_271 : memref<512xi32, #tpu.memory_space<vmem>>)
    %add3A_273 = arith.constant 131072 : i32
    %add3A_274 = arith.addi %add3A_273, %mul3A_2 : i32
    %dma_wait3A_275 = arith.constant 4096 : i32
    %dma_wait3A_276 = tpu.memref_slice %arg5[%dma_wait3A_275] : memref<13312xi32, #tpu.memory_space<vmem>> -> memref<512xi32, #tpu.memory_space<vmem>>
    %dma_wait3A_277 = tpu.memref_slice %arg2[%add3A_274] : memref<425984xi32, #tpu.memory_space<hbm>> -> memref<512xi32, #tpu.memory_space<hbm>>
    %dma_wait3A_278 = arith.constant 4096 : i32
    %dma_wait3A_279 = tpu.memref_slice %arg5[%dma_wait3A_278] : memref<13312xi32, #tpu.memory_space<vmem>> -> memref<512xi32, #tpu.memory_space<vmem>>
    %dma_wait3A_280 = tpu.memref_slice %arg2[%add3A_274] : memref<425984xi32, #tpu.memory_space<hbm>> -> memref<512xi32, #tpu.memory_space<hbm>>
    tpu.wait_dma2 semaphore(%arg15 : memref<!tpu.dma_semaphore, #tpu.memory_space<semaphore_mem>>) src(%dma_wait3A_280 : memref<512xi32, #tpu.memory_space<hbm>>) dst(%dma_wait3A_279 : memref<512xi32, #tpu.memory_space<vmem>>)
    %add3A_281 = arith.constant 147456 : i32
    %add3A_282 = arith.addi %add3A_281, %mul3A_2 : i32
    %dma_wait3A_283 = arith.constant 4608 : i32
    %dma_wait3A_284 = tpu.memref_slice %arg5[%dma_wait3A_283] : memref<13312xi32, #tpu.memory_space<vmem>> -> memref<512xi32, #tpu.memory_space<vmem>>
    %dma_wait3A_285 = tpu.memref_slice %arg2[%add3A_282] : memref<425984xi32, #tpu.memory_space<hbm>> -> memref<512xi32, #tpu.memory_space<hbm>>
    %dma_wait3A_286 = arith.constant 4608 : i32
    %dma_wait3A_287 = tpu.memref_slice %arg5[%dma_wait3A_286] : memref<13312xi32, #tpu.memory_space<vmem>> -> memref<512xi32, #tpu.memory_space<vmem>>
    %dma_wait3A_288 = tpu.memref_slice %arg2[%add3A_282] : memref<425984xi32, #tpu.memory_space<hbm>> -> memref<512xi32, #tpu.memory_space<hbm>>
    tpu.wait_dma2 semaphore(%arg15 : memref<!tpu.dma_semaphore, #tpu.memory_space<semaphore_mem>>) src(%dma_wait3A_288 : memref<512xi32, #tpu.memory_space<hbm>>) dst(%dma_wait3A_287 : memref<512xi32, #tpu.memory_space<vmem>>)
    %add3A_289 = arith.constant 163840 : i32
    %add3A_290 = arith.addi %add3A_289, %mul3A_2 : i32
    %dma_wait3A_291 = arith.constant 5120 : i32
    %dma_wait3A_292 = tpu.memref_slice %arg5[%dma_wait3A_291] : memref<13312xi32, #tpu.memory_space<vmem>> -> memref<512xi32, #tpu.memory_space<vmem>>
    %dma_wait3A_293 = tpu.memref_slice %arg2[%add3A_290] : memref<425984xi32, #tpu.memory_space<hbm>> -> memref<512xi32, #tpu.memory_space<hbm>>
    %dma_wait3A_294 = arith.constant 5120 : i32
    %dma_wait3A_295 = tpu.memref_slice %arg5[%dma_wait3A_294] : memref<13312xi32, #tpu.memory_space<vmem>> -> memref<512xi32, #tpu.memory_space<vmem>>
    %dma_wait3A_296 = tpu.memref_slice %arg2[%add3A_290] : memref<425984xi32, #tpu.memory_space<hbm>> -> memref<512xi32, #tpu.memory_space<hbm>>
    tpu.wait_dma2 semaphore(%arg15 : memref<!tpu.dma_semaphore, #tpu.memory_space<semaphore_mem>>) src(%dma_wait3A_296 : memref<512xi32, #tpu.memory_space<hbm>>) dst(%dma_wait3A_295 : memref<512xi32, #tpu.memory_space<vmem>>)
    %add3A_297 = arith.constant 180224 : i32
    %add3A_298 = arith.addi %add3A_297, %mul3A_2 : i32
    %dma_wait3A_299 = arith.constant 5632 : i32
    %dma_wait3A_300 = tpu.memref_slice %arg5[%dma_wait3A_299] : memref<13312xi32, #tpu.memory_space<vmem>> -> memref<512xi32, #tpu.memory_space<vmem>>
    %dma_wait3A_301 = tpu.memref_slice %arg2[%add3A_298] : memref<425984xi32, #tpu.memory_space<hbm>> -> memref<512xi32, #tpu.memory_space<hbm>>
    %dma_wait3A_302 = arith.constant 5632 : i32
    %dma_wait3A_303 = tpu.memref_slice %arg5[%dma_wait3A_302] : memref<13312xi32, #tpu.memory_space<vmem>> -> memref<512xi32, #tpu.memory_space<vmem>>
    %dma_wait3A_304 = tpu.memref_slice %arg2[%add3A_298] : memref<425984xi32, #tpu.memory_space<hbm>> -> memref<512xi32, #tpu.memory_space<hbm>>
    tpu.wait_dma2 semaphore(%arg15 : memref<!tpu.dma_semaphore, #tpu.memory_space<semaphore_mem>>) src(%dma_wait3A_304 : memref<512xi32, #tpu.memory_space<hbm>>) dst(%dma_wait3A_303 : memref<512xi32, #tpu.memory_space<vmem>>)
    %add3A_305 = arith.constant 196608 : i32
    %add3A_306 = arith.addi %add3A_305, %mul3A_2 : i32
    %dma_wait3A_307 = arith.constant 6144 : i32
    %dma_wait3A_308 = tpu.memref_slice %arg5[%dma_wait3A_307] : memref<13312xi32, #tpu.memory_space<vmem>> -> memref<512xi32, #tpu.memory_space<vmem>>
    %dma_wait3A_309 = tpu.memref_slice %arg2[%add3A_306] : memref<425984xi32, #tpu.memory_space<hbm>> -> memref<512xi32, #tpu.memory_space<hbm>>
    %dma_wait3A_310 = arith.constant 6144 : i32
    %dma_wait3A_311 = tpu.memref_slice %arg5[%dma_wait3A_310] : memref<13312xi32, #tpu.memory_space<vmem>> -> memref<512xi32, #tpu.memory_space<vmem>>
    %dma_wait3A_312 = tpu.memref_slice %arg2[%add3A_306] : memref<425984xi32, #tpu.memory_space<hbm>> -> memref<512xi32, #tpu.memory_space<hbm>>
    tpu.wait_dma2 semaphore(%arg15 : memref<!tpu.dma_semaphore, #tpu.memory_space<semaphore_mem>>) src(%dma_wait3A_312 : memref<512xi32, #tpu.memory_space<hbm>>) dst(%dma_wait3A_311 : memref<512xi32, #tpu.memory_space<vmem>>)
    %add3A_313 = arith.constant 212992 : i32
    %add3A_314 = arith.addi %add3A_313, %mul3A_2 : i32
    %dma_wait3A_315 = arith.constant 6656 : i32
    %dma_wait3A_316 = tpu.memref_slice %arg5[%dma_wait3A_315] : memref<13312xi32, #tpu.memory_space<vmem>> -> memref<512xi32, #tpu.memory_space<vmem>>
    %dma_wait3A_317 = tpu.memref_slice %arg2[%add3A_314] : memref<425984xi32, #tpu.memory_space<hbm>> -> memref<512xi32, #tpu.memory_space<hbm>>
    %dma_wait3A_318 = arith.constant 6656 : i32
    %dma_wait3A_319 = tpu.memref_slice %arg5[%dma_wait3A_318] : memref<13312xi32, #tpu.memory_space<vmem>> -> memref<512xi32, #tpu.memory_space<vmem>>
    %dma_wait3A_320 = tpu.memref_slice %arg2[%add3A_314] : memref<425984xi32, #tpu.memory_space<hbm>> -> memref<512xi32, #tpu.memory_space<hbm>>
    tpu.wait_dma2 semaphore(%arg15 : memref<!tpu.dma_semaphore, #tpu.memory_space<semaphore_mem>>) src(%dma_wait3A_320 : memref<512xi32, #tpu.memory_space<hbm>>) dst(%dma_wait3A_319 : memref<512xi32, #tpu.memory_space<vmem>>)
    %add3A_321 = arith.constant 229376 : i32
    %add3A_322 = arith.addi %add3A_321, %mul3A_2 : i32
    %dma_wait3A_323 = arith.constant 7168 : i32
    %dma_wait3A_324 = tpu.memref_slice %arg5[%dma_wait3A_323] : memref<13312xi32, #tpu.memory_space<vmem>> -> memref<512xi32, #tpu.memory_space<vmem>>
    %dma_wait3A_325 = tpu.memref_slice %arg2[%add3A_322] : memref<425984xi32, #tpu.memory_space<hbm>> -> memref<512xi32, #tpu.memory_space<hbm>>
    %dma_wait3A_326 = arith.constant 7168 : i32
    %dma_wait3A_327 = tpu.memref_slice %arg5[%dma_wait3A_326] : memref<13312xi32, #tpu.memory_space<vmem>> -> memref<512xi32, #tpu.memory_space<vmem>>
    %dma_wait3A_328 = tpu.memref_slice %arg2[%add3A_322] : memref<425984xi32, #tpu.memory_space<hbm>> -> memref<512xi32, #tpu.memory_space<hbm>>
    tpu.wait_dma2 semaphore(%arg15 : memref<!tpu.dma_semaphore, #tpu.memory_space<semaphore_mem>>) src(%dma_wait3A_328 : memref<512xi32, #tpu.memory_space<hbm>>) dst(%dma_wait3A_327 : memref<512xi32, #tpu.memory_space<vmem>>)
    %add3A_329 = arith.constant 245760 : i32
    %add3A_330 = arith.addi %add3A_329, %mul3A_2 : i32
    %dma_wait3A_331 = arith.constant 7680 : i32
    %dma_wait3A_332 = tpu.memref_slice %arg5[%dma_wait3A_331] : memref<13312xi32, #tpu.memory_space<vmem>> -> memref<512xi32, #tpu.memory_space<vmem>>
    %dma_wait3A_333 = tpu.memref_slice %arg2[%add3A_330] : memref<425984xi32, #tpu.memory_space<hbm>> -> memref<512xi32, #tpu.memory_space<hbm>>
    %dma_wait3A_334 = arith.constant 7680 : i32
    %dma_wait3A_335 = tpu.memref_slice %arg5[%dma_wait3A_334] : memref<13312xi32, #tpu.memory_space<vmem>> -> memref<512xi32, #tpu.memory_space<vmem>>
    %dma_wait3A_336 = tpu.memref_slice %arg2[%add3A_330] : memref<425984xi32, #tpu.memory_space<hbm>> -> memref<512xi32, #tpu.memory_space<hbm>>
    tpu.wait_dma2 semaphore(%arg15 : memref<!tpu.dma_semaphore, #tpu.memory_space<semaphore_mem>>) src(%dma_wait3A_336 : memref<512xi32, #tpu.memory_space<hbm>>) dst(%dma_wait3A_335 : memref<512xi32, #tpu.memory_space<vmem>>)
    %add3A_337 = arith.constant 262144 : i32
    %add3A_338 = arith.addi %add3A_337, %mul3A_2 : i32
    %dma_wait3A_339 = arith.constant 8192 : i32
    %dma_wait3A_340 = tpu.memref_slice %arg5[%dma_wait3A_339] : memref<13312xi32, #tpu.memory_space<vmem>> -> memref<512xi32, #tpu.memory_space<vmem>>
    %dma_wait3A_341 = tpu.memref_slice %arg2[%add3A_338] : memref<425984xi32, #tpu.memory_space<hbm>> -> memref<512xi32, #tpu.memory_space<hbm>>
    %dma_wait3A_342 = arith.constant 8192 : i32
    %dma_wait3A_343 = tpu.memref_slice %arg5[%dma_wait3A_342] : memref<13312xi32, #tpu.memory_space<vmem>> -> memref<512xi32, #tpu.memory_space<vmem>>
    %dma_wait3A_344 = tpu.memref_slice %arg2[%add3A_338] : memref<425984xi32, #tpu.memory_space<hbm>> -> memref<512xi32, #tpu.memory_space<hbm>>
    tpu.wait_dma2 semaphore(%arg15 : memref<!tpu.dma_semaphore, #tpu.memory_space<semaphore_mem>>) src(%dma_wait3A_344 : memref<512xi32, #tpu.memory_space<hbm>>) dst(%dma_wait3A_343 : memref<512xi32, #tpu.memory_space<vmem>>)
    %add3A_345 = arith.constant 278528 : i32
    %add3A_346 = arith.addi %add3A_345, %mul3A_2 : i32
    %dma_wait3A_347 = arith.constant 8704 : i32
    %dma_wait3A_348 = tpu.memref_slice %arg5[%dma_wait3A_347] : memref<13312xi32, #tpu.memory_space<vmem>> -> memref<512xi32, #tpu.memory_space<vmem>>
    %dma_wait3A_349 = tpu.memref_slice %arg2[%add3A_346] : memref<425984xi32, #tpu.memory_space<hbm>> -> memref<512xi32, #tpu.memory_space<hbm>>
    %dma_wait3A_350 = arith.constant 8704 : i32
    %dma_wait3A_351 = tpu.memref_slice %arg5[%dma_wait3A_350] : memref<13312xi32, #tpu.memory_space<vmem>> -> memref<512xi32, #tpu.memory_space<vmem>>
    %dma_wait3A_352 = tpu.memref_slice %arg2[%add3A_346] : memref<425984xi32, #tpu.memory_space<hbm>> -> memref<512xi32, #tpu.memory_space<hbm>>
    tpu.wait_dma2 semaphore(%arg15 : memref<!tpu.dma_semaphore, #tpu.memory_space<semaphore_mem>>) src(%dma_wait3A_352 : memref<512xi32, #tpu.memory_space<hbm>>) dst(%dma_wait3A_351 : memref<512xi32, #tpu.memory_space<vmem>>)
    %add3A_353 = arith.constant 294912 : i32
    %add3A_354 = arith.addi %add3A_353, %mul3A_2 : i32
    %dma_wait3A_355 = arith.constant 9216 : i32
    %dma_wait3A_356 = tpu.memref_slice %arg5[%dma_wait3A_355] : memref<13312xi32, #tpu.memory_space<vmem>> -> memref<512xi32, #tpu.memory_space<vmem>>
    %dma_wait3A_357 = tpu.memref_slice %arg2[%add3A_354] : memref<425984xi32, #tpu.memory_space<hbm>> -> memref<512xi32, #tpu.memory_space<hbm>>
    %dma_wait3A_358 = arith.constant 9216 : i32
    %dma_wait3A_359 = tpu.memref_slice %arg5[%dma_wait3A_358] : memref<13312xi32, #tpu.memory_space<vmem>> -> memref<512xi32, #tpu.memory_space<vmem>>
    %dma_wait3A_360 = tpu.memref_slice %arg2[%add3A_354] : memref<425984xi32, #tpu.memory_space<hbm>> -> memref<512xi32, #tpu.memory_space<hbm>>
    tpu.wait_dma2 semaphore(%arg15 : memref<!tpu.dma_semaphore, #tpu.memory_space<semaphore_mem>>) src(%dma_wait3A_360 : memref<512xi32, #tpu.memory_space<hbm>>) dst(%dma_wait3A_359 : memref<512xi32, #tpu.memory_space<vmem>>)
    %add3A_361 = arith.constant 311296 : i32
    %add3A_362 = arith.addi %add3A_361, %mul3A_2 : i32
    %dma_wait3A_363 = arith.constant 9728 : i32
    %dma_wait3A_364 = tpu.memref_slice %arg5[%dma_wait3A_363] : memref<13312xi32, #tpu.memory_space<vmem>> -> memref<512xi32, #tpu.memory_space<vmem>>
    %dma_wait3A_365 = tpu.memref_slice %arg2[%add3A_362] : memref<425984xi32, #tpu.memory_space<hbm>> -> memref<512xi32, #tpu.memory_space<hbm>>
    %dma_wait3A_366 = arith.constant 9728 : i32
    %dma_wait3A_367 = tpu.memref_slice %arg5[%dma_wait3A_366] : memref<13312xi32, #tpu.memory_space<vmem>> -> memref<512xi32, #tpu.memory_space<vmem>>
    %dma_wait3A_368 = tpu.memref_slice %arg2[%add3A_362] : memref<425984xi32, #tpu.memory_space<hbm>> -> memref<512xi32, #tpu.memory_space<hbm>>
    tpu.wait_dma2 semaphore(%arg15 : memref<!tpu.dma_semaphore, #tpu.memory_space<semaphore_mem>>) src(%dma_wait3A_368 : memref<512xi32, #tpu.memory_space<hbm>>) dst(%dma_wait3A_367 : memref<512xi32, #tpu.memory_space<vmem>>)
    %add3A_369 = arith.constant 327680 : i32
    %add3A_370 = arith.addi %add3A_369, %mul3A_2 : i32
    %dma_wait3A_371 = arith.constant 10240 : i32
    %dma_wait3A_372 = tpu.memref_slice %arg5[%dma_wait3A_371] : memref<13312xi32, #tpu.memory_space<vmem>> -> memref<512xi32, #tpu.memory_space<vmem>>
    %dma_wait3A_373 = tpu.memref_slice %arg2[%add3A_370] : memref<425984xi32, #tpu.memory_space<hbm>> -> memref<512xi32, #tpu.memory_space<hbm>>
    %dma_wait3A_374 = arith.constant 10240 : i32
    %dma_wait3A_375 = tpu.memref_slice %arg5[%dma_wait3A_374] : memref<13312xi32, #tpu.memory_space<vmem>> -> memref<512xi32, #tpu.memory_space<vmem>>
    %dma_wait3A_376 = tpu.memref_slice %arg2[%add3A_370] : memref<425984xi32, #tpu.memory_space<hbm>> -> memref<512xi32, #tpu.memory_space<hbm>>
    tpu.wait_dma2 semaphore(%arg15 : memref<!tpu.dma_semaphore, #tpu.memory_space<semaphore_mem>>) src(%dma_wait3A_376 : memref<512xi32, #tpu.memory_space<hbm>>) dst(%dma_wait3A_375 : memref<512xi32, #tpu.memory_space<vmem>>)
    %add3A_377 = arith.constant 344064 : i32
    %add3A_378 = arith.addi %add3A_377, %mul3A_2 : i32
    %dma_wait3A_379 = arith.constant 10752 : i32
    %dma_wait3A_380 = tpu.memref_slice %arg5[%dma_wait3A_379] : memref<13312xi32, #tpu.memory_space<vmem>> -> memref<512xi32, #tpu.memory_space<vmem>>
    %dma_wait3A_381 = tpu.memref_slice %arg2[%add3A_378] : memref<425984xi32, #tpu.memory_space<hbm>> -> memref<512xi32, #tpu.memory_space<hbm>>
    %dma_wait3A_382 = arith.constant 10752 : i32
    %dma_wait3A_383 = tpu.memref_slice %arg5[%dma_wait3A_382] : memref<13312xi32, #tpu.memory_space<vmem>> -> memref<512xi32, #tpu.memory_space<vmem>>
    %dma_wait3A_384 = tpu.memref_slice %arg2[%add3A_378] : memref<425984xi32, #tpu.memory_space<hbm>> -> memref<512xi32, #tpu.memory_space<hbm>>
    tpu.wait_dma2 semaphore(%arg15 : memref<!tpu.dma_semaphore, #tpu.memory_space<semaphore_mem>>) src(%dma_wait3A_384 : memref<512xi32, #tpu.memory_space<hbm>>) dst(%dma_wait3A_383 : memref<512xi32, #tpu.memory_space<vmem>>)
    %add3A_385 = arith.constant 360448 : i32
    %add3A_386 = arith.addi %add3A_385, %mul3A_2 : i32
    %dma_wait3A_387 = arith.constant 11264 : i32
    %dma_wait3A_388 = tpu.memref_slice %arg5[%dma_wait3A_387] : memref<13312xi32, #tpu.memory_space<vmem>> -> memref<512xi32, #tpu.memory_space<vmem>>
    %dma_wait3A_389 = tpu.memref_slice %arg2[%add3A_386] : memref<425984xi32, #tpu.memory_space<hbm>> -> memref<512xi32, #tpu.memory_space<hbm>>
    %dma_wait3A_390 = arith.constant 11264 : i32
    %dma_wait3A_391 = tpu.memref_slice %arg5[%dma_wait3A_390] : memref<13312xi32, #tpu.memory_space<vmem>> -> memref<512xi32, #tpu.memory_space<vmem>>
    %dma_wait3A_392 = tpu.memref_slice %arg2[%add3A_386] : memref<425984xi32, #tpu.memory_space<hbm>> -> memref<512xi32, #tpu.memory_space<hbm>>
    tpu.wait_dma2 semaphore(%arg15 : memref<!tpu.dma_semaphore, #tpu.memory_space<semaphore_mem>>) src(%dma_wait3A_392 : memref<512xi32, #tpu.memory_space<hbm>>) dst(%dma_wait3A_391 : memref<512xi32, #tpu.memory_space<vmem>>)
    %add3A_393 = arith.constant 376832 : i32
    %add3A_394 = arith.addi %add3A_393, %mul3A_2 : i32
    %dma_wait3A_395 = arith.constant 11776 : i32
    %dma_wait3A_396 = tpu.memref_slice %arg5[%dma_wait3A_395] : memref<13312xi32, #tpu.memory_space<vmem>> -> memref<512xi32, #tpu.memory_space<vmem>>
    %dma_wait3A_397 = tpu.memref_slice %arg2[%add3A_394] : memref<425984xi32, #tpu.memory_space<hbm>> -> memref<512xi32, #tpu.memory_space<hbm>>
    %dma_wait3A_398 = arith.constant 11776 : i32
    %dma_wait3A_399 = tpu.memref_slice %arg5[%dma_wait3A_398] : memref<13312xi32, #tpu.memory_space<vmem>> -> memref<512xi32, #tpu.memory_space<vmem>>
    %dma_wait3A_400 = tpu.memref_slice %arg2[%add3A_394] : memref<425984xi32, #tpu.memory_space<hbm>> -> memref<512xi32, #tpu.memory_space<hbm>>
    tpu.wait_dma2 semaphore(%arg15 : memref<!tpu.dma_semaphore, #tpu.memory_space<semaphore_mem>>) src(%dma_wait3A_400 : memref<512xi32, #tpu.memory_space<hbm>>) dst(%dma_wait3A_399 : memref<512xi32, #tpu.memory_space<vmem>>)
    %add3A_401 = arith.constant 393216 : i32
    %add3A_402 = arith.addi %add3A_401, %mul3A_2 : i32
    %dma_wait3A_403 = arith.constant 12288 : i32
    %dma_wait3A_404 = tpu.memref_slice %arg5[%dma_wait3A_403] : memref<13312xi32, #tpu.memory_space<vmem>> -> memref<512xi32, #tpu.memory_space<vmem>>
    %dma_wait3A_405 = tpu.memref_slice %arg2[%add3A_402] : memref<425984xi32, #tpu.memory_space<hbm>> -> memref<512xi32, #tpu.memory_space<hbm>>
    %dma_wait3A_406 = arith.constant 12288 : i32
    %dma_wait3A_407 = tpu.memref_slice %arg5[%dma_wait3A_406] : memref<13312xi32, #tpu.memory_space<vmem>> -> memref<512xi32, #tpu.memory_space<vmem>>
    %dma_wait3A_408 = tpu.memref_slice %arg2[%add3A_402] : memref<425984xi32, #tpu.memory_space<hbm>> -> memref<512xi32, #tpu.memory_space<hbm>>
    tpu.wait_dma2 semaphore(%arg15 : memref<!tpu.dma_semaphore, #tpu.memory_space<semaphore_mem>>) src(%dma_wait3A_408 : memref<512xi32, #tpu.memory_space<hbm>>) dst(%dma_wait3A_407 : memref<512xi32, #tpu.memory_space<vmem>>)
    %add3A_409 = arith.constant 409600 : i32
    %add3A_410 = arith.addi %add3A_409, %mul3A_2 : i32
    %dma_wait3A_411 = arith.constant 12800 : i32
    %dma_wait3A_412 = tpu.memref_slice %arg5[%dma_wait3A_411] : memref<13312xi32, #tpu.memory_space<vmem>> -> memref<512xi32, #tpu.memory_space<vmem>>
    %dma_wait3A_413 = tpu.memref_slice %arg2[%add3A_410] : memref<425984xi32, #tpu.memory_space<hbm>> -> memref<512xi32, #tpu.memory_space<hbm>>
    %dma_wait3A_414 = arith.constant 12800 : i32
    %dma_wait3A_415 = tpu.memref_slice %arg5[%dma_wait3A_414] : memref<13312xi32, #tpu.memory_space<vmem>> -> memref<512xi32, #tpu.memory_space<vmem>>
    %dma_wait3A_416 = tpu.memref_slice %arg2[%add3A_410] : memref<425984xi32, #tpu.memory_space<hbm>> -> memref<512xi32, #tpu.memory_space<hbm>>
    tpu.wait_dma2 semaphore(%arg15 : memref<!tpu.dma_semaphore, #tpu.memory_space<semaphore_mem>>) src(%dma_wait3A_416 : memref<512xi32, #tpu.memory_space<hbm>>) dst(%dma_wait3A_415 : memref<512xi32, #tpu.memory_space<vmem>>)
    %dma_start3A_417 = arith.constant 0 : i32
    %dma_start3A_418 = tpu.memref_slice %arg5[%dma_start3A_417] : memref<13312xi32, #tpu.memory_space<vmem>> -> memref<512xi32, #tpu.memory_space<vmem>>
    %dma_start3A_419 = arith.constant 0 : i32
    %dma_start3A_420 = arith.constant 0 : i32
    %dma_start3A_421 = tpu.memref_slice %arg3[%dma_start3A_419, %dma_start3A_420] : memref<1000000x64xf32, #tpu.memory_space<hbm>> -> memref<1000000x64xf32, #tpu.memory_space<hbm>>
    tpu.enqueue_indirect_dma source(%dma_start3A_421 : memref<1000000x64xf32, #tpu.memory_space<hbm>>) target(%arg6 : memref<512x64xf32, #tpu.memory_space<vmem>>) offsets(%dma_start3A_418 : memref<512xi32, #tpu.memory_space<vmem>>) semaphore(%arg9 : memref<!tpu.dma_semaphore, #tpu.memory_space<semaphore_mem>>)
    %dma_start3A_422 = arith.constant 512 : i32
    %dma_start3A_423 = tpu.memref_slice %arg5[%dma_start3A_422] : memref<13312xi32, #tpu.memory_space<vmem>> -> memref<512xi32, #tpu.memory_space<vmem>>
    %dma_start3A_424 = arith.constant 0 : i32
    %dma_start3A_425 = arith.constant 0 : i32
    %dma_start3A_426 = tpu.memref_slice %arg3[%dma_start3A_424, %dma_start3A_425] : memref<1000000x64xf32, #tpu.memory_space<hbm>> -> memref<1000000x64xf32, #tpu.memory_space<hbm>>
    tpu.enqueue_indirect_dma source(%dma_start3A_426 : memref<1000000x64xf32, #tpu.memory_space<hbm>>) target(%arg7 : memref<512x64xf32, #tpu.memory_space<vmem>>) offsets(%dma_start3A_423 : memref<512xi32, #tpu.memory_space<vmem>>) semaphore(%arg10 : memref<!tpu.dma_semaphore, #tpu.memory_space<semaphore_mem>>)
    %dma_start3A_427 = arith.constant 1024 : i32
    %dma_start3A_428 = tpu.memref_slice %arg5[%dma_start3A_427] : memref<13312xi32, #tpu.memory_space<vmem>> -> memref<512xi32, #tpu.memory_space<vmem>>
    %dma_start3A_429 = arith.constant 0 : i32
    %dma_start3A_430 = arith.constant 0 : i32
    %dma_start3A_431 = tpu.memref_slice %arg3[%dma_start3A_429, %dma_start3A_430] : memref<1000000x64xf32, #tpu.memory_space<hbm>> -> memref<1000000x64xf32, #tpu.memory_space<hbm>>
    tpu.enqueue_indirect_dma source(%dma_start3A_431 : memref<1000000x64xf32, #tpu.memory_space<hbm>>) target(%arg8 : memref<512x64xf32, #tpu.memory_space<vmem>>) offsets(%dma_start3A_428 : memref<512xi32, #tpu.memory_space<vmem>>) semaphore(%arg11 : memref<!tpu.dma_semaphore, #tpu.memory_space<semaphore_mem>>)
    %dma_wait3A_432 = arith.constant 0 : i32
    %dma_wait3A_433 = tpu.memref_slice %arg5[%dma_wait3A_432] : memref<13312xi32, #tpu.memory_space<vmem>> -> memref<512xi32, #tpu.memory_space<vmem>>
    %dma_wait3A_434 = arith.constant 0 : i32
    %dma_wait3A_435 = arith.constant 0 : i32
    %dma_wait3A_436 = tpu.memref_slice %arg3[%dma_wait3A_434, %dma_wait3A_435] : memref<1000000x64xf32, #tpu.memory_space<hbm>> -> memref<1000000x64xf32, #tpu.memory_space<hbm>>
    tpu.wait_indirect_dma semaphore(%arg9 : memref<!tpu.dma_semaphore, #tpu.memory_space<semaphore_mem>>) src(%dma_wait3A_436 : memref<1000000x64xf32, #tpu.memory_space<hbm>>) dst(%arg6 : memref<512x64xf32, #tpu.memory_space<vmem>>)
    %add3A_437 = arith.constant 0 : i32
    %add3A_438 = arith.addi %add3A_437, %mul3A_2 : i32
    %dma_start3A_439 = arith.constant 0 : i32
    %dma_start3A_440 = tpu.memref_slice %arg4[%add3A_438, %dma_start3A_439] : memref<425984x64xf32, #tpu.memory_space<hbm>> -> memref<512x64xf32, #tpu.memory_space<hbm>>
    %dma_start3A_441 = arith.constant 0 : i32
    %dma_start3A_442 = tpu.memref_slice %arg4[%add3A_438, %dma_start3A_441] : memref<425984x64xf32, #tpu.memory_space<hbm>> -> memref<512x64xf32, #tpu.memory_space<hbm>>
    tpu.enqueue_dma source(%arg6 : memref<512x64xf32, #tpu.memory_space<vmem>>) target(%dma_start3A_442 : memref<512x64xf32, #tpu.memory_space<hbm>>) target_semaphore(%arg12 : memref<!tpu.dma_semaphore, #tpu.memory_space<semaphore_mem>>)
    %add3A_443 = arith.constant 0 : i32
    %add3A_444 = arith.addi %add3A_443, %mul3A_2 : i32
    %dma_wait3A_445 = arith.constant 0 : i32
    %dma_wait3A_446 = tpu.memref_slice %arg4[%add3A_444, %dma_wait3A_445] : memref<425984x64xf32, #tpu.memory_space<hbm>> -> memref<512x64xf32, #tpu.memory_space<hbm>>
    %dma_wait3A_447 = arith.constant 0 : i32
    %dma_wait3A_448 = tpu.memref_slice %arg4[%add3A_444, %dma_wait3A_447] : memref<425984x64xf32, #tpu.memory_space<hbm>> -> memref<512x64xf32, #tpu.memory_space<hbm>>
    tpu.wait_dma2 semaphore(%arg12 : memref<!tpu.dma_semaphore, #tpu.memory_space<semaphore_mem>>) src(%arg6 : memref<512x64xf32, #tpu.memory_space<vmem>>) dst(%dma_wait3A_448 : memref<512x64xf32, #tpu.memory_space<hbm>>)
    %dma_start3A_449 = arith.constant 1536 : i32
    %dma_start3A_450 = tpu.memref_slice %arg5[%dma_start3A_449] : memref<13312xi32, #tpu.memory_space<vmem>> -> memref<512xi32, #tpu.memory_space<vmem>>
    %dma_start3A_451 = arith.constant 0 : i32
    %dma_start3A_452 = arith.constant 0 : i32
    %dma_start3A_453 = tpu.memref_slice %arg3[%dma_start3A_451, %dma_start3A_452] : memref<1000000x64xf32, #tpu.memory_space<hbm>> -> memref<1000000x64xf32, #tpu.memory_space<hbm>>
    tpu.enqueue_indirect_dma source(%dma_start3A_453 : memref<1000000x64xf32, #tpu.memory_space<hbm>>) target(%arg6 : memref<512x64xf32, #tpu.memory_space<vmem>>) offsets(%dma_start3A_450 : memref<512xi32, #tpu.memory_space<vmem>>) semaphore(%arg9 : memref<!tpu.dma_semaphore, #tpu.memory_space<semaphore_mem>>)
    %dma_wait3A_454 = arith.constant 512 : i32
    %dma_wait3A_455 = tpu.memref_slice %arg5[%dma_wait3A_454] : memref<13312xi32, #tpu.memory_space<vmem>> -> memref<512xi32, #tpu.memory_space<vmem>>
    %dma_wait3A_456 = arith.constant 0 : i32
    %dma_wait3A_457 = arith.constant 0 : i32
    %dma_wait3A_458 = tpu.memref_slice %arg3[%dma_wait3A_456, %dma_wait3A_457] : memref<1000000x64xf32, #tpu.memory_space<hbm>> -> memref<1000000x64xf32, #tpu.memory_space<hbm>>
    tpu.wait_indirect_dma semaphore(%arg10 : memref<!tpu.dma_semaphore, #tpu.memory_space<semaphore_mem>>) src(%dma_wait3A_458 : memref<1000000x64xf32, #tpu.memory_space<hbm>>) dst(%arg7 : memref<512x64xf32, #tpu.memory_space<vmem>>)
    %add3A_459 = arith.constant 16384 : i32
    %add3A_460 = arith.addi %add3A_459, %mul3A_2 : i32
    %dma_start3A_461 = arith.constant 0 : i32
    %dma_start3A_462 = tpu.memref_slice %arg4[%add3A_460, %dma_start3A_461] : memref<425984x64xf32, #tpu.memory_space<hbm>> -> memref<512x64xf32, #tpu.memory_space<hbm>>
    %dma_start3A_463 = arith.constant 0 : i32
    %dma_start3A_464 = tpu.memref_slice %arg4[%add3A_460, %dma_start3A_463] : memref<425984x64xf32, #tpu.memory_space<hbm>> -> memref<512x64xf32, #tpu.memory_space<hbm>>
    tpu.enqueue_dma source(%arg7 : memref<512x64xf32, #tpu.memory_space<vmem>>) target(%dma_start3A_464 : memref<512x64xf32, #tpu.memory_space<hbm>>) target_semaphore(%arg13 : memref<!tpu.dma_semaphore, #tpu.memory_space<semaphore_mem>>)
    %add3A_465 = arith.constant 16384 : i32
    %add3A_466 = arith.addi %add3A_465, %mul3A_2 : i32
    %dma_wait3A_467 = arith.constant 0 : i32
    %dma_wait3A_468 = tpu.memref_slice %arg4[%add3A_466, %dma_wait3A_467] : memref<425984x64xf32, #tpu.memory_space<hbm>> -> memref<512x64xf32, #tpu.memory_space<hbm>>
    %dma_wait3A_469 = arith.constant 0 : i32
    %dma_wait3A_470 = tpu.memref_slice %arg4[%add3A_466, %dma_wait3A_469] : memref<425984x64xf32, #tpu.memory_space<hbm>> -> memref<512x64xf32, #tpu.memory_space<hbm>>
    tpu.wait_dma2 semaphore(%arg13 : memref<!tpu.dma_semaphore, #tpu.memory_space<semaphore_mem>>) src(%arg7 : memref<512x64xf32, #tpu.memory_space<vmem>>) dst(%dma_wait3A_470 : memref<512x64xf32, #tpu.memory_space<hbm>>)
    %dma_start3A_471 = arith.constant 2048 : i32
    %dma_start3A_472 = tpu.memref_slice %arg5[%dma_start3A_471] : memref<13312xi32, #tpu.memory_space<vmem>> -> memref<512xi32, #tpu.memory_space<vmem>>
    %dma_start3A_473 = arith.constant 0 : i32
    %dma_start3A_474 = arith.constant 0 : i32
    %dma_start3A_475 = tpu.memref_slice %arg3[%dma_start3A_473, %dma_start3A_474] : memref<1000000x64xf32, #tpu.memory_space<hbm>> -> memref<1000000x64xf32, #tpu.memory_space<hbm>>
    tpu.enqueue_indirect_dma source(%dma_start3A_475 : memref<1000000x64xf32, #tpu.memory_space<hbm>>) target(%arg7 : memref<512x64xf32, #tpu.memory_space<vmem>>) offsets(%dma_start3A_472 : memref<512xi32, #tpu.memory_space<vmem>>) semaphore(%arg10 : memref<!tpu.dma_semaphore, #tpu.memory_space<semaphore_mem>>)
    %dma_wait3A_476 = arith.constant 1024 : i32
    %dma_wait3A_477 = tpu.memref_slice %arg5[%dma_wait3A_476] : memref<13312xi32, #tpu.memory_space<vmem>> -> memref<512xi32, #tpu.memory_space<vmem>>
    %dma_wait3A_478 = arith.constant 0 : i32
    %dma_wait3A_479 = arith.constant 0 : i32
    %dma_wait3A_480 = tpu.memref_slice %arg3[%dma_wait3A_478, %dma_wait3A_479] : memref<1000000x64xf32, #tpu.memory_space<hbm>> -> memref<1000000x64xf32, #tpu.memory_space<hbm>>
    tpu.wait_indirect_dma semaphore(%arg11 : memref<!tpu.dma_semaphore, #tpu.memory_space<semaphore_mem>>) src(%dma_wait3A_480 : memref<1000000x64xf32, #tpu.memory_space<hbm>>) dst(%arg8 : memref<512x64xf32, #tpu.memory_space<vmem>>)
    %add3A_481 = arith.constant 32768 : i32
    %add3A_482 = arith.addi %add3A_481, %mul3A_2 : i32
    %dma_start3A_483 = arith.constant 0 : i32
    %dma_start3A_484 = tpu.memref_slice %arg4[%add3A_482, %dma_start3A_483] : memref<425984x64xf32, #tpu.memory_space<hbm>> -> memref<512x64xf32, #tpu.memory_space<hbm>>
    %dma_start3A_485 = arith.constant 0 : i32
    %dma_start3A_486 = tpu.memref_slice %arg4[%add3A_482, %dma_start3A_485] : memref<425984x64xf32, #tpu.memory_space<hbm>> -> memref<512x64xf32, #tpu.memory_space<hbm>>
    tpu.enqueue_dma source(%arg8 : memref<512x64xf32, #tpu.memory_space<vmem>>) target(%dma_start3A_486 : memref<512x64xf32, #tpu.memory_space<hbm>>) target_semaphore(%arg14 : memref<!tpu.dma_semaphore, #tpu.memory_space<semaphore_mem>>)
    %add3A_487 = arith.constant 32768 : i32
    %add3A_488 = arith.addi %add3A_487, %mul3A_2 : i32
    %dma_wait3A_489 = arith.constant 0 : i32
    %dma_wait3A_490 = tpu.memref_slice %arg4[%add3A_488, %dma_wait3A_489] : memref<425984x64xf32, #tpu.memory_space<hbm>> -> memref<512x64xf32, #tpu.memory_space<hbm>>
    %dma_wait3A_491 = arith.constant 0 : i32
    %dma_wait3A_492 = tpu.memref_slice %arg4[%add3A_488, %dma_wait3A_491] : memref<425984x64xf32, #tpu.memory_space<hbm>> -> memref<512x64xf32, #tpu.memory_space<hbm>>
    tpu.wait_dma2 semaphore(%arg14 : memref<!tpu.dma_semaphore, #tpu.memory_space<semaphore_mem>>) src(%arg8 : memref<512x64xf32, #tpu.memory_space<vmem>>) dst(%dma_wait3A_492 : memref<512x64xf32, #tpu.memory_space<hbm>>)
    %dma_start3A_493 = arith.constant 2560 : i32
    %dma_start3A_494 = tpu.memref_slice %arg5[%dma_start3A_493] : memref<13312xi32, #tpu.memory_space<vmem>> -> memref<512xi32, #tpu.memory_space<vmem>>
    %dma_start3A_495 = arith.constant 0 : i32
    %dma_start3A_496 = arith.constant 0 : i32
    %dma_start3A_497 = tpu.memref_slice %arg3[%dma_start3A_495, %dma_start3A_496] : memref<1000000x64xf32, #tpu.memory_space<hbm>> -> memref<1000000x64xf32, #tpu.memory_space<hbm>>
    tpu.enqueue_indirect_dma source(%dma_start3A_497 : memref<1000000x64xf32, #tpu.memory_space<hbm>>) target(%arg8 : memref<512x64xf32, #tpu.memory_space<vmem>>) offsets(%dma_start3A_494 : memref<512xi32, #tpu.memory_space<vmem>>) semaphore(%arg11 : memref<!tpu.dma_semaphore, #tpu.memory_space<semaphore_mem>>)
    %dma_wait3A_498 = arith.constant 1536 : i32
    %dma_wait3A_499 = tpu.memref_slice %arg5[%dma_wait3A_498] : memref<13312xi32, #tpu.memory_space<vmem>> -> memref<512xi32, #tpu.memory_space<vmem>>
    %dma_wait3A_500 = arith.constant 0 : i32
    %dma_wait3A_501 = arith.constant 0 : i32
    %dma_wait3A_502 = tpu.memref_slice %arg3[%dma_wait3A_500, %dma_wait3A_501] : memref<1000000x64xf32, #tpu.memory_space<hbm>> -> memref<1000000x64xf32, #tpu.memory_space<hbm>>
    tpu.wait_indirect_dma semaphore(%arg9 : memref<!tpu.dma_semaphore, #tpu.memory_space<semaphore_mem>>) src(%dma_wait3A_502 : memref<1000000x64xf32, #tpu.memory_space<hbm>>) dst(%arg6 : memref<512x64xf32, #tpu.memory_space<vmem>>)
    %add3A_503 = arith.constant 49152 : i32
    %add3A_504 = arith.addi %add3A_503, %mul3A_2 : i32
    %dma_start3A_505 = arith.constant 0 : i32
    %dma_start3A_506 = tpu.memref_slice %arg4[%add3A_504, %dma_start3A_505] : memref<425984x64xf32, #tpu.memory_space<hbm>> -> memref<512x64xf32, #tpu.memory_space<hbm>>
    %dma_start3A_507 = arith.constant 0 : i32
    %dma_start3A_508 = tpu.memref_slice %arg4[%add3A_504, %dma_start3A_507] : memref<425984x64xf32, #tpu.memory_space<hbm>> -> memref<512x64xf32, #tpu.memory_space<hbm>>
    tpu.enqueue_dma source(%arg6 : memref<512x64xf32, #tpu.memory_space<vmem>>) target(%dma_start3A_508 : memref<512x64xf32, #tpu.memory_space<hbm>>) target_semaphore(%arg12 : memref<!tpu.dma_semaphore, #tpu.memory_space<semaphore_mem>>)
    %add3A_509 = arith.constant 49152 : i32
    %add3A_510 = arith.addi %add3A_509, %mul3A_2 : i32
    %dma_wait3A_511 = arith.constant 0 : i32
    %dma_wait3A_512 = tpu.memref_slice %arg4[%add3A_510, %dma_wait3A_511] : memref<425984x64xf32, #tpu.memory_space<hbm>> -> memref<512x64xf32, #tpu.memory_space<hbm>>
    %dma_wait3A_513 = arith.constant 0 : i32
    %dma_wait3A_514 = tpu.memref_slice %arg4[%add3A_510, %dma_wait3A_513] : memref<425984x64xf32, #tpu.memory_space<hbm>> -> memref<512x64xf32, #tpu.memory_space<hbm>>
    tpu.wait_dma2 semaphore(%arg12 : memref<!tpu.dma_semaphore, #tpu.memory_space<semaphore_mem>>) src(%arg6 : memref<512x64xf32, #tpu.memory_space<vmem>>) dst(%dma_wait3A_514 : memref<512x64xf32, #tpu.memory_space<hbm>>)
    %dma_start3A_515 = arith.constant 3072 : i32
    %dma_start3A_516 = tpu.memref_slice %arg5[%dma_start3A_515] : memref<13312xi32, #tpu.memory_space<vmem>> -> memref<512xi32, #tpu.memory_space<vmem>>
    %dma_start3A_517 = arith.constant 0 : i32
    %dma_start3A_518 = arith.constant 0 : i32
    %dma_start3A_519 = tpu.memref_slice %arg3[%dma_start3A_517, %dma_start3A_518] : memref<1000000x64xf32, #tpu.memory_space<hbm>> -> memref<1000000x64xf32, #tpu.memory_space<hbm>>
    tpu.enqueue_indirect_dma source(%dma_start3A_519 : memref<1000000x64xf32, #tpu.memory_space<hbm>>) target(%arg6 : memref<512x64xf32, #tpu.memory_space<vmem>>) offsets(%dma_start3A_516 : memref<512xi32, #tpu.memory_space<vmem>>) semaphore(%arg9 : memref<!tpu.dma_semaphore, #tpu.memory_space<semaphore_mem>>)
    %dma_wait3A_520 = arith.constant 2048 : i32
    %dma_wait3A_521 = tpu.memref_slice %arg5[%dma_wait3A_520] : memref<13312xi32, #tpu.memory_space<vmem>> -> memref<512xi32, #tpu.memory_space<vmem>>
    %dma_wait3A_522 = arith.constant 0 : i32
    %dma_wait3A_523 = arith.constant 0 : i32
    %dma_wait3A_524 = tpu.memref_slice %arg3[%dma_wait3A_522, %dma_wait3A_523] : memref<1000000x64xf32, #tpu.memory_space<hbm>> -> memref<1000000x64xf32, #tpu.memory_space<hbm>>
    tpu.wait_indirect_dma semaphore(%arg10 : memref<!tpu.dma_semaphore, #tpu.memory_space<semaphore_mem>>) src(%dma_wait3A_524 : memref<1000000x64xf32, #tpu.memory_space<hbm>>) dst(%arg7 : memref<512x64xf32, #tpu.memory_space<vmem>>)
    %add3A_525 = arith.constant 65536 : i32
    %add3A_526 = arith.addi %add3A_525, %mul3A_2 : i32
    %dma_start3A_527 = arith.constant 0 : i32
    %dma_start3A_528 = tpu.memref_slice %arg4[%add3A_526, %dma_start3A_527] : memref<425984x64xf32, #tpu.memory_space<hbm>> -> memref<512x64xf32, #tpu.memory_space<hbm>>
    %dma_start3A_529 = arith.constant 0 : i32
    %dma_start3A_530 = tpu.memref_slice %arg4[%add3A_526, %dma_start3A_529] : memref<425984x64xf32, #tpu.memory_space<hbm>> -> memref<512x64xf32, #tpu.memory_space<hbm>>
    tpu.enqueue_dma source(%arg7 : memref<512x64xf32, #tpu.memory_space<vmem>>) target(%dma_start3A_530 : memref<512x64xf32, #tpu.memory_space<hbm>>) target_semaphore(%arg13 : memref<!tpu.dma_semaphore, #tpu.memory_space<semaphore_mem>>)
    %add3A_531 = arith.constant 65536 : i32
    %add3A_532 = arith.addi %add3A_531, %mul3A_2 : i32
    %dma_wait3A_533 = arith.constant 0 : i32
    %dma_wait3A_534 = tpu.memref_slice %arg4[%add3A_532, %dma_wait3A_533] : memref<425984x64xf32, #tpu.memory_space<hbm>> -> memref<512x64xf32, #tpu.memory_space<hbm>>
    %dma_wait3A_535 = arith.constant 0 : i32
    %dma_wait3A_536 = tpu.memref_slice %arg4[%add3A_532, %dma_wait3A_535] : memref<425984x64xf32, #tpu.memory_space<hbm>> -> memref<512x64xf32, #tpu.memory_space<hbm>>
    tpu.wait_dma2 semaphore(%arg13 : memref<!tpu.dma_semaphore, #tpu.memory_space<semaphore_mem>>) src(%arg7 : memref<512x64xf32, #tpu.memory_space<vmem>>) dst(%dma_wait3A_536 : memref<512x64xf32, #tpu.memory_space<hbm>>)
    %dma_start3A_537 = arith.constant 3584 : i32
    %dma_start3A_538 = tpu.memref_slice %arg5[%dma_start3A_537] : memref<13312xi32, #tpu.memory_space<vmem>> -> memref<512xi32, #tpu.memory_space<vmem>>
    %dma_start3A_539 = arith.constant 0 : i32
    %dma_start3A_540 = arith.constant 0 : i32
    %dma_start3A_541 = tpu.memref_slice %arg3[%dma_start3A_539, %dma_start3A_540] : memref<1000000x64xf32, #tpu.memory_space<hbm>> -> memref<1000000x64xf32, #tpu.memory_space<hbm>>
    tpu.enqueue_indirect_dma source(%dma_start3A_541 : memref<1000000x64xf32, #tpu.memory_space<hbm>>) target(%arg7 : memref<512x64xf32, #tpu.memory_space<vmem>>) offsets(%dma_start3A_538 : memref<512xi32, #tpu.memory_space<vmem>>) semaphore(%arg10 : memref<!tpu.dma_semaphore, #tpu.memory_space<semaphore_mem>>)
    %dma_wait3A_542 = arith.constant 2560 : i32
    %dma_wait3A_543 = tpu.memref_slice %arg5[%dma_wait3A_542] : memref<13312xi32, #tpu.memory_space<vmem>> -> memref<512xi32, #tpu.memory_space<vmem>>
    %dma_wait3A_544 = arith.constant 0 : i32
    %dma_wait3A_545 = arith.constant 0 : i32
    %dma_wait3A_546 = tpu.memref_slice %arg3[%dma_wait3A_544, %dma_wait3A_545] : memref<1000000x64xf32, #tpu.memory_space<hbm>> -> memref<1000000x64xf32, #tpu.memory_space<hbm>>
    tpu.wait_indirect_dma semaphore(%arg11 : memref<!tpu.dma_semaphore, #tpu.memory_space<semaphore_mem>>) src(%dma_wait3A_546 : memref<1000000x64xf32, #tpu.memory_space<hbm>>) dst(%arg8 : memref<512x64xf32, #tpu.memory_space<vmem>>)
    %add3A_547 = arith.constant 81920 : i32
    %add3A_548 = arith.addi %add3A_547, %mul3A_2 : i32
    %dma_start3A_549 = arith.constant 0 : i32
    %dma_start3A_550 = tpu.memref_slice %arg4[%add3A_548, %dma_start3A_549] : memref<425984x64xf32, #tpu.memory_space<hbm>> -> memref<512x64xf32, #tpu.memory_space<hbm>>
    %dma_start3A_551 = arith.constant 0 : i32
    %dma_start3A_552 = tpu.memref_slice %arg4[%add3A_548, %dma_start3A_551] : memref<425984x64xf32, #tpu.memory_space<hbm>> -> memref<512x64xf32, #tpu.memory_space<hbm>>
    tpu.enqueue_dma source(%arg8 : memref<512x64xf32, #tpu.memory_space<vmem>>) target(%dma_start3A_552 : memref<512x64xf32, #tpu.memory_space<hbm>>) target_semaphore(%arg14 : memref<!tpu.dma_semaphore, #tpu.memory_space<semaphore_mem>>)
    %add3A_553 = arith.constant 81920 : i32
    %add3A_554 = arith.addi %add3A_553, %mul3A_2 : i32
    %dma_wait3A_555 = arith.constant 0 : i32
    %dma_wait3A_556 = tpu.memref_slice %arg4[%add3A_554, %dma_wait3A_555] : memref<425984x64xf32, #tpu.memory_space<hbm>> -> memref<512x64xf32, #tpu.memory_space<hbm>>
    %dma_wait3A_557 = arith.constant 0 : i32
    %dma_wait3A_558 = tpu.memref_slice %arg4[%add3A_554, %dma_wait3A_557] : memref<425984x64xf32, #tpu.memory_space<hbm>> -> memref<512x64xf32, #tpu.memory_space<hbm>>
    tpu.wait_dma2 semaphore(%arg14 : memref<!tpu.dma_semaphore, #tpu.memory_space<semaphore_mem>>) src(%arg8 : memref<512x64xf32, #tpu.memory_space<vmem>>) dst(%dma_wait3A_558 : memref<512x64xf32, #tpu.memory_space<hbm>>)
    %dma_start3A_559 = arith.constant 4096 : i32
    %dma_start3A_560 = tpu.memref_slice %arg5[%dma_start3A_559] : memref<13312xi32, #tpu.memory_space<vmem>> -> memref<512xi32, #tpu.memory_space<vmem>>
    %dma_start3A_561 = arith.constant 0 : i32
    %dma_start3A_562 = arith.constant 0 : i32
    %dma_start3A_563 = tpu.memref_slice %arg3[%dma_start3A_561, %dma_start3A_562] : memref<1000000x64xf32, #tpu.memory_space<hbm>> -> memref<1000000x64xf32, #tpu.memory_space<hbm>>
    tpu.enqueue_indirect_dma source(%dma_start3A_563 : memref<1000000x64xf32, #tpu.memory_space<hbm>>) target(%arg8 : memref<512x64xf32, #tpu.memory_space<vmem>>) offsets(%dma_start3A_560 : memref<512xi32, #tpu.memory_space<vmem>>) semaphore(%arg11 : memref<!tpu.dma_semaphore, #tpu.memory_space<semaphore_mem>>)
    %dma_wait3A_564 = arith.constant 3072 : i32
    %dma_wait3A_565 = tpu.memref_slice %arg5[%dma_wait3A_564] : memref<13312xi32, #tpu.memory_space<vmem>> -> memref<512xi32, #tpu.memory_space<vmem>>
    %dma_wait3A_566 = arith.constant 0 : i32
    %dma_wait3A_567 = arith.constant 0 : i32
    %dma_wait3A_568 = tpu.memref_slice %arg3[%dma_wait3A_566, %dma_wait3A_567] : memref<1000000x64xf32, #tpu.memory_space<hbm>> -> memref<1000000x64xf32, #tpu.memory_space<hbm>>
    tpu.wait_indirect_dma semaphore(%arg9 : memref<!tpu.dma_semaphore, #tpu.memory_space<semaphore_mem>>) src(%dma_wait3A_568 : memref<1000000x64xf32, #tpu.memory_space<hbm>>) dst(%arg6 : memref<512x64xf32, #tpu.memory_space<vmem>>)
    %add3A_569 = arith.constant 98304 : i32
    %add3A_570 = arith.addi %add3A_569, %mul3A_2 : i32
    %dma_start3A_571 = arith.constant 0 : i32
    %dma_start3A_572 = tpu.memref_slice %arg4[%add3A_570, %dma_start3A_571] : memref<425984x64xf32, #tpu.memory_space<hbm>> -> memref<512x64xf32, #tpu.memory_space<hbm>>
    %dma_start3A_573 = arith.constant 0 : i32
    %dma_start3A_574 = tpu.memref_slice %arg4[%add3A_570, %dma_start3A_573] : memref<425984x64xf32, #tpu.memory_space<hbm>> -> memref<512x64xf32, #tpu.memory_space<hbm>>
    tpu.enqueue_dma source(%arg6 : memref<512x64xf32, #tpu.memory_space<vmem>>) target(%dma_start3A_574 : memref<512x64xf32, #tpu.memory_space<hbm>>) target_semaphore(%arg12 : memref<!tpu.dma_semaphore, #tpu.memory_space<semaphore_mem>>)
    %add3A_575 = arith.constant 98304 : i32
    %add3A_576 = arith.addi %add3A_575, %mul3A_2 : i32
    %dma_wait3A_577 = arith.constant 0 : i32
    %dma_wait3A_578 = tpu.memref_slice %arg4[%add3A_576, %dma_wait3A_577] : memref<425984x64xf32, #tpu.memory_space<hbm>> -> memref<512x64xf32, #tpu.memory_space<hbm>>
    %dma_wait3A_579 = arith.constant 0 : i32
    %dma_wait3A_580 = tpu.memref_slice %arg4[%add3A_576, %dma_wait3A_579] : memref<425984x64xf32, #tpu.memory_space<hbm>> -> memref<512x64xf32, #tpu.memory_space<hbm>>
    tpu.wait_dma2 semaphore(%arg12 : memref<!tpu.dma_semaphore, #tpu.memory_space<semaphore_mem>>) src(%arg6 : memref<512x64xf32, #tpu.memory_space<vmem>>) dst(%dma_wait3A_580 : memref<512x64xf32, #tpu.memory_space<hbm>>)
    %dma_start3A_581 = arith.constant 4608 : i32
    %dma_start3A_582 = tpu.memref_slice %arg5[%dma_start3A_581] : memref<13312xi32, #tpu.memory_space<vmem>> -> memref<512xi32, #tpu.memory_space<vmem>>
    %dma_start3A_583 = arith.constant 0 : i32
    %dma_start3A_584 = arith.constant 0 : i32
    %dma_start3A_585 = tpu.memref_slice %arg3[%dma_start3A_583, %dma_start3A_584] : memref<1000000x64xf32, #tpu.memory_space<hbm>> -> memref<1000000x64xf32, #tpu.memory_space<hbm>>
    tpu.enqueue_indirect_dma source(%dma_start3A_585 : memref<1000000x64xf32, #tpu.memory_space<hbm>>) target(%arg6 : memref<512x64xf32, #tpu.memory_space<vmem>>) offsets(%dma_start3A_582 : memref<512xi32, #tpu.memory_space<vmem>>) semaphore(%arg9 : memref<!tpu.dma_semaphore, #tpu.memory_space<semaphore_mem>>)
    %dma_wait3A_586 = arith.constant 3584 : i32
    %dma_wait3A_587 = tpu.memref_slice %arg5[%dma_wait3A_586] : memref<13312xi32, #tpu.memory_space<vmem>> -> memref<512xi32, #tpu.memory_space<vmem>>
    %dma_wait3A_588 = arith.constant 0 : i32
    %dma_wait3A_589 = arith.constant 0 : i32
    %dma_wait3A_590 = tpu.memref_slice %arg3[%dma_wait3A_588, %dma_wait3A_589] : memref<1000000x64xf32, #tpu.memory_space<hbm>> -> memref<1000000x64xf32, #tpu.memory_space<hbm>>
    tpu.wait_indirect_dma semaphore(%arg10 : memref<!tpu.dma_semaphore, #tpu.memory_space<semaphore_mem>>) src(%dma_wait3A_590 : memref<1000000x64xf32, #tpu.memory_space<hbm>>) dst(%arg7 : memref<512x64xf32, #tpu.memory_space<vmem>>)
    %add3A_591 = arith.constant 114688 : i32
    %add3A_592 = arith.addi %add3A_591, %mul3A_2 : i32
    %dma_start3A_593 = arith.constant 0 : i32
    %dma_start3A_594 = tpu.memref_slice %arg4[%add3A_592, %dma_start3A_593] : memref<425984x64xf32, #tpu.memory_space<hbm>> -> memref<512x64xf32, #tpu.memory_space<hbm>>
    %dma_start3A_595 = arith.constant 0 : i32
    %dma_start3A_596 = tpu.memref_slice %arg4[%add3A_592, %dma_start3A_595] : memref<425984x64xf32, #tpu.memory_space<hbm>> -> memref<512x64xf32, #tpu.memory_space<hbm>>
    tpu.enqueue_dma source(%arg7 : memref<512x64xf32, #tpu.memory_space<vmem>>) target(%dma_start3A_596 : memref<512x64xf32, #tpu.memory_space<hbm>>) target_semaphore(%arg13 : memref<!tpu.dma_semaphore, #tpu.memory_space<semaphore_mem>>)
    %add3A_597 = arith.constant 114688 : i32
    %add3A_598 = arith.addi %add3A_597, %mul3A_2 : i32
    %dma_wait3A_599 = arith.constant 0 : i32
    %dma_wait3A_600 = tpu.memref_slice %arg4[%add3A_598, %dma_wait3A_599] : memref<425984x64xf32, #tpu.memory_space<hbm>> -> memref<512x64xf32, #tpu.memory_space<hbm>>
    %dma_wait3A_601 = arith.constant 0 : i32
    %dma_wait3A_602 = tpu.memref_slice %arg4[%add3A_598, %dma_wait3A_601] : memref<425984x64xf32, #tpu.memory_space<hbm>> -> memref<512x64xf32, #tpu.memory_space<hbm>>
    tpu.wait_dma2 semaphore(%arg13 : memref<!tpu.dma_semaphore, #tpu.memory_space<semaphore_mem>>) src(%arg7 : memref<512x64xf32, #tpu.memory_space<vmem>>) dst(%dma_wait3A_602 : memref<512x64xf32, #tpu.memory_space<hbm>>)
    %dma_start3A_603 = arith.constant 5120 : i32
    %dma_start3A_604 = tpu.memref_slice %arg5[%dma_start3A_603] : memref<13312xi32, #tpu.memory_space<vmem>> -> memref<512xi32, #tpu.memory_space<vmem>>
    %dma_start3A_605 = arith.constant 0 : i32
    %dma_start3A_606 = arith.constant 0 : i32
    %dma_start3A_607 = tpu.memref_slice %arg3[%dma_start3A_605, %dma_start3A_606] : memref<1000000x64xf32, #tpu.memory_space<hbm>> -> memref<1000000x64xf32, #tpu.memory_space<hbm>>
    tpu.enqueue_indirect_dma source(%dma_start3A_607 : memref<1000000x64xf32, #tpu.memory_space<hbm>>) target(%arg7 : memref<512x64xf32, #tpu.memory_space<vmem>>) offsets(%dma_start3A_604 : memref<512xi32, #tpu.memory_space<vmem>>) semaphore(%arg10 : memref<!tpu.dma_semaphore, #tpu.memory_space<semaphore_mem>>)
    %dma_wait3A_608 = arith.constant 4096 : i32
    %dma_wait3A_609 = tpu.memref_slice %arg5[%dma_wait3A_608] : memref<13312xi32, #tpu.memory_space<vmem>> -> memref<512xi32, #tpu.memory_space<vmem>>
    %dma_wait3A_610 = arith.constant 0 : i32
    %dma_wait3A_611 = arith.constant 0 : i32
    %dma_wait3A_612 = tpu.memref_slice %arg3[%dma_wait3A_610, %dma_wait3A_611] : memref<1000000x64xf32, #tpu.memory_space<hbm>> -> memref<1000000x64xf32, #tpu.memory_space<hbm>>
    tpu.wait_indirect_dma semaphore(%arg11 : memref<!tpu.dma_semaphore, #tpu.memory_space<semaphore_mem>>) src(%dma_wait3A_612 : memref<1000000x64xf32, #tpu.memory_space<hbm>>) dst(%arg8 : memref<512x64xf32, #tpu.memory_space<vmem>>)
    %add3A_613 = arith.constant 131072 : i32
    %add3A_614 = arith.addi %add3A_613, %mul3A_2 : i32
    %dma_start3A_615 = arith.constant 0 : i32
    %dma_start3A_616 = tpu.memref_slice %arg4[%add3A_614, %dma_start3A_615] : memref<425984x64xf32, #tpu.memory_space<hbm>> -> memref<512x64xf32, #tpu.memory_space<hbm>>
    %dma_start3A_617 = arith.constant 0 : i32
    %dma_start3A_618 = tpu.memref_slice %arg4[%add3A_614, %dma_start3A_617] : memref<425984x64xf32, #tpu.memory_space<hbm>> -> memref<512x64xf32, #tpu.memory_space<hbm>>
    tpu.enqueue_dma source(%arg8 : memref<512x64xf32, #tpu.memory_space<vmem>>) target(%dma_start3A_618 : memref<512x64xf32, #tpu.memory_space<hbm>>) target_semaphore(%arg14 : memref<!tpu.dma_semaphore, #tpu.memory_space<semaphore_mem>>)
    %add3A_619 = arith.constant 131072 : i32
    %add3A_620 = arith.addi %add3A_619, %mul3A_2 : i32
    %dma_wait3A_621 = arith.constant 0 : i32
    %dma_wait3A_622 = tpu.memref_slice %arg4[%add3A_620, %dma_wait3A_621] : memref<425984x64xf32, #tpu.memory_space<hbm>> -> memref<512x64xf32, #tpu.memory_space<hbm>>
    %dma_wait3A_623 = arith.constant 0 : i32
    %dma_wait3A_624 = tpu.memref_slice %arg4[%add3A_620, %dma_wait3A_623] : memref<425984x64xf32, #tpu.memory_space<hbm>> -> memref<512x64xf32, #tpu.memory_space<hbm>>
    tpu.wait_dma2 semaphore(%arg14 : memref<!tpu.dma_semaphore, #tpu.memory_space<semaphore_mem>>) src(%arg8 : memref<512x64xf32, #tpu.memory_space<vmem>>) dst(%dma_wait3A_624 : memref<512x64xf32, #tpu.memory_space<hbm>>)
    %dma_start3A_625 = arith.constant 5632 : i32
    %dma_start3A_626 = tpu.memref_slice %arg5[%dma_start3A_625] : memref<13312xi32, #tpu.memory_space<vmem>> -> memref<512xi32, #tpu.memory_space<vmem>>
    %dma_start3A_627 = arith.constant 0 : i32
    %dma_start3A_628 = arith.constant 0 : i32
    %dma_start3A_629 = tpu.memref_slice %arg3[%dma_start3A_627, %dma_start3A_628] : memref<1000000x64xf32, #tpu.memory_space<hbm>> -> memref<1000000x64xf32, #tpu.memory_space<hbm>>
    tpu.enqueue_indirect_dma source(%dma_start3A_629 : memref<1000000x64xf32, #tpu.memory_space<hbm>>) target(%arg8 : memref<512x64xf32, #tpu.memory_space<vmem>>) offsets(%dma_start3A_626 : memref<512xi32, #tpu.memory_space<vmem>>) semaphore(%arg11 : memref<!tpu.dma_semaphore, #tpu.memory_space<semaphore_mem>>)
    %dma_wait3A_630 = arith.constant 4608 : i32
    %dma_wait3A_631 = tpu.memref_slice %arg5[%dma_wait3A_630] : memref<13312xi32, #tpu.memory_space<vmem>> -> memref<512xi32, #tpu.memory_space<vmem>>
    %dma_wait3A_632 = arith.constant 0 : i32
    %dma_wait3A_633 = arith.constant 0 : i32
    %dma_wait3A_634 = tpu.memref_slice %arg3[%dma_wait3A_632, %dma_wait3A_633] : memref<1000000x64xf32, #tpu.memory_space<hbm>> -> memref<1000000x64xf32, #tpu.memory_space<hbm>>
    tpu.wait_indirect_dma semaphore(%arg9 : memref<!tpu.dma_semaphore, #tpu.memory_space<semaphore_mem>>) src(%dma_wait3A_634 : memref<1000000x64xf32, #tpu.memory_space<hbm>>) dst(%arg6 : memref<512x64xf32, #tpu.memory_space<vmem>>)
    %add3A_635 = arith.constant 147456 : i32
    %add3A_636 = arith.addi %add3A_635, %mul3A_2 : i32
    %dma_start3A_637 = arith.constant 0 : i32
    %dma_start3A_638 = tpu.memref_slice %arg4[%add3A_636, %dma_start3A_637] : memref<425984x64xf32, #tpu.memory_space<hbm>> -> memref<512x64xf32, #tpu.memory_space<hbm>>
    %dma_start3A_639 = arith.constant 0 : i32
    %dma_start3A_640 = tpu.memref_slice %arg4[%add3A_636, %dma_start3A_639] : memref<425984x64xf32, #tpu.memory_space<hbm>> -> memref<512x64xf32, #tpu.memory_space<hbm>>
    tpu.enqueue_dma source(%arg6 : memref<512x64xf32, #tpu.memory_space<vmem>>) target(%dma_start3A_640 : memref<512x64xf32, #tpu.memory_space<hbm>>) target_semaphore(%arg12 : memref<!tpu.dma_semaphore, #tpu.memory_space<semaphore_mem>>)
    %add3A_641 = arith.constant 147456 : i32
    %add3A_642 = arith.addi %add3A_641, %mul3A_2 : i32
    %dma_wait3A_643 = arith.constant 0 : i32
    %dma_wait3A_644 = tpu.memref_slice %arg4[%add3A_642, %dma_wait3A_643] : memref<425984x64xf32, #tpu.memory_space<hbm>> -> memref<512x64xf32, #tpu.memory_space<hbm>>
    %dma_wait3A_645 = arith.constant 0 : i32
    %dma_wait3A_646 = tpu.memref_slice %arg4[%add3A_642, %dma_wait3A_645] : memref<425984x64xf32, #tpu.memory_space<hbm>> -> memref<512x64xf32, #tpu.memory_space<hbm>>
    tpu.wait_dma2 semaphore(%arg12 : memref<!tpu.dma_semaphore, #tpu.memory_space<semaphore_mem>>) src(%arg6 : memref<512x64xf32, #tpu.memory_space<vmem>>) dst(%dma_wait3A_646 : memref<512x64xf32, #tpu.memory_space<hbm>>)
    %dma_start3A_647 = arith.constant 6144 : i32
    %dma_start3A_648 = tpu.memref_slice %arg5[%dma_start3A_647] : memref<13312xi32, #tpu.memory_space<vmem>> -> memref<512xi32, #tpu.memory_space<vmem>>
    %dma_start3A_649 = arith.constant 0 : i32
    %dma_start3A_650 = arith.constant 0 : i32
    %dma_start3A_651 = tpu.memref_slice %arg3[%dma_start3A_649, %dma_start3A_650] : memref<1000000x64xf32, #tpu.memory_space<hbm>> -> memref<1000000x64xf32, #tpu.memory_space<hbm>>
    tpu.enqueue_indirect_dma source(%dma_start3A_651 : memref<1000000x64xf32, #tpu.memory_space<hbm>>) target(%arg6 : memref<512x64xf32, #tpu.memory_space<vmem>>) offsets(%dma_start3A_648 : memref<512xi32, #tpu.memory_space<vmem>>) semaphore(%arg9 : memref<!tpu.dma_semaphore, #tpu.memory_space<semaphore_mem>>)
    %dma_wait3A_652 = arith.constant 5120 : i32
    %dma_wait3A_653 = tpu.memref_slice %arg5[%dma_wait3A_652] : memref<13312xi32, #tpu.memory_space<vmem>> -> memref<512xi32, #tpu.memory_space<vmem>>
    %dma_wait3A_654 = arith.constant 0 : i32
    %dma_wait3A_655 = arith.constant 0 : i32
    %dma_wait3A_656 = tpu.memref_slice %arg3[%dma_wait3A_654, %dma_wait3A_655] : memref<1000000x64xf32, #tpu.memory_space<hbm>> -> memref<1000000x64xf32, #tpu.memory_space<hbm>>
    tpu.wait_indirect_dma semaphore(%arg10 : memref<!tpu.dma_semaphore, #tpu.memory_space<semaphore_mem>>) src(%dma_wait3A_656 : memref<1000000x64xf32, #tpu.memory_space<hbm>>) dst(%arg7 : memref<512x64xf32, #tpu.memory_space<vmem>>)
    %add3A_657 = arith.constant 163840 : i32
    %add3A_658 = arith.addi %add3A_657, %mul3A_2 : i32
    %dma_start3A_659 = arith.constant 0 : i32
    %dma_start3A_660 = tpu.memref_slice %arg4[%add3A_658, %dma_start3A_659] : memref<425984x64xf32, #tpu.memory_space<hbm>> -> memref<512x64xf32, #tpu.memory_space<hbm>>
    %dma_start3A_661 = arith.constant 0 : i32
    %dma_start3A_662 = tpu.memref_slice %arg4[%add3A_658, %dma_start3A_661] : memref<425984x64xf32, #tpu.memory_space<hbm>> -> memref<512x64xf32, #tpu.memory_space<hbm>>
    tpu.enqueue_dma source(%arg7 : memref<512x64xf32, #tpu.memory_space<vmem>>) target(%dma_start3A_662 : memref<512x64xf32, #tpu.memory_space<hbm>>) target_semaphore(%arg13 : memref<!tpu.dma_semaphore, #tpu.memory_space<semaphore_mem>>)
    %add3A_663 = arith.constant 163840 : i32
    %add3A_664 = arith.addi %add3A_663, %mul3A_2 : i32
    %dma_wait3A_665 = arith.constant 0 : i32
    %dma_wait3A_666 = tpu.memref_slice %arg4[%add3A_664, %dma_wait3A_665] : memref<425984x64xf32, #tpu.memory_space<hbm>> -> memref<512x64xf32, #tpu.memory_space<hbm>>
    %dma_wait3A_667 = arith.constant 0 : i32
    %dma_wait3A_668 = tpu.memref_slice %arg4[%add3A_664, %dma_wait3A_667] : memref<425984x64xf32, #tpu.memory_space<hbm>> -> memref<512x64xf32, #tpu.memory_space<hbm>>
    tpu.wait_dma2 semaphore(%arg13 : memref<!tpu.dma_semaphore, #tpu.memory_space<semaphore_mem>>) src(%arg7 : memref<512x64xf32, #tpu.memory_space<vmem>>) dst(%dma_wait3A_668 : memref<512x64xf32, #tpu.memory_space<hbm>>)
    %dma_start3A_669 = arith.constant 6656 : i32
    %dma_start3A_670 = tpu.memref_slice %arg5[%dma_start3A_669] : memref<13312xi32, #tpu.memory_space<vmem>> -> memref<512xi32, #tpu.memory_space<vmem>>
    %dma_start3A_671 = arith.constant 0 : i32
    %dma_start3A_672 = arith.constant 0 : i32
    %dma_start3A_673 = tpu.memref_slice %arg3[%dma_start3A_671, %dma_start3A_672] : memref<1000000x64xf32, #tpu.memory_space<hbm>> -> memref<1000000x64xf32, #tpu.memory_space<hbm>>
    tpu.enqueue_indirect_dma source(%dma_start3A_673 : memref<1000000x64xf32, #tpu.memory_space<hbm>>) target(%arg7 : memref<512x64xf32, #tpu.memory_space<vmem>>) offsets(%dma_start3A_670 : memref<512xi32, #tpu.memory_space<vmem>>) semaphore(%arg10 : memref<!tpu.dma_semaphore, #tpu.memory_space<semaphore_mem>>)
    %dma_wait3A_674 = arith.constant 5632 : i32
    %dma_wait3A_675 = tpu.memref_slice %arg5[%dma_wait3A_674] : memref<13312xi32, #tpu.memory_space<vmem>> -> memref<512xi32, #tpu.memory_space<vmem>>
    %dma_wait3A_676 = arith.constant 0 : i32
    %dma_wait3A_677 = arith.constant 0 : i32
    %dma_wait3A_678 = tpu.memref_slice %arg3[%dma_wait3A_676, %dma_wait3A_677] : memref<1000000x64xf32, #tpu.memory_space<hbm>> -> memref<1000000x64xf32, #tpu.memory_space<hbm>>
    tpu.wait_indirect_dma semaphore(%arg11 : memref<!tpu.dma_semaphore, #tpu.memory_space<semaphore_mem>>) src(%dma_wait3A_678 : memref<1000000x64xf32, #tpu.memory_space<hbm>>) dst(%arg8 : memref<512x64xf32, #tpu.memory_space<vmem>>)
    %add3A_679 = arith.constant 180224 : i32
    %add3A_680 = arith.addi %add3A_679, %mul3A_2 : i32
    %dma_start3A_681 = arith.constant 0 : i32
    %dma_start3A_682 = tpu.memref_slice %arg4[%add3A_680, %dma_start3A_681] : memref<425984x64xf32, #tpu.memory_space<hbm>> -> memref<512x64xf32, #tpu.memory_space<hbm>>
    %dma_start3A_683 = arith.constant 0 : i32
    %dma_start3A_684 = tpu.memref_slice %arg4[%add3A_680, %dma_start3A_683] : memref<425984x64xf32, #tpu.memory_space<hbm>> -> memref<512x64xf32, #tpu.memory_space<hbm>>
    tpu.enqueue_dma source(%arg8 : memref<512x64xf32, #tpu.memory_space<vmem>>) target(%dma_start3A_684 : memref<512x64xf32, #tpu.memory_space<hbm>>) target_semaphore(%arg14 : memref<!tpu.dma_semaphore, #tpu.memory_space<semaphore_mem>>)
    %add3A_685 = arith.constant 180224 : i32
    %add3A_686 = arith.addi %add3A_685, %mul3A_2 : i32
    %dma_wait3A_687 = arith.constant 0 : i32
    %dma_wait3A_688 = tpu.memref_slice %arg4[%add3A_686, %dma_wait3A_687] : memref<425984x64xf32, #tpu.memory_space<hbm>> -> memref<512x64xf32, #tpu.memory_space<hbm>>
    %dma_wait3A_689 = arith.constant 0 : i32
    %dma_wait3A_690 = tpu.memref_slice %arg4[%add3A_686, %dma_wait3A_689] : memref<425984x64xf32, #tpu.memory_space<hbm>> -> memref<512x64xf32, #tpu.memory_space<hbm>>
    tpu.wait_dma2 semaphore(%arg14 : memref<!tpu.dma_semaphore, #tpu.memory_space<semaphore_mem>>) src(%arg8 : memref<512x64xf32, #tpu.memory_space<vmem>>) dst(%dma_wait3A_690 : memref<512x64xf32, #tpu.memory_space<hbm>>)
    %dma_start3A_691 = arith.constant 7168 : i32
    %dma_start3A_692 = tpu.memref_slice %arg5[%dma_start3A_691] : memref<13312xi32, #tpu.memory_space<vmem>> -> memref<512xi32, #tpu.memory_space<vmem>>
    %dma_start3A_693 = arith.constant 0 : i32
    %dma_start3A_694 = arith.constant 0 : i32
    %dma_start3A_695 = tpu.memref_slice %arg3[%dma_start3A_693, %dma_start3A_694] : memref<1000000x64xf32, #tpu.memory_space<hbm>> -> memref<1000000x64xf32, #tpu.memory_space<hbm>>
    tpu.enqueue_indirect_dma source(%dma_start3A_695 : memref<1000000x64xf32, #tpu.memory_space<hbm>>) target(%arg8 : memref<512x64xf32, #tpu.memory_space<vmem>>) offsets(%dma_start3A_692 : memref<512xi32, #tpu.memory_space<vmem>>) semaphore(%arg11 : memref<!tpu.dma_semaphore, #tpu.memory_space<semaphore_mem>>)
    %dma_wait3A_696 = arith.constant 6144 : i32
    %dma_wait3A_697 = tpu.memref_slice %arg5[%dma_wait3A_696] : memref<13312xi32, #tpu.memory_space<vmem>> -> memref<512xi32, #tpu.memory_space<vmem>>
    %dma_wait3A_698 = arith.constant 0 : i32
    %dma_wait3A_699 = arith.constant 0 : i32
    %dma_wait3A_700 = tpu.memref_slice %arg3[%dma_wait3A_698, %dma_wait3A_699] : memref<1000000x64xf32, #tpu.memory_space<hbm>> -> memref<1000000x64xf32, #tpu.memory_space<hbm>>
    tpu.wait_indirect_dma semaphore(%arg9 : memref<!tpu.dma_semaphore, #tpu.memory_space<semaphore_mem>>) src(%dma_wait3A_700 : memref<1000000x64xf32, #tpu.memory_space<hbm>>) dst(%arg6 : memref<512x64xf32, #tpu.memory_space<vmem>>)
    %add3A_701 = arith.constant 196608 : i32
    %add3A_702 = arith.addi %add3A_701, %mul3A_2 : i32
    %dma_start3A_703 = arith.constant 0 : i32
    %dma_start3A_704 = tpu.memref_slice %arg4[%add3A_702, %dma_start3A_703] : memref<425984x64xf32, #tpu.memory_space<hbm>> -> memref<512x64xf32, #tpu.memory_space<hbm>>
    %dma_start3A_705 = arith.constant 0 : i32
    %dma_start3A_706 = tpu.memref_slice %arg4[%add3A_702, %dma_start3A_705] : memref<425984x64xf32, #tpu.memory_space<hbm>> -> memref<512x64xf32, #tpu.memory_space<hbm>>
    tpu.enqueue_dma source(%arg6 : memref<512x64xf32, #tpu.memory_space<vmem>>) target(%dma_start3A_706 : memref<512x64xf32, #tpu.memory_space<hbm>>) target_semaphore(%arg12 : memref<!tpu.dma_semaphore, #tpu.memory_space<semaphore_mem>>)
    %add3A_707 = arith.constant 196608 : i32
    %add3A_708 = arith.addi %add3A_707, %mul3A_2 : i32
    %dma_wait3A_709 = arith.constant 0 : i32
    %dma_wait3A_710 = tpu.memref_slice %arg4[%add3A_708, %dma_wait3A_709] : memref<425984x64xf32, #tpu.memory_space<hbm>> -> memref<512x64xf32, #tpu.memory_space<hbm>>
    %dma_wait3A_711 = arith.constant 0 : i32
    %dma_wait3A_712 = tpu.memref_slice %arg4[%add3A_708, %dma_wait3A_711] : memref<425984x64xf32, #tpu.memory_space<hbm>> -> memref<512x64xf32, #tpu.memory_space<hbm>>
    tpu.wait_dma2 semaphore(%arg12 : memref<!tpu.dma_semaphore, #tpu.memory_space<semaphore_mem>>) src(%arg6 : memref<512x64xf32, #tpu.memory_space<vmem>>) dst(%dma_wait3A_712 : memref<512x64xf32, #tpu.memory_space<hbm>>)
    %dma_start3A_713 = arith.constant 7680 : i32
    %dma_start3A_714 = tpu.memref_slice %arg5[%dma_start3A_713] : memref<13312xi32, #tpu.memory_space<vmem>> -> memref<512xi32, #tpu.memory_space<vmem>>
    %dma_start3A_715 = arith.constant 0 : i32
    %dma_start3A_716 = arith.constant 0 : i32
    %dma_start3A_717 = tpu.memref_slice %arg3[%dma_start3A_715, %dma_start3A_716] : memref<1000000x64xf32, #tpu.memory_space<hbm>> -> memref<1000000x64xf32, #tpu.memory_space<hbm>>
    tpu.enqueue_indirect_dma source(%dma_start3A_717 : memref<1000000x64xf32, #tpu.memory_space<hbm>>) target(%arg6 : memref<512x64xf32, #tpu.memory_space<vmem>>) offsets(%dma_start3A_714 : memref<512xi32, #tpu.memory_space<vmem>>) semaphore(%arg9 : memref<!tpu.dma_semaphore, #tpu.memory_space<semaphore_mem>>)
    %dma_wait3A_718 = arith.constant 6656 : i32
    %dma_wait3A_719 = tpu.memref_slice %arg5[%dma_wait3A_718] : memref<13312xi32, #tpu.memory_space<vmem>> -> memref<512xi32, #tpu.memory_space<vmem>>
    %dma_wait3A_720 = arith.constant 0 : i32
    %dma_wait3A_721 = arith.constant 0 : i32
    %dma_wait3A_722 = tpu.memref_slice %arg3[%dma_wait3A_720, %dma_wait3A_721] : memref<1000000x64xf32, #tpu.memory_space<hbm>> -> memref<1000000x64xf32, #tpu.memory_space<hbm>>
    tpu.wait_indirect_dma semaphore(%arg10 : memref<!tpu.dma_semaphore, #tpu.memory_space<semaphore_mem>>) src(%dma_wait3A_722 : memref<1000000x64xf32, #tpu.memory_space<hbm>>) dst(%arg7 : memref<512x64xf32, #tpu.memory_space<vmem>>)
    %add3A_723 = arith.constant 212992 : i32
    %add3A_724 = arith.addi %add3A_723, %mul3A_2 : i32
    %dma_start3A_725 = arith.constant 0 : i32
    %dma_start3A_726 = tpu.memref_slice %arg4[%add3A_724, %dma_start3A_725] : memref<425984x64xf32, #tpu.memory_space<hbm>> -> memref<512x64xf32, #tpu.memory_space<hbm>>
    %dma_start3A_727 = arith.constant 0 : i32
    %dma_start3A_728 = tpu.memref_slice %arg4[%add3A_724, %dma_start3A_727] : memref<425984x64xf32, #tpu.memory_space<hbm>> -> memref<512x64xf32, #tpu.memory_space<hbm>>
    tpu.enqueue_dma source(%arg7 : memref<512x64xf32, #tpu.memory_space<vmem>>) target(%dma_start3A_728 : memref<512x64xf32, #tpu.memory_space<hbm>>) target_semaphore(%arg13 : memref<!tpu.dma_semaphore, #tpu.memory_space<semaphore_mem>>)
    %add3A_729 = arith.constant 212992 : i32
    %add3A_730 = arith.addi %add3A_729, %mul3A_2 : i32
    %dma_wait3A_731 = arith.constant 0 : i32
    %dma_wait3A_732 = tpu.memref_slice %arg4[%add3A_730, %dma_wait3A_731] : memref<425984x64xf32, #tpu.memory_space<hbm>> -> memref<512x64xf32, #tpu.memory_space<hbm>>
    %dma_wait3A_733 = arith.constant 0 : i32
    %dma_wait3A_734 = tpu.memref_slice %arg4[%add3A_730, %dma_wait3A_733] : memref<425984x64xf32, #tpu.memory_space<hbm>> -> memref<512x64xf32, #tpu.memory_space<hbm>>
    tpu.wait_dma2 semaphore(%arg13 : memref<!tpu.dma_semaphore, #tpu.memory_space<semaphore_mem>>) src(%arg7 : memref<512x64xf32, #tpu.memory_space<vmem>>) dst(%dma_wait3A_734 : memref<512x64xf32, #tpu.memory_space<hbm>>)
    %dma_start3A_735 = arith.constant 8192 : i32
    %dma_start3A_736 = tpu.memref_slice %arg5[%dma_start3A_735] : memref<13312xi32, #tpu.memory_space<vmem>> -> memref<512xi32, #tpu.memory_space<vmem>>
    %dma_start3A_737 = arith.constant 0 : i32
    %dma_start3A_738 = arith.constant 0 : i32
    %dma_start3A_739 = tpu.memref_slice %arg3[%dma_start3A_737, %dma_start3A_738] : memref<1000000x64xf32, #tpu.memory_space<hbm>> -> memref<1000000x64xf32, #tpu.memory_space<hbm>>
    tpu.enqueue_indirect_dma source(%dma_start3A_739 : memref<1000000x64xf32, #tpu.memory_space<hbm>>) target(%arg7 : memref<512x64xf32, #tpu.memory_space<vmem>>) offsets(%dma_start3A_736 : memref<512xi32, #tpu.memory_space<vmem>>) semaphore(%arg10 : memref<!tpu.dma_semaphore, #tpu.memory_space<semaphore_mem>>)
    %dma_wait3A_740 = arith.constant 7168 : i32
    %dma_wait3A_741 = tpu.memref_slice %arg5[%dma_wait3A_740] : memref<13312xi32, #tpu.memory_space<vmem>> -> memref<512xi32, #tpu.memory_space<vmem>>
    %dma_wait3A_742 = arith.constant 0 : i32
    %dma_wait3A_743 = arith.constant 0 : i32
    %dma_wait3A_744 = tpu.memref_slice %arg3[%dma_wait3A_742, %dma_wait3A_743] : memref<1000000x64xf32, #tpu.memory_space<hbm>> -> memref<1000000x64xf32, #tpu.memory_space<hbm>>
    tpu.wait_indirect_dma semaphore(%arg11 : memref<!tpu.dma_semaphore, #tpu.memory_space<semaphore_mem>>) src(%dma_wait3A_744 : memref<1000000x64xf32, #tpu.memory_space<hbm>>) dst(%arg8 : memref<512x64xf32, #tpu.memory_space<vmem>>)
    %add3A_745 = arith.constant 229376 : i32
    %add3A_746 = arith.addi %add3A_745, %mul3A_2 : i32
    %dma_start3A_747 = arith.constant 0 : i32
    %dma_start3A_748 = tpu.memref_slice %arg4[%add3A_746, %dma_start3A_747] : memref<425984x64xf32, #tpu.memory_space<hbm>> -> memref<512x64xf32, #tpu.memory_space<hbm>>
    %dma_start3A_749 = arith.constant 0 : i32
    %dma_start3A_750 = tpu.memref_slice %arg4[%add3A_746, %dma_start3A_749] : memref<425984x64xf32, #tpu.memory_space<hbm>> -> memref<512x64xf32, #tpu.memory_space<hbm>>
    tpu.enqueue_dma source(%arg8 : memref<512x64xf32, #tpu.memory_space<vmem>>) target(%dma_start3A_750 : memref<512x64xf32, #tpu.memory_space<hbm>>) target_semaphore(%arg14 : memref<!tpu.dma_semaphore, #tpu.memory_space<semaphore_mem>>)
    %add3A_751 = arith.constant 229376 : i32
    %add3A_752 = arith.addi %add3A_751, %mul3A_2 : i32
    %dma_wait3A_753 = arith.constant 0 : i32
    %dma_wait3A_754 = tpu.memref_slice %arg4[%add3A_752, %dma_wait3A_753] : memref<425984x64xf32, #tpu.memory_space<hbm>> -> memref<512x64xf32, #tpu.memory_space<hbm>>
    %dma_wait3A_755 = arith.constant 0 : i32
    %dma_wait3A_756 = tpu.memref_slice %arg4[%add3A_752, %dma_wait3A_755] : memref<425984x64xf32, #tpu.memory_space<hbm>> -> memref<512x64xf32, #tpu.memory_space<hbm>>
    tpu.wait_dma2 semaphore(%arg14 : memref<!tpu.dma_semaphore, #tpu.memory_space<semaphore_mem>>) src(%arg8 : memref<512x64xf32, #tpu.memory_space<vmem>>) dst(%dma_wait3A_756 : memref<512x64xf32, #tpu.memory_space<hbm>>)
    %dma_start3A_757 = arith.constant 8704 : i32
    %dma_start3A_758 = tpu.memref_slice %arg5[%dma_start3A_757] : memref<13312xi32, #tpu.memory_space<vmem>> -> memref<512xi32, #tpu.memory_space<vmem>>
    %dma_start3A_759 = arith.constant 0 : i32
    %dma_start3A_760 = arith.constant 0 : i32
    %dma_start3A_761 = tpu.memref_slice %arg3[%dma_start3A_759, %dma_start3A_760] : memref<1000000x64xf32, #tpu.memory_space<hbm>> -> memref<1000000x64xf32, #tpu.memory_space<hbm>>
    tpu.enqueue_indirect_dma source(%dma_start3A_761 : memref<1000000x64xf32, #tpu.memory_space<hbm>>) target(%arg8 : memref<512x64xf32, #tpu.memory_space<vmem>>) offsets(%dma_start3A_758 : memref<512xi32, #tpu.memory_space<vmem>>) semaphore(%arg11 : memref<!tpu.dma_semaphore, #tpu.memory_space<semaphore_mem>>)
    %dma_wait3A_762 = arith.constant 7680 : i32
    %dma_wait3A_763 = tpu.memref_slice %arg5[%dma_wait3A_762] : memref<13312xi32, #tpu.memory_space<vmem>> -> memref<512xi32, #tpu.memory_space<vmem>>
    %dma_wait3A_764 = arith.constant 0 : i32
    %dma_wait3A_765 = arith.constant 0 : i32
    %dma_wait3A_766 = tpu.memref_slice %arg3[%dma_wait3A_764, %dma_wait3A_765] : memref<1000000x64xf32, #tpu.memory_space<hbm>> -> memref<1000000x64xf32, #tpu.memory_space<hbm>>
    tpu.wait_indirect_dma semaphore(%arg9 : memref<!tpu.dma_semaphore, #tpu.memory_space<semaphore_mem>>) src(%dma_wait3A_766 : memref<1000000x64xf32, #tpu.memory_space<hbm>>) dst(%arg6 : memref<512x64xf32, #tpu.memory_space<vmem>>)
    %add3A_767 = arith.constant 245760 : i32
    %add3A_768 = arith.addi %add3A_767, %mul3A_2 : i32
    %dma_start3A_769 = arith.constant 0 : i32
    %dma_start3A_770 = tpu.memref_slice %arg4[%add3A_768, %dma_start3A_769] : memref<425984x64xf32, #tpu.memory_space<hbm>> -> memref<512x64xf32, #tpu.memory_space<hbm>>
    %dma_start3A_771 = arith.constant 0 : i32
    %dma_start3A_772 = tpu.memref_slice %arg4[%add3A_768, %dma_start3A_771] : memref<425984x64xf32, #tpu.memory_space<hbm>> -> memref<512x64xf32, #tpu.memory_space<hbm>>
    tpu.enqueue_dma source(%arg6 : memref<512x64xf32, #tpu.memory_space<vmem>>) target(%dma_start3A_772 : memref<512x64xf32, #tpu.memory_space<hbm>>) target_semaphore(%arg12 : memref<!tpu.dma_semaphore, #tpu.memory_space<semaphore_mem>>)
    %add3A_773 = arith.constant 245760 : i32
    %add3A_774 = arith.addi %add3A_773, %mul3A_2 : i32
    %dma_wait3A_775 = arith.constant 0 : i32
    %dma_wait3A_776 = tpu.memref_slice %arg4[%add3A_774, %dma_wait3A_775] : memref<425984x64xf32, #tpu.memory_space<hbm>> -> memref<512x64xf32, #tpu.memory_space<hbm>>
    %dma_wait3A_777 = arith.constant 0 : i32
    %dma_wait3A_778 = tpu.memref_slice %arg4[%add3A_774, %dma_wait3A_777] : memref<425984x64xf32, #tpu.memory_space<hbm>> -> memref<512x64xf32, #tpu.memory_space<hbm>>
    tpu.wait_dma2 semaphore(%arg12 : memref<!tpu.dma_semaphore, #tpu.memory_space<semaphore_mem>>) src(%arg6 : memref<512x64xf32, #tpu.memory_space<vmem>>) dst(%dma_wait3A_778 : memref<512x64xf32, #tpu.memory_space<hbm>>)
    %dma_start3A_779 = arith.constant 9216 : i32
    %dma_start3A_780 = tpu.memref_slice %arg5[%dma_start3A_779] : memref<13312xi32, #tpu.memory_space<vmem>> -> memref<512xi32, #tpu.memory_space<vmem>>
    %dma_start3A_781 = arith.constant 0 : i32
    %dma_start3A_782 = arith.constant 0 : i32
    %dma_start3A_783 = tpu.memref_slice %arg3[%dma_start3A_781, %dma_start3A_782] : memref<1000000x64xf32, #tpu.memory_space<hbm>> -> memref<1000000x64xf32, #tpu.memory_space<hbm>>
    tpu.enqueue_indirect_dma source(%dma_start3A_783 : memref<1000000x64xf32, #tpu.memory_space<hbm>>) target(%arg6 : memref<512x64xf32, #tpu.memory_space<vmem>>) offsets(%dma_start3A_780 : memref<512xi32, #tpu.memory_space<vmem>>) semaphore(%arg9 : memref<!tpu.dma_semaphore, #tpu.memory_space<semaphore_mem>>)
    %dma_wait3A_784 = arith.constant 8192 : i32
    %dma_wait3A_785 = tpu.memref_slice %arg5[%dma_wait3A_784] : memref<13312xi32, #tpu.memory_space<vmem>> -> memref<512xi32, #tpu.memory_space<vmem>>
    %dma_wait3A_786 = arith.constant 0 : i32
    %dma_wait3A_787 = arith.constant 0 : i32
    %dma_wait3A_788 = tpu.memref_slice %arg3[%dma_wait3A_786, %dma_wait3A_787] : memref<1000000x64xf32, #tpu.memory_space<hbm>> -> memref<1000000x64xf32, #tpu.memory_space<hbm>>
    tpu.wait_indirect_dma semaphore(%arg10 : memref<!tpu.dma_semaphore, #tpu.memory_space<semaphore_mem>>) src(%dma_wait3A_788 : memref<1000000x64xf32, #tpu.memory_space<hbm>>) dst(%arg7 : memref<512x64xf32, #tpu.memory_space<vmem>>)
    %add3A_789 = arith.constant 262144 : i32
    %add3A_790 = arith.addi %add3A_789, %mul3A_2 : i32
    %dma_start3A_791 = arith.constant 0 : i32
    %dma_start3A_792 = tpu.memref_slice %arg4[%add3A_790, %dma_start3A_791] : memref<425984x64xf32, #tpu.memory_space<hbm>> -> memref<512x64xf32, #tpu.memory_space<hbm>>
    %dma_start3A_793 = arith.constant 0 : i32
    %dma_start3A_794 = tpu.memref_slice %arg4[%add3A_790, %dma_start3A_793] : memref<425984x64xf32, #tpu.memory_space<hbm>> -> memref<512x64xf32, #tpu.memory_space<hbm>>
    tpu.enqueue_dma source(%arg7 : memref<512x64xf32, #tpu.memory_space<vmem>>) target(%dma_start3A_794 : memref<512x64xf32, #tpu.memory_space<hbm>>) target_semaphore(%arg13 : memref<!tpu.dma_semaphore, #tpu.memory_space<semaphore_mem>>)
    %add3A_795 = arith.constant 262144 : i32
    %add3A_796 = arith.addi %add3A_795, %mul3A_2 : i32
    %dma_wait3A_797 = arith.constant 0 : i32
    %dma_wait3A_798 = tpu.memref_slice %arg4[%add3A_796, %dma_wait3A_797] : memref<425984x64xf32, #tpu.memory_space<hbm>> -> memref<512x64xf32, #tpu.memory_space<hbm>>
    %dma_wait3A_799 = arith.constant 0 : i32
    %dma_wait3A_800 = tpu.memref_slice %arg4[%add3A_796, %dma_wait3A_799] : memref<425984x64xf32, #tpu.memory_space<hbm>> -> memref<512x64xf32, #tpu.memory_space<hbm>>
    tpu.wait_dma2 semaphore(%arg13 : memref<!tpu.dma_semaphore, #tpu.memory_space<semaphore_mem>>) src(%arg7 : memref<512x64xf32, #tpu.memory_space<vmem>>) dst(%dma_wait3A_800 : memref<512x64xf32, #tpu.memory_space<hbm>>)
    %dma_start3A_801 = arith.constant 9728 : i32
    %dma_start3A_802 = tpu.memref_slice %arg5[%dma_start3A_801] : memref<13312xi32, #tpu.memory_space<vmem>> -> memref<512xi32, #tpu.memory_space<vmem>>
    %dma_start3A_803 = arith.constant 0 : i32
    %dma_start3A_804 = arith.constant 0 : i32
    %dma_start3A_805 = tpu.memref_slice %arg3[%dma_start3A_803, %dma_start3A_804] : memref<1000000x64xf32, #tpu.memory_space<hbm>> -> memref<1000000x64xf32, #tpu.memory_space<hbm>>
    tpu.enqueue_indirect_dma source(%dma_start3A_805 : memref<1000000x64xf32, #tpu.memory_space<hbm>>) target(%arg7 : memref<512x64xf32, #tpu.memory_space<vmem>>) offsets(%dma_start3A_802 : memref<512xi32, #tpu.memory_space<vmem>>) semaphore(%arg10 : memref<!tpu.dma_semaphore, #tpu.memory_space<semaphore_mem>>)
    %dma_wait3A_806 = arith.constant 8704 : i32
    %dma_wait3A_807 = tpu.memref_slice %arg5[%dma_wait3A_806] : memref<13312xi32, #tpu.memory_space<vmem>> -> memref<512xi32, #tpu.memory_space<vmem>>
    %dma_wait3A_808 = arith.constant 0 : i32
    %dma_wait3A_809 = arith.constant 0 : i32
    %dma_wait3A_810 = tpu.memref_slice %arg3[%dma_wait3A_808, %dma_wait3A_809] : memref<1000000x64xf32, #tpu.memory_space<hbm>> -> memref<1000000x64xf32, #tpu.memory_space<hbm>>
    tpu.wait_indirect_dma semaphore(%arg11 : memref<!tpu.dma_semaphore, #tpu.memory_space<semaphore_mem>>) src(%dma_wait3A_810 : memref<1000000x64xf32, #tpu.memory_space<hbm>>) dst(%arg8 : memref<512x64xf32, #tpu.memory_space<vmem>>)
    %add3A_811 = arith.constant 278528 : i32
    %add3A_812 = arith.addi %add3A_811, %mul3A_2 : i32
    %dma_start3A_813 = arith.constant 0 : i32
    %dma_start3A_814 = tpu.memref_slice %arg4[%add3A_812, %dma_start3A_813] : memref<425984x64xf32, #tpu.memory_space<hbm>> -> memref<512x64xf32, #tpu.memory_space<hbm>>
    %dma_start3A_815 = arith.constant 0 : i32
    %dma_start3A_816 = tpu.memref_slice %arg4[%add3A_812, %dma_start3A_815] : memref<425984x64xf32, #tpu.memory_space<hbm>> -> memref<512x64xf32, #tpu.memory_space<hbm>>
    tpu.enqueue_dma source(%arg8 : memref<512x64xf32, #tpu.memory_space<vmem>>) target(%dma_start3A_816 : memref<512x64xf32, #tpu.memory_space<hbm>>) target_semaphore(%arg14 : memref<!tpu.dma_semaphore, #tpu.memory_space<semaphore_mem>>)
    %add3A_817 = arith.constant 278528 : i32
    %add3A_818 = arith.addi %add3A_817, %mul3A_2 : i32
    %dma_wait3A_819 = arith.constant 0 : i32
    %dma_wait3A_820 = tpu.memref_slice %arg4[%add3A_818, %dma_wait3A_819] : memref<425984x64xf32, #tpu.memory_space<hbm>> -> memref<512x64xf32, #tpu.memory_space<hbm>>
    %dma_wait3A_821 = arith.constant 0 : i32
    %dma_wait3A_822 = tpu.memref_slice %arg4[%add3A_818, %dma_wait3A_821] : memref<425984x64xf32, #tpu.memory_space<hbm>> -> memref<512x64xf32, #tpu.memory_space<hbm>>
    tpu.wait_dma2 semaphore(%arg14 : memref<!tpu.dma_semaphore, #tpu.memory_space<semaphore_mem>>) src(%arg8 : memref<512x64xf32, #tpu.memory_space<vmem>>) dst(%dma_wait3A_822 : memref<512x64xf32, #tpu.memory_space<hbm>>)
    %dma_start3A_823 = arith.constant 10240 : i32
    %dma_start3A_824 = tpu.memref_slice %arg5[%dma_start3A_823] : memref<13312xi32, #tpu.memory_space<vmem>> -> memref<512xi32, #tpu.memory_space<vmem>>
    %dma_start3A_825 = arith.constant 0 : i32
    %dma_start3A_826 = arith.constant 0 : i32
    %dma_start3A_827 = tpu.memref_slice %arg3[%dma_start3A_825, %dma_start3A_826] : memref<1000000x64xf32, #tpu.memory_space<hbm>> -> memref<1000000x64xf32, #tpu.memory_space<hbm>>
    tpu.enqueue_indirect_dma source(%dma_start3A_827 : memref<1000000x64xf32, #tpu.memory_space<hbm>>) target(%arg8 : memref<512x64xf32, #tpu.memory_space<vmem>>) offsets(%dma_start3A_824 : memref<512xi32, #tpu.memory_space<vmem>>) semaphore(%arg11 : memref<!tpu.dma_semaphore, #tpu.memory_space<semaphore_mem>>)
    %dma_wait3A_828 = arith.constant 9216 : i32
    %dma_wait3A_829 = tpu.memref_slice %arg5[%dma_wait3A_828] : memref<13312xi32, #tpu.memory_space<vmem>> -> memref<512xi32, #tpu.memory_space<vmem>>
    %dma_wait3A_830 = arith.constant 0 : i32
    %dma_wait3A_831 = arith.constant 0 : i32
    %dma_wait3A_832 = tpu.memref_slice %arg3[%dma_wait3A_830, %dma_wait3A_831] : memref<1000000x64xf32, #tpu.memory_space<hbm>> -> memref<1000000x64xf32, #tpu.memory_space<hbm>>
    tpu.wait_indirect_dma semaphore(%arg9 : memref<!tpu.dma_semaphore, #tpu.memory_space<semaphore_mem>>) src(%dma_wait3A_832 : memref<1000000x64xf32, #tpu.memory_space<hbm>>) dst(%arg6 : memref<512x64xf32, #tpu.memory_space<vmem>>)
    %add3A_833 = arith.constant 294912 : i32
    %add3A_834 = arith.addi %add3A_833, %mul3A_2 : i32
    %dma_start3A_835 = arith.constant 0 : i32
    %dma_start3A_836 = tpu.memref_slice %arg4[%add3A_834, %dma_start3A_835] : memref<425984x64xf32, #tpu.memory_space<hbm>> -> memref<512x64xf32, #tpu.memory_space<hbm>>
    %dma_start3A_837 = arith.constant 0 : i32
    %dma_start3A_838 = tpu.memref_slice %arg4[%add3A_834, %dma_start3A_837] : memref<425984x64xf32, #tpu.memory_space<hbm>> -> memref<512x64xf32, #tpu.memory_space<hbm>>
    tpu.enqueue_dma source(%arg6 : memref<512x64xf32, #tpu.memory_space<vmem>>) target(%dma_start3A_838 : memref<512x64xf32, #tpu.memory_space<hbm>>) target_semaphore(%arg12 : memref<!tpu.dma_semaphore, #tpu.memory_space<semaphore_mem>>)
    %add3A_839 = arith.constant 294912 : i32
    %add3A_840 = arith.addi %add3A_839, %mul3A_2 : i32
    %dma_wait3A_841 = arith.constant 0 : i32
    %dma_wait3A_842 = tpu.memref_slice %arg4[%add3A_840, %dma_wait3A_841] : memref<425984x64xf32, #tpu.memory_space<hbm>> -> memref<512x64xf32, #tpu.memory_space<hbm>>
    %dma_wait3A_843 = arith.constant 0 : i32
    %dma_wait3A_844 = tpu.memref_slice %arg4[%add3A_840, %dma_wait3A_843] : memref<425984x64xf32, #tpu.memory_space<hbm>> -> memref<512x64xf32, #tpu.memory_space<hbm>>
    tpu.wait_dma2 semaphore(%arg12 : memref<!tpu.dma_semaphore, #tpu.memory_space<semaphore_mem>>) src(%arg6 : memref<512x64xf32, #tpu.memory_space<vmem>>) dst(%dma_wait3A_844 : memref<512x64xf32, #tpu.memory_space<hbm>>)
    %dma_start3A_845 = arith.constant 10752 : i32
    %dma_start3A_846 = tpu.memref_slice %arg5[%dma_start3A_845] : memref<13312xi32, #tpu.memory_space<vmem>> -> memref<512xi32, #tpu.memory_space<vmem>>
    %dma_start3A_847 = arith.constant 0 : i32
    %dma_start3A_848 = arith.constant 0 : i32
    %dma_start3A_849 = tpu.memref_slice %arg3[%dma_start3A_847, %dma_start3A_848] : memref<1000000x64xf32, #tpu.memory_space<hbm>> -> memref<1000000x64xf32, #tpu.memory_space<hbm>>
    tpu.enqueue_indirect_dma source(%dma_start3A_849 : memref<1000000x64xf32, #tpu.memory_space<hbm>>) target(%arg6 : memref<512x64xf32, #tpu.memory_space<vmem>>) offsets(%dma_start3A_846 : memref<512xi32, #tpu.memory_space<vmem>>) semaphore(%arg9 : memref<!tpu.dma_semaphore, #tpu.memory_space<semaphore_mem>>)
    %dma_wait3A_850 = arith.constant 9728 : i32
    %dma_wait3A_851 = tpu.memref_slice %arg5[%dma_wait3A_850] : memref<13312xi32, #tpu.memory_space<vmem>> -> memref<512xi32, #tpu.memory_space<vmem>>
    %dma_wait3A_852 = arith.constant 0 : i32
    %dma_wait3A_853 = arith.constant 0 : i32
    %dma_wait3A_854 = tpu.memref_slice %arg3[%dma_wait3A_852, %dma_wait3A_853] : memref<1000000x64xf32, #tpu.memory_space<hbm>> -> memref<1000000x64xf32, #tpu.memory_space<hbm>>
    tpu.wait_indirect_dma semaphore(%arg10 : memref<!tpu.dma_semaphore, #tpu.memory_space<semaphore_mem>>) src(%dma_wait3A_854 : memref<1000000x64xf32, #tpu.memory_space<hbm>>) dst(%arg7 : memref<512x64xf32, #tpu.memory_space<vmem>>)
    %add3A_855 = arith.constant 311296 : i32
    %add3A_856 = arith.addi %add3A_855, %mul3A_2 : i32
    %dma_start3A_857 = arith.constant 0 : i32
    %dma_start3A_858 = tpu.memref_slice %arg4[%add3A_856, %dma_start3A_857] : memref<425984x64xf32, #tpu.memory_space<hbm>> -> memref<512x64xf32, #tpu.memory_space<hbm>>
    %dma_start3A_859 = arith.constant 0 : i32
    %dma_start3A_860 = tpu.memref_slice %arg4[%add3A_856, %dma_start3A_859] : memref<425984x64xf32, #tpu.memory_space<hbm>> -> memref<512x64xf32, #tpu.memory_space<hbm>>
    tpu.enqueue_dma source(%arg7 : memref<512x64xf32, #tpu.memory_space<vmem>>) target(%dma_start3A_860 : memref<512x64xf32, #tpu.memory_space<hbm>>) target_semaphore(%arg13 : memref<!tpu.dma_semaphore, #tpu.memory_space<semaphore_mem>>)
    %add3A_861 = arith.constant 311296 : i32
    %add3A_862 = arith.addi %add3A_861, %mul3A_2 : i32
    %dma_wait3A_863 = arith.constant 0 : i32
    %dma_wait3A_864 = tpu.memref_slice %arg4[%add3A_862, %dma_wait3A_863] : memref<425984x64xf32, #tpu.memory_space<hbm>> -> memref<512x64xf32, #tpu.memory_space<hbm>>
    %dma_wait3A_865 = arith.constant 0 : i32
    %dma_wait3A_866 = tpu.memref_slice %arg4[%add3A_862, %dma_wait3A_865] : memref<425984x64xf32, #tpu.memory_space<hbm>> -> memref<512x64xf32, #tpu.memory_space<hbm>>
    tpu.wait_dma2 semaphore(%arg13 : memref<!tpu.dma_semaphore, #tpu.memory_space<semaphore_mem>>) src(%arg7 : memref<512x64xf32, #tpu.memory_space<vmem>>) dst(%dma_wait3A_866 : memref<512x64xf32, #tpu.memory_space<hbm>>)
    %dma_start3A_867 = arith.constant 11264 : i32
    %dma_start3A_868 = tpu.memref_slice %arg5[%dma_start3A_867] : memref<13312xi32, #tpu.memory_space<vmem>> -> memref<512xi32, #tpu.memory_space<vmem>>
    %dma_start3A_869 = arith.constant 0 : i32
    %dma_start3A_870 = arith.constant 0 : i32
    %dma_start3A_871 = tpu.memref_slice %arg3[%dma_start3A_869, %dma_start3A_870] : memref<1000000x64xf32, #tpu.memory_space<hbm>> -> memref<1000000x64xf32, #tpu.memory_space<hbm>>
    tpu.enqueue_indirect_dma source(%dma_start3A_871 : memref<1000000x64xf32, #tpu.memory_space<hbm>>) target(%arg7 : memref<512x64xf32, #tpu.memory_space<vmem>>) offsets(%dma_start3A_868 : memref<512xi32, #tpu.memory_space<vmem>>) semaphore(%arg10 : memref<!tpu.dma_semaphore, #tpu.memory_space<semaphore_mem>>)
    %dma_wait3A_872 = arith.constant 10240 : i32
    %dma_wait3A_873 = tpu.memref_slice %arg5[%dma_wait3A_872] : memref<13312xi32, #tpu.memory_space<vmem>> -> memref<512xi32, #tpu.memory_space<vmem>>
    %dma_wait3A_874 = arith.constant 0 : i32
    %dma_wait3A_875 = arith.constant 0 : i32
    %dma_wait3A_876 = tpu.memref_slice %arg3[%dma_wait3A_874, %dma_wait3A_875] : memref<1000000x64xf32, #tpu.memory_space<hbm>> -> memref<1000000x64xf32, #tpu.memory_space<hbm>>
    tpu.wait_indirect_dma semaphore(%arg11 : memref<!tpu.dma_semaphore, #tpu.memory_space<semaphore_mem>>) src(%dma_wait3A_876 : memref<1000000x64xf32, #tpu.memory_space<hbm>>) dst(%arg8 : memref<512x64xf32, #tpu.memory_space<vmem>>)
    %add3A_877 = arith.constant 327680 : i32
    %add3A_878 = arith.addi %add3A_877, %mul3A_2 : i32
    %dma_start3A_879 = arith.constant 0 : i32
    %dma_start3A_880 = tpu.memref_slice %arg4[%add3A_878, %dma_start3A_879] : memref<425984x64xf32, #tpu.memory_space<hbm>> -> memref<512x64xf32, #tpu.memory_space<hbm>>
    %dma_start3A_881 = arith.constant 0 : i32
    %dma_start3A_882 = tpu.memref_slice %arg4[%add3A_878, %dma_start3A_881] : memref<425984x64xf32, #tpu.memory_space<hbm>> -> memref<512x64xf32, #tpu.memory_space<hbm>>
    tpu.enqueue_dma source(%arg8 : memref<512x64xf32, #tpu.memory_space<vmem>>) target(%dma_start3A_882 : memref<512x64xf32, #tpu.memory_space<hbm>>) target_semaphore(%arg14 : memref<!tpu.dma_semaphore, #tpu.memory_space<semaphore_mem>>)
    %add3A_883 = arith.constant 327680 : i32
    %add3A_884 = arith.addi %add3A_883, %mul3A_2 : i32
    %dma_wait3A_885 = arith.constant 0 : i32
    %dma_wait3A_886 = tpu.memref_slice %arg4[%add3A_884, %dma_wait3A_885] : memref<425984x64xf32, #tpu.memory_space<hbm>> -> memref<512x64xf32, #tpu.memory_space<hbm>>
    %dma_wait3A_887 = arith.constant 0 : i32
    %dma_wait3A_888 = tpu.memref_slice %arg4[%add3A_884, %dma_wait3A_887] : memref<425984x64xf32, #tpu.memory_space<hbm>> -> memref<512x64xf32, #tpu.memory_space<hbm>>
    tpu.wait_dma2 semaphore(%arg14 : memref<!tpu.dma_semaphore, #tpu.memory_space<semaphore_mem>>) src(%arg8 : memref<512x64xf32, #tpu.memory_space<vmem>>) dst(%dma_wait3A_888 : memref<512x64xf32, #tpu.memory_space<hbm>>)
    %dma_start3A_889 = arith.constant 11776 : i32
    %dma_start3A_890 = tpu.memref_slice %arg5[%dma_start3A_889] : memref<13312xi32, #tpu.memory_space<vmem>> -> memref<512xi32, #tpu.memory_space<vmem>>
    %dma_start3A_891 = arith.constant 0 : i32
    %dma_start3A_892 = arith.constant 0 : i32
    %dma_start3A_893 = tpu.memref_slice %arg3[%dma_start3A_891, %dma_start3A_892] : memref<1000000x64xf32, #tpu.memory_space<hbm>> -> memref<1000000x64xf32, #tpu.memory_space<hbm>>
    tpu.enqueue_indirect_dma source(%dma_start3A_893 : memref<1000000x64xf32, #tpu.memory_space<hbm>>) target(%arg8 : memref<512x64xf32, #tpu.memory_space<vmem>>) offsets(%dma_start3A_890 : memref<512xi32, #tpu.memory_space<vmem>>) semaphore(%arg11 : memref<!tpu.dma_semaphore, #tpu.memory_space<semaphore_mem>>)
    %dma_wait3A_894 = arith.constant 10752 : i32
    %dma_wait3A_895 = tpu.memref_slice %arg5[%dma_wait3A_894] : memref<13312xi32, #tpu.memory_space<vmem>> -> memref<512xi32, #tpu.memory_space<vmem>>
    %dma_wait3A_896 = arith.constant 0 : i32
    %dma_wait3A_897 = arith.constant 0 : i32
    %dma_wait3A_898 = tpu.memref_slice %arg3[%dma_wait3A_896, %dma_wait3A_897] : memref<1000000x64xf32, #tpu.memory_space<hbm>> -> memref<1000000x64xf32, #tpu.memory_space<hbm>>
    tpu.wait_indirect_dma semaphore(%arg9 : memref<!tpu.dma_semaphore, #tpu.memory_space<semaphore_mem>>) src(%dma_wait3A_898 : memref<1000000x64xf32, #tpu.memory_space<hbm>>) dst(%arg6 : memref<512x64xf32, #tpu.memory_space<vmem>>)
    %add3A_899 = arith.constant 344064 : i32
    %add3A_900 = arith.addi %add3A_899, %mul3A_2 : i32
    %dma_start3A_901 = arith.constant 0 : i32
    %dma_start3A_902 = tpu.memref_slice %arg4[%add3A_900, %dma_start3A_901] : memref<425984x64xf32, #tpu.memory_space<hbm>> -> memref<512x64xf32, #tpu.memory_space<hbm>>
    %dma_start3A_903 = arith.constant 0 : i32
    %dma_start3A_904 = tpu.memref_slice %arg4[%add3A_900, %dma_start3A_903] : memref<425984x64xf32, #tpu.memory_space<hbm>> -> memref<512x64xf32, #tpu.memory_space<hbm>>
    tpu.enqueue_dma source(%arg6 : memref<512x64xf32, #tpu.memory_space<vmem>>) target(%dma_start3A_904 : memref<512x64xf32, #tpu.memory_space<hbm>>) target_semaphore(%arg12 : memref<!tpu.dma_semaphore, #tpu.memory_space<semaphore_mem>>)
    %add3A_905 = arith.constant 344064 : i32
    %add3A_906 = arith.addi %add3A_905, %mul3A_2 : i32
    %dma_wait3A_907 = arith.constant 0 : i32
    %dma_wait3A_908 = tpu.memref_slice %arg4[%add3A_906, %dma_wait3A_907] : memref<425984x64xf32, #tpu.memory_space<hbm>> -> memref<512x64xf32, #tpu.memory_space<hbm>>
    %dma_wait3A_909 = arith.constant 0 : i32
    %dma_wait3A_910 = tpu.memref_slice %arg4[%add3A_906, %dma_wait3A_909] : memref<425984x64xf32, #tpu.memory_space<hbm>> -> memref<512x64xf32, #tpu.memory_space<hbm>>
    tpu.wait_dma2 semaphore(%arg12 : memref<!tpu.dma_semaphore, #tpu.memory_space<semaphore_mem>>) src(%arg6 : memref<512x64xf32, #tpu.memory_space<vmem>>) dst(%dma_wait3A_910 : memref<512x64xf32, #tpu.memory_space<hbm>>)
    %dma_start3A_911 = arith.constant 12288 : i32
    %dma_start3A_912 = tpu.memref_slice %arg5[%dma_start3A_911] : memref<13312xi32, #tpu.memory_space<vmem>> -> memref<512xi32, #tpu.memory_space<vmem>>
    %dma_start3A_913 = arith.constant 0 : i32
    %dma_start3A_914 = arith.constant 0 : i32
    %dma_start3A_915 = tpu.memref_slice %arg3[%dma_start3A_913, %dma_start3A_914] : memref<1000000x64xf32, #tpu.memory_space<hbm>> -> memref<1000000x64xf32, #tpu.memory_space<hbm>>
    tpu.enqueue_indirect_dma source(%dma_start3A_915 : memref<1000000x64xf32, #tpu.memory_space<hbm>>) target(%arg6 : memref<512x64xf32, #tpu.memory_space<vmem>>) offsets(%dma_start3A_912 : memref<512xi32, #tpu.memory_space<vmem>>) semaphore(%arg9 : memref<!tpu.dma_semaphore, #tpu.memory_space<semaphore_mem>>)
    %dma_wait3A_916 = arith.constant 11264 : i32
    %dma_wait3A_917 = tpu.memref_slice %arg5[%dma_wait3A_916] : memref<13312xi32, #tpu.memory_space<vmem>> -> memref<512xi32, #tpu.memory_space<vmem>>
    %dma_wait3A_918 = arith.constant 0 : i32
    %dma_wait3A_919 = arith.constant 0 : i32
    %dma_wait3A_920 = tpu.memref_slice %arg3[%dma_wait3A_918, %dma_wait3A_919] : memref<1000000x64xf32, #tpu.memory_space<hbm>> -> memref<1000000x64xf32, #tpu.memory_space<hbm>>
    tpu.wait_indirect_dma semaphore(%arg10 : memref<!tpu.dma_semaphore, #tpu.memory_space<semaphore_mem>>) src(%dma_wait3A_920 : memref<1000000x64xf32, #tpu.memory_space<hbm>>) dst(%arg7 : memref<512x64xf32, #tpu.memory_space<vmem>>)
    %add3A_921 = arith.constant 360448 : i32
    %add3A_922 = arith.addi %add3A_921, %mul3A_2 : i32
    %dma_start3A_923 = arith.constant 0 : i32
    %dma_start3A_924 = tpu.memref_slice %arg4[%add3A_922, %dma_start3A_923] : memref<425984x64xf32, #tpu.memory_space<hbm>> -> memref<512x64xf32, #tpu.memory_space<hbm>>
    %dma_start3A_925 = arith.constant 0 : i32
    %dma_start3A_926 = tpu.memref_slice %arg4[%add3A_922, %dma_start3A_925] : memref<425984x64xf32, #tpu.memory_space<hbm>> -> memref<512x64xf32, #tpu.memory_space<hbm>>
    tpu.enqueue_dma source(%arg7 : memref<512x64xf32, #tpu.memory_space<vmem>>) target(%dma_start3A_926 : memref<512x64xf32, #tpu.memory_space<hbm>>) target_semaphore(%arg13 : memref<!tpu.dma_semaphore, #tpu.memory_space<semaphore_mem>>)
    %add3A_927 = arith.constant 360448 : i32
    %add3A_928 = arith.addi %add3A_927, %mul3A_2 : i32
    %dma_wait3A_929 = arith.constant 0 : i32
    %dma_wait3A_930 = tpu.memref_slice %arg4[%add3A_928, %dma_wait3A_929] : memref<425984x64xf32, #tpu.memory_space<hbm>> -> memref<512x64xf32, #tpu.memory_space<hbm>>
    %dma_wait3A_931 = arith.constant 0 : i32
    %dma_wait3A_932 = tpu.memref_slice %arg4[%add3A_928, %dma_wait3A_931] : memref<425984x64xf32, #tpu.memory_space<hbm>> -> memref<512x64xf32, #tpu.memory_space<hbm>>
    tpu.wait_dma2 semaphore(%arg13 : memref<!tpu.dma_semaphore, #tpu.memory_space<semaphore_mem>>) src(%arg7 : memref<512x64xf32, #tpu.memory_space<vmem>>) dst(%dma_wait3A_932 : memref<512x64xf32, #tpu.memory_space<hbm>>)
    %dma_start3A_933 = arith.constant 12800 : i32
    %dma_start3A_934 = tpu.memref_slice %arg5[%dma_start3A_933] : memref<13312xi32, #tpu.memory_space<vmem>> -> memref<512xi32, #tpu.memory_space<vmem>>
    %dma_start3A_935 = arith.constant 0 : i32
    %dma_start3A_936 = arith.constant 0 : i32
    %dma_start3A_937 = tpu.memref_slice %arg3[%dma_start3A_935, %dma_start3A_936] : memref<1000000x64xf32, #tpu.memory_space<hbm>> -> memref<1000000x64xf32, #tpu.memory_space<hbm>>
    tpu.enqueue_indirect_dma source(%dma_start3A_937 : memref<1000000x64xf32, #tpu.memory_space<hbm>>) target(%arg7 : memref<512x64xf32, #tpu.memory_space<vmem>>) offsets(%dma_start3A_934 : memref<512xi32, #tpu.memory_space<vmem>>) semaphore(%arg10 : memref<!tpu.dma_semaphore, #tpu.memory_space<semaphore_mem>>)
    %dma_wait3A_938 = arith.constant 11776 : i32
    %dma_wait3A_939 = tpu.memref_slice %arg5[%dma_wait3A_938] : memref<13312xi32, #tpu.memory_space<vmem>> -> memref<512xi32, #tpu.memory_space<vmem>>
    %dma_wait3A_940 = arith.constant 0 : i32
    %dma_wait3A_941 = arith.constant 0 : i32
    %dma_wait3A_942 = tpu.memref_slice %arg3[%dma_wait3A_940, %dma_wait3A_941] : memref<1000000x64xf32, #tpu.memory_space<hbm>> -> memref<1000000x64xf32, #tpu.memory_space<hbm>>
    tpu.wait_indirect_dma semaphore(%arg11 : memref<!tpu.dma_semaphore, #tpu.memory_space<semaphore_mem>>) src(%dma_wait3A_942 : memref<1000000x64xf32, #tpu.memory_space<hbm>>) dst(%arg8 : memref<512x64xf32, #tpu.memory_space<vmem>>)
    %add3A_943 = arith.constant 376832 : i32
    %add3A_944 = arith.addi %add3A_943, %mul3A_2 : i32
    %dma_start3A_945 = arith.constant 0 : i32
    %dma_start3A_946 = tpu.memref_slice %arg4[%add3A_944, %dma_start3A_945] : memref<425984x64xf32, #tpu.memory_space<hbm>> -> memref<512x64xf32, #tpu.memory_space<hbm>>
    %dma_start3A_947 = arith.constant 0 : i32
    %dma_start3A_948 = tpu.memref_slice %arg4[%add3A_944, %dma_start3A_947] : memref<425984x64xf32, #tpu.memory_space<hbm>> -> memref<512x64xf32, #tpu.memory_space<hbm>>
    tpu.enqueue_dma source(%arg8 : memref<512x64xf32, #tpu.memory_space<vmem>>) target(%dma_start3A_948 : memref<512x64xf32, #tpu.memory_space<hbm>>) target_semaphore(%arg14 : memref<!tpu.dma_semaphore, #tpu.memory_space<semaphore_mem>>)
    %dma_wait3A_949 = arith.constant 12288 : i32
    %dma_wait3A_950 = tpu.memref_slice %arg5[%dma_wait3A_949] : memref<13312xi32, #tpu.memory_space<vmem>> -> memref<512xi32, #tpu.memory_space<vmem>>
    %dma_wait3A_951 = arith.constant 0 : i32
    %dma_wait3A_952 = arith.constant 0 : i32
    %dma_wait3A_953 = tpu.memref_slice %arg3[%dma_wait3A_951, %dma_wait3A_952] : memref<1000000x64xf32, #tpu.memory_space<hbm>> -> memref<1000000x64xf32, #tpu.memory_space<hbm>>
    tpu.wait_indirect_dma semaphore(%arg9 : memref<!tpu.dma_semaphore, #tpu.memory_space<semaphore_mem>>) src(%dma_wait3A_953 : memref<1000000x64xf32, #tpu.memory_space<hbm>>) dst(%arg6 : memref<512x64xf32, #tpu.memory_space<vmem>>)
    %add3A_954 = arith.constant 393216 : i32
    %add3A_955 = arith.addi %add3A_954, %mul3A_2 : i32
    %dma_start3A_956 = arith.constant 0 : i32
    %dma_start3A_957 = tpu.memref_slice %arg4[%add3A_955, %dma_start3A_956] : memref<425984x64xf32, #tpu.memory_space<hbm>> -> memref<512x64xf32, #tpu.memory_space<hbm>>
    %dma_start3A_958 = arith.constant 0 : i32
    %dma_start3A_959 = tpu.memref_slice %arg4[%add3A_955, %dma_start3A_958] : memref<425984x64xf32, #tpu.memory_space<hbm>> -> memref<512x64xf32, #tpu.memory_space<hbm>>
    tpu.enqueue_dma source(%arg6 : memref<512x64xf32, #tpu.memory_space<vmem>>) target(%dma_start3A_959 : memref<512x64xf32, #tpu.memory_space<hbm>>) target_semaphore(%arg12 : memref<!tpu.dma_semaphore, #tpu.memory_space<semaphore_mem>>)
    %dma_wait3A_960 = arith.constant 12800 : i32
    %dma_wait3A_961 = tpu.memref_slice %arg5[%dma_wait3A_960] : memref<13312xi32, #tpu.memory_space<vmem>> -> memref<512xi32, #tpu.memory_space<vmem>>
    %dma_wait3A_962 = arith.constant 0 : i32
    %dma_wait3A_963 = arith.constant 0 : i32
    %dma_wait3A_964 = tpu.memref_slice %arg3[%dma_wait3A_962, %dma_wait3A_963] : memref<1000000x64xf32, #tpu.memory_space<hbm>> -> memref<1000000x64xf32, #tpu.memory_space<hbm>>
    tpu.wait_indirect_dma semaphore(%arg10 : memref<!tpu.dma_semaphore, #tpu.memory_space<semaphore_mem>>) src(%dma_wait3A_964 : memref<1000000x64xf32, #tpu.memory_space<hbm>>) dst(%arg7 : memref<512x64xf32, #tpu.memory_space<vmem>>)
    %add3A_965 = arith.constant 409600 : i32
    %add3A_966 = arith.addi %add3A_965, %mul3A_2 : i32
    %dma_start3A_967 = arith.constant 0 : i32
    %dma_start3A_968 = tpu.memref_slice %arg4[%add3A_966, %dma_start3A_967] : memref<425984x64xf32, #tpu.memory_space<hbm>> -> memref<512x64xf32, #tpu.memory_space<hbm>>
    %dma_start3A_969 = arith.constant 0 : i32
    %dma_start3A_970 = tpu.memref_slice %arg4[%add3A_966, %dma_start3A_969] : memref<425984x64xf32, #tpu.memory_space<hbm>> -> memref<512x64xf32, #tpu.memory_space<hbm>>
    tpu.enqueue_dma source(%arg7 : memref<512x64xf32, #tpu.memory_space<vmem>>) target(%dma_start3A_970 : memref<512x64xf32, #tpu.memory_space<hbm>>) target_semaphore(%arg13 : memref<!tpu.dma_semaphore, #tpu.memory_space<semaphore_mem>>)
    %add3A_971 = arith.constant 376832 : i32
    %add3A_972 = arith.addi %add3A_971, %mul3A_2 : i32
    %dma_wait3A_973 = arith.constant 0 : i32
    %dma_wait3A_974 = tpu.memref_slice %arg4[%add3A_972, %dma_wait3A_973] : memref<425984x64xf32, #tpu.memory_space<hbm>> -> memref<512x64xf32, #tpu.memory_space<hbm>>
    %dma_wait3A_975 = arith.constant 0 : i32
    %dma_wait3A_976 = tpu.memref_slice %arg4[%add3A_972, %dma_wait3A_975] : memref<425984x64xf32, #tpu.memory_space<hbm>> -> memref<512x64xf32, #tpu.memory_space<hbm>>
    tpu.wait_dma2 semaphore(%arg14 : memref<!tpu.dma_semaphore, #tpu.memory_space<semaphore_mem>>) src(%arg8 : memref<512x64xf32, #tpu.memory_space<vmem>>) dst(%dma_wait3A_976 : memref<512x64xf32, #tpu.memory_space<hbm>>)
    %add3A_977 = arith.constant 393216 : i32
    %add3A_978 = arith.addi %add3A_977, %mul3A_2 : i32
    %dma_wait3A_979 = arith.constant 0 : i32
    %dma_wait3A_980 = tpu.memref_slice %arg4[%add3A_978, %dma_wait3A_979] : memref<425984x64xf32, #tpu.memory_space<hbm>> -> memref<512x64xf32, #tpu.memory_space<hbm>>
    %dma_wait3A_981 = arith.constant 0 : i32
    %dma_wait3A_982 = tpu.memref_slice %arg4[%add3A_978, %dma_wait3A_981] : memref<425984x64xf32, #tpu.memory_space<hbm>> -> memref<512x64xf32, #tpu.memory_space<hbm>>
    tpu.wait_dma2 semaphore(%arg12 : memref<!tpu.dma_semaphore, #tpu.memory_space<semaphore_mem>>) src(%arg6 : memref<512x64xf32, #tpu.memory_space<vmem>>) dst(%dma_wait3A_982 : memref<512x64xf32, #tpu.memory_space<hbm>>)
    %add3A_983 = arith.constant 409600 : i32
    %add3A_984 = arith.addi %add3A_983, %mul3A_2 : i32
    %dma_wait3A_985 = arith.constant 0 : i32
    %dma_wait3A_986 = tpu.memref_slice %arg4[%add3A_984, %dma_wait3A_985] : memref<425984x64xf32, #tpu.memory_space<hbm>> -> memref<512x64xf32, #tpu.memory_space<hbm>>
    %dma_wait3A_987 = arith.constant 0 : i32
    %dma_wait3A_988 = tpu.memref_slice %arg4[%add3A_984, %dma_wait3A_987] : memref<425984x64xf32, #tpu.memory_space<hbm>> -> memref<512x64xf32, #tpu.memory_space<hbm>>
    tpu.wait_dma2 semaphore(%arg13 : memref<!tpu.dma_semaphore, #tpu.memory_space<semaphore_mem>>) src(%arg7 : memref<512x64xf32, #tpu.memory_space<vmem>>) dst(%dma_wait3A_988 : memref<512x64xf32, #tpu.memory_space<hbm>>)
    return
  }
}

</mosaic_0001>

<sc_bundles>
// kernel: kernel.3.cloned.1.call-start
scs
__scs_entry_jumppad:
0x0: {  	(pc) =	sbr.rel $0x88, $3  }
0x1: {  	(tag) =	ssettag $0x0;
	lr =	simm.s32 $0x1  }
0x2: {  	[smem:$0x3F9F] =	sst lr;
	_ =	strace $0xD0000000  }
0x3: {  	_ = 	snop  }
0x4: {  	_ = 	snop  }
0x5: {  	_ = 	snop  }
0x6: {  	_ = 	snop  }
0x7: {  	_ = 	snop  }
__scs_overlays_trampoline_lowered:
0x8: {  	[smem:$0x3FAE] =	sst s0  }
0x9: {  	[smem:$0x3FAF] =	sst s1  }
0xa: {  	[smem:$0x3FB0] =	sst s2  }
0xb: {  	[smem:$0x3FB1] =	sst s3  }
0xc: {  	[smem:$0x3FB2] =	sst s4  }
0xd: {  	[smem:$0x3FB3] =	sst s5  }
0xe: {  	[smem:$0x3FB4] =	sst s6  }
0xf: {  	[smem:$0x3FB5] =	sst s7  }
0x10: {  	[smem:$0x3FB6] =	sst s8  }
0x11: {  	[smem:$0x3FB7] =	sst s9;
	s0 =	simm.s32 @!p0 $0x0  }
0x12: {  	s1 =	sld [smem:$0x3F9D];
	s0 =	simm.s32 @p0 $0x1  }
0x13: {  	[smem:$0x3FB8] =	sst s0;
	s0 =	simm.s32 @!p1 $0x0  }
0x14: {  	s2 =	sld [smem:$0x3F9C];
	s0 =	simm.s32 @p1 $0x1  }
0x15: {  	[smem:$0x3FB9] =	sst s0;
	s0 =	simm.s32 @!p2 $0x0  }
0x16: {  	s3 =	sld [smem:$0x3FDB];
	s0 =	simm.s32 @p2 $0x1  }
0x17: {  	s4 =	simm.s32 $0x1BF5;
	[smem:$0x3FBB] =	sst s0  }
0x18: {  	s0 =	sld [smem:$0x3F9E];
	_ =	swait.ge [sflag:s4], $0x0  }
0x19: {  	s7 =	sld [smem:$0x3F9F]  }
0x1a: {  	s8 =	sadd.s32 $0xFFFFE003, lr  }
0x1b: {  	s9 =	sadd.s32 $0xFFFFFEF7, lr;
	s5 =	simm.s32 $0xFFFFFFFF;
	p2 =	slt.u32 s8, $0xFFFFF086  }
0x1c: {  	p1 =	slt.u32 s9, $0xF7A;
	s5 =	simm.s32 @!p2 $0x0  }
0x1d: {  	s5 =	simm.s32 @p1 $0x1;
	p0 =	seq.s32 s7, s2  }
0x1e: {  	s7 =	smul.u32 @!p0 $0xF7A, s2;
	p2 =	seq.s32 @!p0 s5, $0x0  }
0x1f: {  	s9 =	smul.u32 $0xF7A, s1;
	s8 =	simm.s32 @!p0 $0x1BF5;
	p2 =	por !p2, p0  }
0x20: {  	[sflag:s8] =	ssyncset.s32 @!p0 $0xFFFFF086;
	s6 =	sadd.s32 @!p0 s3, s7;
	s7 =	simm.s32 @!p0 $0x108  }
0x21: {  	s3 =	sadd.s32 s3, s9;
	s6 =	sadd.s32 @!p0 $0x88, s6;
	s7 =	simm.s32 @p2 $0x1082  }
0x22: {  	[simem:s7], [sflag:s8] =	dma.local @!p0 [hbm:s6], $0xF7A  }
0x23: {  	s9 =	sor.u32 $0xD0000000, s2;
	s6 =	simm.s32 $0x108;
	_ =	swait.ge @!p0 [sflag:s8], $0x0  }
0x24: {  	s3 =	sadd.s32 $0x88, s3;
	s6 =	simm.s32 @!p1 $0x1082;
	[sflag:s4] =	ssyncset.s32 $0xFFFFF086  }
0x25: {  	[simem:s6], [sflag:s4] =	dma.local [hbm:s3], $0xF7A  }
0x26: {  	[smem:$0x3F9F] =	sst s1;
	(tag) =	ssettag s2;
	_ =	strace s9  }
0x27: {  	s1 =	sld [smem:$0x3FAF]  }
0x28: {  	s2 =	sld [smem:$0x3FB0]  }
0x29: {  	s4 =	sld [smem:$0x3FB2]  }
0x2a: {  	p0 =	seq.s32 s5, $0x0;
	s5 =	sld [smem:$0x3FB3]  }
0x2b: {  	s6 =	sld [smem:$0x3FB4]  }
0x2c: {  	s7 =	sld [smem:$0x3FB5]  }
0x2d: {  	s3 =	simm.s32 $0x108;
	s8 =	sld [smem:$0x3FB6]  }
0x2e: {  	s3 =	simm.s32 @!p0 $0x1082;
	s9 =	sld [smem:$0x3FB7]  }
0x2f: {  	lr =	sadd.s32 s0, s3;
	s0 =	sld [smem:$0x3FAE]  }
0x30: {  	s3 =	sld [smem:$0x3FB1]  }
0x31: {  	[smem:$0x3FBA] =	sst s10  }
0x32: {  	s10 =	sld [smem:$0x3FB8];
	_ =	sdelay $0x3  }
0x33: {  	p0 =	seq.s32 s10, $0x1;
	s10 =	sld [smem:$0x3FBA];
	_ =	sdelay $0x3  }
0x34: {  	[smem:$0x3FBA] =	sst s10  }
0x35: {  	s10 =	sld [smem:$0x3FB9];
	_ =	sdelay $0x3  }
0x36: {  	p1 =	seq.s32 s10, $0x1;
	s10 =	sld [smem:$0x3FBA];
	_ =	sdelay $0x3  }
0x37: {  	[smem:$0x3FBA] =	sst s10  }
0x38: {  	s10 =	sld [smem:$0x3FBB]  }
0x39: {  	_ = 	snop;
	(pc) =	sbr.ind lr, $3  }
0x3a: {  	_ = 	snop  }
0x3b: {  	_ = 	snop  }
0x3c: {  	p2 =	seq.s32 s10, $0x1;
	s10 =	sld [smem:$0x3FBA]  }
0x3d: {  	_ =	shalt  }
0x3e: {  	_ =	shalt  }
0x3f: {  	_ =	shalt  }
0x40: {  	_ =	shalt  }
0x41: {  	_ =	shalt  }
0x42: {  	_ =	shalt  }
0x43: {  	_ =	shalt  }
0x44: {  	_ =	shalt  }
0x45: {  	_ =	shalt  }
0x46: {  	_ =	shalt  }
0x47: {  	_ =	shalt  }
0x48: {  	_ =	shalt  }
0x49: {  	_ =	shalt  }
0x4a: {  	_ =	shalt  }
0x4b: {  	_ =	shalt  }
0x4c: {  	_ =	shalt  }
0x4d: {  	_ =	shalt  }
0x4e: {  	_ =	shalt  }
0x4f: {  	_ =	shalt  }
0x50: {  	_ =	shalt  }
0x51: {  	_ =	shalt  }
0x52: {  	_ =	shalt  }
0x53: {  	_ =	shalt  }
0x54: {  	_ =	shalt  }
0x55: {  	_ =	shalt  }
0x56: {  	_ =	shalt  }
0x57: {  	_ =	shalt  }
0x58: {  	_ =	shalt  }
0x59: {  	_ =	shalt  }
0x5a: {  	_ =	shalt  }
0x5b: {  	_ =	shalt  }
0x5c: {  	_ =	shalt  }
0x5d: {  	_ =	shalt  }
0x5e: {  	_ =	shalt  }
0x5f: {  	_ =	shalt  }
0x60: {  	_ =	shalt  }
0x61: {  	_ =	shalt  }
0x62: {  	_ =	shalt  }
0x63: {  	_ =	shalt  }
0x64: {  	_ =	shalt  }
0x65: {  	_ =	shalt  }
0x66: {  	_ =	shalt  }
0x67: {  	_ =	shalt  }
0x68: {  	_ =	shalt  }
0x69: {  	_ =	shalt  }
0x6a: {  	_ =	shalt  }
0x6b: {  	_ =	shalt  }
0x6c: {  	_ =	shalt  }
0x6d: {  	_ =	shalt  }
0x6e: {  	_ =	shalt  }
0x6f: {  	_ =	shalt  }
0x70: {  	_ =	shalt  }
0x71: {  	_ =	shalt  }
0x72: {  	_ =	shalt  }
0x73: {  	_ =	shalt  }
0x74: {  	_ =	shalt  }
0x75: {  	_ =	shalt  }
0x76: {  	_ =	shalt  }
0x77: {  	_ =	shalt  }
0x78: {  	_ =	shalt  }
0x79: {  	_ =	shalt  }
0x7a: {  	_ =	shalt  }
0x7b: {  	_ =	shalt  }
0x7c: {  	_ =	shalt  }
0x7d: {  	_ =	shalt  }
0x7e: {  	_ =	shalt  }
0x7f: {  	_ =	shalt  }
0x80: {  	_ =	shalt  }
0x81: {  	_ =	shalt  }
0x82: {  	_ =	shalt  }
0x83: {  	_ =	shalt  }
0x84: {  	_ =	shalt  }
0x85: {  	_ =	shalt  }
0x86: {  	_ =	shalt  }
0x87: {  	_ =	shalt  }
.Lfunc_end0:
.L_simem_size_0:
called_computation.1_lowered:
.L_overlay_start_0:
0x88: {  	s2 =	sld [smem:$0x3FD9]  }
0x89: {  	s3 =	sld [smem:$0x3FFE];
	_ =	sdelay $0x1  }
0x8a: {  	s1 =	srdreg.scid  }
0x8b: {  	s0 =	sand.u32 $0x1, s1  }
0x8c: {  	s17 =	sshll.u32 s0, $0xA;
	s2 =	sadd.s32 s3, s2  }
0x8d: {  	s2 =	sadd.s32 s2, s17  }
0x8e: {  	[smem:$0x3FC6] =	sst s2  }
0x8f: {  	_ = 	snop  }
0x90: {  	s2 =	sld [smem:$0x3FD0];
	(tm) =	ssettm $0x1  }
0x91: {  	s18 =	sld [smem:$0x3FFB];
	_ =	sdelay $0x3  }
0x92: {  	_ =	strace s18  }
0x93: {  	s3 =	sld [smem:$0x3FFC];
	_ =	sdelay $0x3  }
0x94: {  	_ =	strace s3  }
0x95: {  	s3 =	sld [smem:$0x3FFD];
	_ =	sdelay $0x3  }
0x96: {  	_ =	strace s3  }
0x97: {  	_ =	strace $0x8FFFFFFF  }
0x98: {  	s19 =	sld [smem:$0x3FDB];
	_ =	sdelay $0x1  }
0x99: {  	s4 =	simm.s32 $_scs_section_size  }
0x9a: {  	s5 =	simm.s32 $_size__tile_overlayer_lowered;
	s6 =	simm.s32 $_tile_overlayer_lowered  }
0x9b: {  	s22 =	simm.s32 $0x1BFF;
	s21 =	sshll.u32 s6, $0x1;
	s3 =	sadd.s32 s4, s19  }
0x9c: {  	s7 =	simm.s32 $0x0;
	s20 =	sshll.u32 s5, $0x1;
	s5 =	sadd.s32 s21, s3  }
0x9d: {  	[timem:s7], [sflag:s22] =	dma.local [hbm:s5], s20  }
0x9e: {  	_ =	swait.ge [sflag:s22], s20  }
0x9f: {  	s4 =	ssub.s32 $0x0, s20;
	[sflag:s22] =	ssyncset.done $0x0  }
0xa0: {  	[sflag:s22] =	ssyncadd.s32 s4;
	_ =	sdelay $0x1  }
0xa1: {  	s23 =	simm.s32 $0x1B8B  }
0xa2: {  	_ =	swait.ge [sflag:s23], $0x1  }
0xa3: {  	[sflag:s23] =	ssyncset.done $0x0  }
0xa4: {  	s25 =	simm.s32 $0x1B8E;
	s24 =	sld [smem:$0x3FFE];
	[sflag:s23] =	ssyncadd.s32 $0xFFFFFFFF  }
0xa5: {  	s26 =	simm.s32 $execute0_lowered;
	[smem:$0x3FD2] =	sst s25  }
0xa6: {  	s5 =	sshll.u32 s26, $0x1;
	_ =	strace $0x80000046;
	[dreg:$0x1] =	wrdreg $0xFFFFFFFF  }
0xa7: {  	s28 =	simm.s32 $_size_execute0_lowered;
	s3 =	sadd.s32 s3, s5;
	[dreg:$0x0] =	wrdreg $0x0  }
0xa8: {  	s5 =	sshll.u32 s28, $0x1;
	[dreg:$0x2] =	wrdreg s3  }
0xa9: {  	[dreg:$0x3] =	wrdreg s5  }
0xaa: {  	[dreg:$0x4] =	wrdreg $0xC0  }
0xab: {  	_ =	task [dreg:s7], $0x5FFFF  }
0xac: {  	[dreg:$0x1] =	wrdreg $0xFFFFFFFF  }
0xad: {  	[dreg:$0x0] =	wrdreg $0x60  }
0xae: {  	[dreg:$0x2] =	wrdreg s24  }
0xaf: {  	[dreg:$0x3] =	wrdreg s2  }
0xb0: {  	[dreg:$0x4] =	wrdreg $0x9  }
0xb1: {  	_ =	task.clear_ibuf [dreg:s7], $0x5FFFF;
	_ =	strace $0x90000046  }
0xb2: {  	s29 =	simm.s32 $0x9;
	_ =	strace $0x80000048  }
0xb3: {  	_ =	swait.ge [sflag:s29], $0x1  }
0xb4: {  	[sflag:s29] =	ssyncadd.s32 $0xFFFFFFFF  }
0xb5: {  	_ =	strace $0x90000048  }
0xb6: {  	_ =	sfence  }
0xb7: {  	s30 =	sld [smem:$0x0];
	_ =	sdelay $0x2  }
0xb8: {  	s31 =	sshll.u32 s1, $0xD;
	s1 =	sshrl.u32 s1, $0x2  }
0xb9: {  	s3 =	sand.u32 $0x4000, s31;
	s1 =	sadd.s32 s1, s30  }
0xba: {  	s0 =	sor.u32 s3, s0;
	s1 =	sshll.u32 s1, $0x11  }
0xbb: {  	s0 =	sor.u32 s1, s0  }
0xbc: {  	s0 =	sadd.s32 $0x8F2B, s0  }
0xbd: {  	[sflag:s0] =	ssyncadd.remote.s32 $0x1  }
0xbe: {  	_ =	sfence.sel $0xFFFF  }
0xbf: {  	[dreg:$0x0] =	wrdreg $0xFFFFFFFF;
	(pc) =	sbr.abs _section_cstart, $3  }
0xc0: {  	[dreg:$0x1] =	wrdreg $0xFFFFFFFF  }
0xc1: {  	_ =	task.clear_ibuf [dreg:s7], $0x2FFFF;
	_ =	strace $0x9FFFFFFF  }
0xc2: {  	(tm) =	ssettm $0x7FFFFFFF  }
0xc3: {  	_ =	shalt  }
tec
execute0_lowered:
.L_overlay_start_1:
0x0: {  	(tag) =	ssettag $0x1  }
0x1: {  	s1 =	rddreg [dreg:$0x0];
	s2 =	srdreg.scid  }
0x2: {  	s3 =	rddreg [dreg:$0x1];
	s0 =	stileid.u32;
	s5 =	sand.u32 $0x1, s2  }
0x3: {  	s4 =	sshll.u32 s0, $0xA;
	[smem:$0x7E9] =	sst s5;
	s5 =	sshll.u32 s5, $0x9  }
0x4: {  	p0 =	por $0x0, $0x0;
	s2 =	simm.s32 $0x0;
	s4 =	sor.u32 s5, s4  }
0x5: {  	s6 =	sadd.s32 $0xA00, s1;
	[smem:$0x7FF] =	sst s2;
	s7 =	sshrl.u32 s4, $0x3  }
0x6: {  	_ =	strace $0x80000047;
	s5 =	sor.u32 $0x4000, s4;
	s7 =	sadd.s32 s6, s7  }
0x7: {  	s8 =	sshrl.u32 s5, $0x3;
	[dreg:$0x3] =	wrdreg s7;
	s7 =	sor.u32 $0x8000, s4  }
0x8: {  	s12 =	sor.u32 $0x18000, s4;
	s8 =	sadd.s32 s6, s8;
	s9 =	sshrl.u32 s7, $0x3  }
0x9: {  	[dreg:$0x4] =	wrdreg s8;
	s8 =	sor.u32 $0xC000, s4;
	s10 =	sadd.s32 s6, s9  }
0xa: {  	s11 =	sshrl.u32 s8, $0x3;
	s9 =	sor.u32 $0x10000, s4;
	s8 =	sshll.u32 s8, $0x3  }
0xb: {  	[dreg:$0x5] =	wrdreg s10;
	s14 =	sadd.s32 s6, s11;
	s15 =	sshrl.u32 s9, $0x3  }
0xc: {  	s11 =	sor.u32 $0x14000, s4;
	s10 =	sor.u32 $0x1C000, s4;
	[dreg:$0x6] =	wrdreg s14  }
0xd: {  	s16 =	sadd.s32 s6, s15;
	s17 =	sshrl.u32 s11, $0x3;
	s14 =	sshrl.u32 s12, $0x3  }
0xe: {  	s19 =	sshrl.u32 s10, $0x3;
	[dreg:$0x7] =	wrdreg s16;
	s13 =	sadd.s32 s6, s17  }
0xf: {  	s18 =	sadd.s32 s6, s14;
	s14 =	sadd.s32 s6, s19;
	[dreg:$0x8] =	wrdreg s13  }
0x10: {  	s13 =	sor.u32 $0x20000, s4;
	[dreg:$0xa] =	wrdreg s14;
	s14 =	sor.u32 $0x24000, s4  }
0x11: {  	[dreg:$0x9] =	wrdreg s18;
	s15 =	sshrl.u32 s13, $0x3;
	s17 =	sshrl.u32 s14, $0x3  }
0x12: {  	s13 =	sshll.u32 s13, $0x3;
	s16 =	sadd.s32 s6, s15;
	s15 =	sor.u32 $0x28000, s4  }
0x13: {  	s20 =	sadd.s32 s6, s17;
	[dreg:$0xb] =	wrdreg s16;
	s21 =	sshrl.u32 s15, $0x3  }
0x14: {  	[dreg:$0xc] =	wrdreg s20;
	s16 =	sor.u32 $0x2C000, s4;
	s17 =	sadd.s32 s6, s21  }
0x15: {  	s18 =	sshrl.u32 s16, $0x3;
	[dreg:$0xd] =	wrdreg s17;
	s17 =	sor.u32 $0x30000, s4  }
0x16: {  	s19 =	sadd.s32 s6, s18;
	s18 =	sor.u32 $0x34000, s4;
	s20 =	sshrl.u32 s17, $0x3  }
0x17: {  	[dreg:$0xe] =	wrdreg s19;
	s23 =	sshrl.u32 s18, $0x3;
	s22 =	sadd.s32 s6, s20  }
0x18: {  	s19 =	sor.u32 $0x38000, s4;
	s20 =	sadd.s32 s6, s23;
	[dreg:$0xf] =	wrdreg s22  }
0x19: {  	s21 =	sshrl.u32 s19, $0x3;
	[dreg:$0x10] =	wrdreg s20;
	s20 =	sor.u32 $0x3C000, s4  }
0x1a: {  	s22 =	sadd.s32 s6, s21;
	s21 =	sor.u32 $0x40000, s4;
	s23 =	sshrl.u32 s20, $0x3  }
0x1b: {  	[dreg:$0x11] =	wrdreg s22;
	s25 =	sshrl.u32 s21, $0x3;
	s24 =	sadd.s32 s6, s23  }
0x1c: {  	s22 =	sor.u32 $0x44000, s4;
	s23 =	sadd.s32 s6, s25;
	[dreg:$0x12] =	wrdreg s24  }
0x1d: {  	[dreg:$0x13] =	wrdreg s23;
	s24 =	sshrl.u32 s22, $0x3;
	s23 =	sor.u32 $0x48000, s4  }
0x1e: {  	s25 =	sadd.s32 s6, s24;
	s26 =	sshrl.u32 s23, $0x3;
	s24 =	sor.u32 $0x4C000, s4  }
0x1f: {  	[dreg:$0x14] =	wrdreg s25;
	s26 =	sadd.s32 s6, s26;
	s0 =	sshrl.u32 s24, $0x3  }
0x20: {  	s25 =	sor.u32 $0x50000, s4;
	[dreg:$0x15] =	wrdreg s26;
	s26 =	sadd.s32 s6, s0  }
0x21: {  	s28 =	sshrl.u32 s25, $0x3;
	[dreg:$0x16] =	wrdreg s26;
	s26 =	sor.u32 $0x54000, s4  }
0x22: {  	s29 =	sadd.s32 s6, s28;
	s28 =	sor.u32 $0x58000, s4;
	s30 =	sshrl.u32 s26, $0x3  }
0x23: {  	[dreg:$0x17] =	wrdreg s29;
	s29 =	sadd.s32 s6, s30;
	s30 =	sshrl.u32 s28, $0x3  }
0x24: {  	[dreg:$0x18] =	wrdreg s29;
	s30 =	sadd.s32 s6, s30;
	s29 =	sor.u32 $0x5C000, s4  }
0x25: {  	[dreg:$0x19] =	wrdreg s30;
	s31 =	sshrl.u32 s29, $0x3;
	s30 =	sor.u32 $0x60000, s4  }
0x26: {  	s0 =	sadd.s32 s6, s31;
	s1 =	sshrl.u32 s30, $0x3;
	s31 =	sor.u32 $0x64000, s4  }
0x27: {  	[dreg:$0x1a] =	wrdreg s0;
	s0 =	sadd.s32 s6, s1;
	s1 =	sshrl.u32 s31, $0x3  }
0x28: {  	[dreg:$0x1b] =	wrdreg s0;
	s1 =	sadd.s32 s6, s1;
	s6 =	sshll.u32 s4, $0x3  }
0x29: {  	s4 =	sshll.u32 s5, $0x3;
	[dreg:$0x1c] =	wrdreg s1;
	s1 =	sadd.s32 s3, s6  }
0x2a: {  	s21 =	sshll.u32 s21, $0x3;
	s5 =	sadd.s32 s3, s4;
	[dreg:$0x1d] =	wrdreg s1  }
0x2b: {  	s6 =	sshll.u32 s7, $0x3;
	s4 =	sshll.u32 s9, $0x3;
	[dreg:$0x1e] =	wrdreg s5  }
0x2c: {  	s7 =	sadd.s32 s3, s6;
	s6 =	sshll.u32 s11, $0x3;
	s11 =	sld [smem:$0x7E9]  }
0x2d: {  	s1 =	sadd.s32 s3, s8;
	s5 =	sadd.s32 s3, s4;
	[dreg:$0x1f] =	wrdreg s7  }
0x2e: {  	s8 =	sshll.u32 s12, $0x3;
	s12 =	sshll.u32 s10, $0x3;
	[smem:$0x7E6] =	sst s1  }
0x2f: {  	[smem:$0x7E7] =	sst s5;
	s7 =	sadd.s32 s3, s6;
	s9 =	sadd.s32 s3, s8  }
0x30: {  	s0 =	sadd.s32 s3, s12;
	s6 =	sadd.s32 s3, s13;
	[smem:$0x7E8] =	sst s7  }
0x31: {  	s13 =	sshll.u32 s17, $0x3;
	s17 =	sshll.u32 s19, $0x3;
	[smem:$0x7EA] =	sst s9  }
0x32: {  	s19 =	sshll.u32 s20, $0x3;
	s5 =	sadd.s32 s3, s21;
	[smem:$0x7EB] =	sst s0  }
0x33: {  	s7 =	sshll.u32 s14, $0x3;
	[smem:$0x7EC] =	sst s6;
	s9 =	sshll.u32 s15, $0x3  }
0x34: {  	s14 =	sadd.s32 s3, s13;
	s15 =	sshll.u32 s18, $0x3;
	s18 =	sadd.s32 s3, s17  }
0x35: {  	s20 =	sadd.s32 s3, s19;
	s6 =	sshll.u32 s22, $0x3;
	[smem:$0x7F4] =	sst s5  }
0x36: {  	s22 =	sshll.u32 s31, $0x3;
	s0 =	simm.s32 $0x2000;
	s31 =	simm.s32 $0x2200  }
0x37: {  	s5 =	simm.s32 $0x5;
	s1 =	ssub.s32 $0x2, s11;
	[smem:$0x7F0] =	sst s14  }
0x38: {  	s8 =	sadd.s32 s3, s7;
	s10 =	sadd.s32 s3, s9;
	[smem:$0x7F2] =	sst s18  }
0x39: {  	s11 =	sshll.u32 s16, $0x3;
	s16 =	sadd.s32 s3, s15;
	[smem:$0x7F3] =	sst s20  }
0x3a: {  	s7 =	sadd.s32 s3, s6;
	s14 =	sshll.u32 s26, $0x3;
	s18 =	sshll.u32 s29, $0x3  }
0x3b: {  	s20 =	sshll.u32 s30, $0x3;
	s30 =	simm.s32 $0x2400;
	[smem:$0x7ED] =	sst s8  }
0x3c: {  	s29 =	simm.s32 $0x2600;
	s26 =	simm.s32 $0x2A00;
	[smem:$0x7EE] =	sst s10  }
0x3d: {  	s6 =	simm.s32 $0x4;
	s4 =	sshrl.u32 s1, $0x1;
	[smem:$0x7F1] =	sst s16  }
0x3e: {  	s12 =	sadd.s32 s3, s11;
	s8 =	sshll.u32 s23, $0x3;
	[smem:$0x7F5] =	sst s7  }
0x3f: {  	s10 =	sshll.u32 s24, $0x3;
	s15 =	sadd.s32 s3, s14;
	s16 =	sshll.u32 s28, $0x3  }
0x40: {  	s19 =	sadd.s32 s3, s18;
	s21 =	sadd.s32 s3, s20;
	s23 =	sadd.s32 s3, s22  }
0x41: {  	s24 =	rddreg [dreg:$0x0];
	s18 =	simm.s32 $0x1400;
	s28 =	simm.s32 $0x2800  }
0x42: {  	s22 =	simm.s32 $0x3200;
	s7 =	simm.s32 $0xB400;
	[smem:$0x7EF] =	sst s12  }
0x43: {  	s14 =	simm.s32 $0x3;
	s9 =	sadd.s32 s3, s8;
	[smem:$0x7F9] =	sst s15  }
0x44: {  	s11 =	sadd.s32 s3, s10;
	s12 =	sshll.u32 s25, $0x3;
	[smem:$0x7FB] =	sst s19  }
0x45: {  	s17 =	sadd.s32 s3, s16;
	s1 =	ssub.s32 s1, s4;
	[smem:$0x7FC] =	sst s21  }
0x46: {  	[smem:$0x7FD] =	sst s23;
	s4 =	simm.s32 $0x200;
	s16 =	simm.s32 $0x1800  }
0x47: {  	s15 =	simm.s32 $0x1A00;
	s23 =	simm.s32 $0x3000;
	s19 =	simm.s32 $0x7  }
0x48: {  	s8 =	simm.s32 $0x3400;
	s21 =	rddreg [dreg:$0x3];
	s25 =	smax.u32 s1, $0x1  }
0x49: {  	s10 =	simm.s32 $0x2;
	[smem:$0x7F6] =	sst s9;
	p1 =	sne.s32 s25, $0x1  }
.Ltmp0:
0x4a: {  	[smem:$0x7F7] =	sst s11;
	s13 =	sadd.s32 s3, s12;
	(pc) =	sbr.rel @!p1 .LBB2_3-.Ltmp0, $4  }
0x4b: {  	[smem:$0x7FA] =	sst s17;
	s3 =	sadd.s32 $0xF42E00, s24;
	s17 =	simm.s32 $0x1600  }
0x4c: {  	s1 =	simm.s32 $0x1E00;
	s24 =	simm.s32 $0x2E00;
	s12 =	simm.s32 $0x13400  }
0x4d: {  	s11 =	simm.s32 $0x1;
	s9 =	simm.s32 $0x6;
	[smem:$0x7F8] =	sst s13  }
0x4e: {  	s13 =	simm.s32 $0x1C00;
	s20 =	sadd.s32 $0xFFFFFFFF, s25;
	s25 =	simm.s32 $0x2C00  }
0x4f: {  	[smem:$0x7E5] =	sst s20  }
0x50: {  	s20 =	rddreg [dreg:$0x4]  }
0x51: {  	[tilespmem:s2], [sflag:$0x7] =	stream.linear.gather [hbm4b:s21+s2], $0x200, $0x38;
	[tilespmem:$0x1B400] =	vst v63  }
0x52: {  	s21 =	rddreg [dreg:$0x5]  }
0x53: {  	[tilespmem:s4], [sflag:$0x7] =	stream.linear.gather [hbm4b:s20+s2], $0x200, $0x38;
	[tilespmem:$0x1B400] =	vst v63  }
0x54: {  	s20 =	rddreg [dreg:$0x6]  }
0x55: {  	[smem:$0x7DD] =	sst s20;
	s20 =	simm.s32 $0x400  }
0x56: {  	[tilespmem:s20], [sflag:$0x7] =	stream.linear.gather [hbm4b:s21+s2], $0x200, $0x38;
	[tilespmem:$0x1B400] =	vst v63  }
0x57: {  	s21 =	rddreg [dreg:$0x7]  }
0x58: {  	[smem:$0x7DE] =	sst s21  }
0x59: {  	s21 =	sld [smem:$0x7DD];
	_ =	sdelay $0x1  }
0x5a: {  	s20 =	simm.s32 $0x600  }
0x5b: {  	[tilespmem:s20], [sflag:$0x7] =	stream.linear.gather [hbm4b:s21+s2], $0x200, $0x38;
	[tilespmem:$0x1B400] =	vst v63  }
0x5c: {  	s21 =	rddreg [dreg:$0x8]  }
0x5d: {  	[smem:$0x7DF] =	sst s21  }
0x5e: {  	s21 =	sld [smem:$0x7DE];
	_ =	sdelay $0x1  }
0x5f: {  	s20 =	simm.s32 $0x800  }
0x60: {  	[tilespmem:s20], [sflag:$0x7] =	stream.linear.gather [hbm4b:s21+s2], $0x200, $0x38;
	[tilespmem:$0x1B400] =	vst v63  }
0x61: {  	s21 =	rddreg [dreg:$0x9]  }
0x62: {  	[smem:$0x7E0] =	sst s21  }
0x63: {  	s21 =	sld [smem:$0x7DF];
	_ =	sdelay $0x1  }
0x64: {  	s20 =	simm.s32 $0xA00  }
0x65: {  	[tilespmem:s20], [sflag:$0x7] =	stream.linear.gather [hbm4b:s21+s2], $0x200, $0x38;
	[tilespmem:$0x1B400] =	vst v63  }
0x66: {  	s21 =	rddreg [dreg:$0xa]  }
0x67: {  	[smem:$0x7E1] =	sst s21  }
0x68: {  	s21 =	sld [smem:$0x7E0];
	_ =	sdelay $0x1  }
0x69: {  	s20 =	simm.s32 $0xC00  }
0x6a: {  	[tilespmem:s20], [sflag:$0x7] =	stream.linear.gather [hbm4b:s21+s2], $0x200, $0x38;
	[tilespmem:$0x1B400] =	vst v63  }
0x6b: {  	s21 =	rddreg [dreg:$0xb]  }
0x6c: {  	[smem:$0x7E2] =	sst s21  }
0x6d: {  	s21 =	sld [smem:$0x7E1];
	_ =	sdelay $0x1  }
0x6e: {  	s20 =	simm.s32 $0xE00  }
0x6f: {  	[tilespmem:s20], [sflag:$0x7] =	stream.linear.gather [hbm4b:s21+s2], $0x200, $0x38;
	[tilespmem:$0x1B400] =	vst v63  }
0x70: {  	s21 =	rddreg [dreg:$0xc]  }
0x71: {  	[smem:$0x7E3] =	sst s21  }
0x72: {  	s21 =	sld [smem:$0x7E2];
	_ =	sdelay $0x1  }
0x73: {  	s20 =	simm.s32 $0x1000  }
0x74: {  	[tilespmem:s20], [sflag:$0x7] =	stream.linear.gather [hbm4b:s21+s2], $0x200, $0x38;
	[tilespmem:$0x1B400] =	vst v63  }
0x75: {  	s21 =	rddreg [dreg:$0xd]  }
0x76: {  	[smem:$0x7E4] =	sst s21  }
0x77: {  	s21 =	sld [smem:$0x7E3];
	_ =	sdelay $0x1  }
0x78: {  	s20 =	simm.s32 $0x1200  }
0x79: {  	[tilespmem:s20], [sflag:$0x7] =	stream.linear.gather [hbm4b:s21+s2], $0x200, $0x38;
	[tilespmem:$0x1B400] =	vst v63  }
0x7a: {  	s21 =	sld [smem:$0x7E4];
	_ =	sdelay $0x2  }
0x7b: {  	[tilespmem:s18], [sflag:$0x7] =	stream.linear.gather [hbm4b:s21+s2], $0x200, $0x38;
	[tilespmem:$0x1B400] =	vst v63  }
0x7c: {  	s20 =	rddreg [dreg:$0xe]  }
0x7d: {  	[tilespmem:s17], [sflag:$0x7] =	stream.linear.gather [hbm4b:s20+s2], $0x200, $0x38;
	[tilespmem:$0x1B400] =	vst v63  }
0x7e: {  	s21 =	rddreg [dreg:$0xf]  }
0x7f: {  	[tilespmem:s16], [sflag:$0x7] =	stream.linear.gather [hbm4b:s21+s2], $0x200, $0x38;
	[tilespmem:$0x1B400] =	vst v63  }
0x80: {  	s20 =	rddreg [dreg:$0x10]  }
0x81: {  	[tilespmem:s15], [sflag:$0x7] =	stream.linear.gather [hbm4b:s20+s2], $0x200, $0x38;
	[tilespmem:$0x1B400] =	vst v63  }
0x82: {  	s21 =	rddreg [dreg:$0x11]  }
0x83: {  	[tilespmem:s13], [sflag:$0x7] =	stream.linear.gather [hbm4b:s21+s2], $0x200, $0x38;
	[tilespmem:$0x1B400] =	vst v63  }
0x84: {  	s20 =	rddreg [dreg:$0x12]  }
0x85: {  	[tilespmem:s1], [sflag:$0x7] =	stream.linear.gather [hbm4b:s20+s2], $0x200, $0x38;
	[tilespmem:$0x1B400] =	vst v63  }
0x86: {  	s21 =	rddreg [dreg:$0x13]  }
0x87: {  	[tilespmem:s0], [sflag:$0x7] =	stream.linear.gather [hbm4b:s21+s2], $0x200, $0x38;
	[tilespmem:$0x1B400] =	vst v63  }
0x88: {  	s20 =	rddreg [dreg:$0x14]  }
0x89: {  	[tilespmem:s31], [sflag:$0x7] =	stream.linear.gather [hbm4b:s20+s2], $0x200, $0x38;
	[tilespmem:$0x1B400] =	vst v63  }
0x8a: {  	s21 =	rddreg [dreg:$0x15]  }
0x8b: {  	[tilespmem:s30], [sflag:$0x7] =	stream.linear.gather [hbm4b:s21+s2], $0x200, $0x38;
	[tilespmem:$0x1B400] =	vst v63  }
0x8c: {  	s20 =	rddreg [dreg:$0x16]  }
0x8d: {  	[tilespmem:s29], [sflag:$0x7] =	stream.linear.gather [hbm4b:s20+s2], $0x200, $0x38;
	[tilespmem:$0x1B400] =	vst v63  }
0x8e: {  	s21 =	rddreg [dreg:$0x17]  }
0x8f: {  	[tilespmem:s28], [sflag:$0x7] =	stream.linear.gather [hbm4b:s21+s2], $0x200, $0x38;
	[tilespmem:$0x1B400] =	vst v63  }
0x90: {  	s20 =	rddreg [dreg:$0x18]  }
0x91: {  	[tilespmem:s26], [sflag:$0x7] =	stream.linear.gather [hbm4b:s20+s2], $0x200, $0x38;
	[tilespmem:$0x1B400] =	vst v63  }
0x92: {  	s21 =	rddreg [dreg:$0x19]  }
0x93: {  	[tilespmem:s25], [sflag:$0x7] =	stream.linear.gather [hbm4b:s21+s2], $0x200, $0x38;
	[tilespmem:$0x1B400] =	vst v63  }
0x94: {  	s20 =	rddreg [dreg:$0x1a]  }
0x95: {  	[tilespmem:s24], [sflag:$0x7] =	stream.linear.gather [hbm4b:s20+s2], $0x200, $0x38;
	[tilespmem:$0x1B400] =	vst v63  }
0x96: {  	s21 =	rddreg [dreg:$0x1b]  }
0x97: {  	[tilespmem:s23], [sflag:$0x7] =	stream.linear.gather [hbm4b:s21+s2], $0x200, $0x38;
	[tilespmem:$0x1B400] =	vst v63  }
0x98: {  	s20 =	rddreg [dreg:$0x1c]  }
0x99: {  	[tilespmem:s22], [sflag:$0x7] =	stream.linear.gather [hbm4b:s20+s2], $0x200, $0x38;
	[tilespmem:$0x1B400] =	vst v63  }
0x9a: {  	_ =	swait.ge [sflag:s19], $0x200  }
0x9b: {  	[sflag:s19] =	ssyncset.done $0x0  }
0x9c: {  	[sflag:s19] =	ssyncadd.s32 $0xFFFFFE00  }
0x9d: {  	_ =	swait.ge [sflag:s19], $0x200  }
0x9e: {  	[sflag:s19] =	ssyncset.done $0x0  }
0x9f: {  	[sflag:s19] =	ssyncadd.s32 $0xFFFFFE00  }
0xa0: {  	_ =	swait.ge [sflag:s19], $0x200  }
0xa1: {  	[sflag:s19] =	ssyncset.done $0x0  }
0xa2: {  	[sflag:s19] =	ssyncadd.s32 $0xFFFFFE00  }
0xa3: {  	_ =	swait.ge [sflag:s19], $0x200  }
0xa4: {  	[sflag:s19] =	ssyncset.done $0x0  }
0xa5: {  	[sflag:s19] =	ssyncadd.s32 $0xFFFFFE00  }
0xa6: {  	_ =	swait.ge [sflag:s19], $0x200  }
0xa7: {  	[sflag:s19] =	ssyncset.done $0x0  }
0xa8: {  	[sflag:s19] =	ssyncadd.s32 $0xFFFFFE00  }
0xa9: {  	_ =	swait.ge [sflag:s19], $0x200  }
0xaa: {  	[sflag:s19] =	ssyncset.done $0x0  }
0xab: {  	[sflag:s19] =	ssyncadd.s32 $0xFFFFFE00  }
0xac: {  	_ =	swait.ge [sflag:s19], $0x200  }
0xad: {  	[sflag:s19] =	ssyncset.done $0x0  }
0xae: {  	[sflag:s19] =	ssyncadd.s32 $0xFFFFFE00  }
0xaf: {  	_ =	swait.ge [sflag:s19], $0x200  }
0xb0: {  	[sflag:s19] =	ssyncset.done $0x0  }
0xb1: {  	[sflag:s19] =	ssyncadd.s32 $0xFFFFFE00  }
0xb2: {  	_ =	swait.ge [sflag:s19], $0x200  }
0xb3: {  	[sflag:s19] =	ssyncset.done $0x0  }
0xb4: {  	[sflag:s19] =	ssyncadd.s32 $0xFFFFFE00  }
0xb5: {  	_ =	swait.ge [sflag:s19], $0x200  }
0xb6: {  	[sflag:s19] =	ssyncset.done $0x0  }
0xb7: {  	[sflag:s19] =	ssyncadd.s32 $0xFFFFFE00  }
0xb8: {  	_ =	swait.ge [sflag:s19], $0x200  }
0xb9: {  	[sflag:s19] =	ssyncset.done $0x0  }
0xba: {  	[sflag:s19] =	ssyncadd.s32 $0xFFFFFE00  }
0xbb: {  	_ =	swait.ge [sflag:s19], $0x200  }
0xbc: {  	[sflag:s19] =	ssyncset.done $0x0  }
0xbd: {  	[sflag:s19] =	ssyncadd.s32 $0xFFFFFE00  }
0xbe: {  	_ =	swait.ge [sflag:s19], $0x200  }
0xbf: {  	[sflag:s19] =	ssyncset.done $0x0  }
0xc0: {  	[sflag:s19] =	ssyncadd.s32 $0xFFFFFE00  }
0xc1: {  	_ =	swait.ge [sflag:s19], $0x200  }
0xc2: {  	[sflag:s19] =	ssyncset.done $0x0  }
0xc3: {  	[sflag:s19] =	ssyncadd.s32 $0xFFFFFE00  }
0xc4: {  	_ =	swait.ge [sflag:s19], $0x200  }
0xc5: {  	[sflag:s19] =	ssyncset.done $0x0  }
0xc6: {  	[sflag:s19] =	ssyncadd.s32 $0xFFFFFE00  }
0xc7: {  	_ =	swait.ge [sflag:s19], $0x200  }
0xc8: {  	[sflag:s19] =	ssyncset.done $0x0  }
0xc9: {  	[sflag:s19] =	ssyncadd.s32 $0xFFFFFE00  }
0xca: {  	_ =	swait.ge [sflag:s19], $0x200  }
0xcb: {  	[sflag:s19] =	ssyncset.done $0x0  }
0xcc: {  	[sflag:s19] =	ssyncadd.s32 $0xFFFFFE00  }
0xcd: {  	_ =	swait.ge [sflag:s19], $0x200  }
0xce: {  	[sflag:s19] =	ssyncset.done $0x0  }
0xcf: {  	[sflag:s19] =	ssyncadd.s32 $0xFFFFFE00  }
0xd0: {  	_ =	swait.ge [sflag:s19], $0x200  }
0xd1: {  	[sflag:s19] =	ssyncset.done $0x0  }
0xd2: {  	[sflag:s19] =	ssyncadd.s32 $0xFFFFFE00  }
0xd3: {  	_ =	swait.ge [sflag:s19], $0x200  }
0xd4: {  	[sflag:s19] =	ssyncset.done $0x0  }
0xd5: {  	[sflag:s19] =	ssyncadd.s32 $0xFFFFFE00  }
0xd6: {  	_ =	swait.ge [sflag:s19], $0x200  }
0xd7: {  	[sflag:s19] =	ssyncset.done $0x0  }
0xd8: {  	[sflag:s19] =	ssyncadd.s32 $0xFFFFFE00  }
0xd9: {  	_ =	swait.ge [sflag:s19], $0x200  }
0xda: {  	[sflag:s19] =	ssyncset.done $0x0  }
0xdb: {  	[sflag:s19] =	ssyncadd.s32 $0xFFFFFE00  }
0xdc: {  	_ =	swait.ge [sflag:s19], $0x200  }
0xdd: {  	[sflag:s19] =	ssyncset.done $0x0  }
0xde: {  	[sflag:s19] =	ssyncadd.s32 $0xFFFFFE00  }
0xdf: {  	_ =	swait.ge [sflag:s19], $0x200  }
0xe0: {  	[sflag:s19] =	ssyncset.done $0x0  }
0xe1: {  	[sflag:s19] =	ssyncadd.s32 $0xFFFFFE00  }
0xe2: {  	_ =	swait.ge [sflag:s19], $0x200  }
0xe3: {  	[sflag:s19] =	ssyncset.done $0x0  }
0xe4: {  	[sflag:s19] =	ssyncadd.s32 $0xFFFFFE00  }
0xe5: {  	_ =	swait.ge [sflag:s19], $0x200  }
0xe6: {  	[sflag:s19] =	ssyncset.done $0x0  }
0xe7: {  	[sflag:s19] =	ssyncadd.s32 $0xFFFFFE00  }
0xe8: {  	[tilespmem:s8], [sflag:$0x1] =	stream.indirect.gather [hbm4b:s3+s4], $0x40, s2, s4, $0xb8;
	[tilespmem:$0x1B400] =	vst v63  }
0xe9: {  	_ = 	snop  }
0xea: {  	[tilespmem:s7], [sflag:$0x2] =	stream.indirect.gather [hbm4b:s3+s4], $0x40, s4, s4, $0xb8;
	[tilespmem:$0x1B400] =	vst v63  }
0xeb: {  	s21 =	simm.s32 $0x400  }
0xec: {  	[tilespmem:s12], [sflag:$0x3] =	stream.indirect.gather [hbm4b:s3+s4], $0x40, s21, s4, $0xb8;
	[tilespmem:$0x1B400] =	vst v63  }
0xed: {  	_ =	swait.ge [sflag:s11], $0x8000  }
0xee: {  	[sflag:s11] =	ssyncset.done $0x0  }
0xef: {  	s21 =	rddreg [dreg:$0x1d];
	[sflag:s11] =	ssyncadd.s32 $0xFFFF8000  }
0xf0: {  	[hbm4b:s21+s2] =	stream.linear.scatter [tilespmem:s8], [sflag:$0x4], $0x8000, $0x38;
	[tilespmem:$0x1B400] =	vst v63  }
0xf1: {  	_ =	swait.ge [sflag:s6], $0x8000  }
0xf2: {  	[sflag:s6] =	ssyncset.done $0x0  }
0xf3: {  	s21 =	simm.s32 $0x600;
	[sflag:s6] =	ssyncadd.s32 $0xFFFF8000  }
0xf4: {  	[tilespmem:s8], [sflag:$0x1] =	stream.indirect.gather [hbm4b:s3+s4], $0x40, s21, s4, $0xb8;
	[tilespmem:$0x1B400] =	vst v63  }
0xf5: {  	_ =	swait.ge [sflag:s10], $0x8000  }
0xf6: {  	[sflag:s10] =	ssyncset.done $0x0  }
0xf7: {  	s21 =	rddreg [dreg:$0x1e];
	[sflag:s10] =	ssyncadd.s32 $0xFFFF8000  }
0xf8: {  	[hbm4b:s21+s2] =	stream.linear.scatter [tilespmem:s7], [sflag:$0x5], $0x8000, $0x38;
	[tilespmem:$0x1B400] =	vst v63  }
0xf9: {  	_ =	swait.ge [sflag:s5], $0x8000  }
0xfa: {  	[sflag:s5] =	ssyncset.done $0x0  }
0xfb: {  	s21 =	simm.s32 $0x800;
	[sflag:s5] =	ssyncadd.s32 $0xFFFF8000  }
0xfc: {  	[tilespmem:s7], [sflag:$0x2] =	stream.indirect.gather [hbm4b:s3+s4], $0x40, s21, s4, $0xb8;
	[tilespmem:$0x1B400] =	vst v63  }
0xfd: {  	_ =	swait.ge [sflag:s14], $0x8000  }
0xfe: {  	[sflag:s14] =	ssyncset.done $0x0  }
0xff: {  	s21 =	rddreg [dreg:$0x1f];
	[sflag:s14] =	ssyncadd.s32 $0xFFFF8000  }
0x100: {  	[hbm4b:s21+s2] =	stream.linear.scatter [tilespmem:s12], [sflag:$0x6], $0x8000, $0x38;
	[tilespmem:$0x1B400] =	vst v63  }
0x101: {  	_ =	swait.ge [sflag:s9], $0x8000  }
0x102: {  	[sflag:s9] =	ssyncset.done $0x0  }
0x103: {  	s21 =	simm.s32 $0xA00;
	[sflag:s9] =	ssyncadd.s32 $0xFFFF8000  }
0x104: {  	[tilespmem:s12], [sflag:$0x3] =	stream.indirect.gather [hbm4b:s3+s4], $0x40, s21, s4, $0xb8;
	[tilespmem:$0x1B400] =	vst v63  }
0x105: {  	_ =	swait.ge [sflag:s11], $0x8000  }
0x106: {  	s21 =	sld [smem:$0x7E6]  }
0x107: {  	[sflag:s11] =	ssyncset.done $0x0  }
0x108: {  	[sflag:s11] =	ssyncadd.s32 $0xFFFF8000  }
0x109: {  	[hbm4b:s21+s2] =	stream.linear.scatter [tilespmem:s8], [sflag:$0x4], $0x8000, $0x38;
	[tilespmem:$0x1B400] =	vst v63  }
0x10a: {  	_ =	swait.ge [sflag:s6], $0x8000  }
0x10b: {  	[sflag:s6] =	ssyncset.done $0x0  }
0x10c: {  	s21 =	simm.s32 $0xC00;
	[sflag:s6] =	ssyncadd.s32 $0xFFFF8000  }
0x10d: {  	[tilespmem:s8], [sflag:$0x1] =	stream.indirect.gather [hbm4b:s3+s4], $0x40, s21, s4, $0xb8;
	[tilespmem:$0x1B400] =	vst v63  }
0x10e: {  	_ =	swait.ge [sflag:s10], $0x8000  }
0x10f: {  	s21 =	sld [smem:$0x7E7]  }
0x110: {  	[sflag:s10] =	ssyncset.done $0x0  }
0x111: {  	[sflag:s10] =	ssyncadd.s32 $0xFFFF8000  }
0x112: {  	[hbm4b:s21+s2] =	stream.linear.scatter [tilespmem:s7], [sflag:$0x5], $0x8000, $0x38;
	[tilespmem:$0x1B400] =	vst v63  }
0x113: {  	_ =	swait.ge [sflag:s5], $0x8000  }
0x114: {  	[sflag:s5] =	ssyncset.done $0x0  }
0x115: {  	s21 =	simm.s32 $0xE00;
	[sflag:s5] =	ssyncadd.s32 $0xFFFF8000  }
0x116: {  	[tilespmem:s7], [sflag:$0x2] =	stream.indirect.gather [hbm4b:s3+s4], $0x40, s21, s4, $0xb8;
	[tilespmem:$0x1B400] =	vst v63  }
0x117: {  	_ =	swait.ge [sflag:s14], $0x8000  }
0x118: {  	s21 =	sld [smem:$0x7E8]  }
0x119: {  	[sflag:s14] =	ssyncset.done $0x0  }
0x11a: {  	[sflag:s14] =	ssyncadd.s32 $0xFFFF8000  }
0x11b: {  	[hbm4b:s21+s2] =	stream.linear.scatter [tilespmem:s12], [sflag:$0x6], $0x8000, $0x38;
	[tilespmem:$0x1B400] =	vst v63  }
0x11c: {  	_ =	swait.ge [sflag:s9], $0x8000  }
0x11d: {  	[sflag:s9] =	ssyncset.done $0x0  }
0x11e: {  	s21 =	simm.s32 $0x1000;
	[sflag:s9] =	ssyncadd.s32 $0xFFFF8000  }
0x11f: {  	[tilespmem:s12], [sflag:$0x3] =	stream.indirect.gather [hbm4b:s3+s4], $0x40, s21, s4, $0xb8;
	[tilespmem:$0x1B400] =	vst v63  }
0x120: {  	_ =	swait.ge [sflag:s11], $0x8000  }
0x121: {  	s21 =	sld [smem:$0x7EA]  }
0x122: {  	[sflag:s11] =	ssyncset.done $0x0  }
0x123: {  	[sflag:s11] =	ssyncadd.s32 $0xFFFF8000  }
0x124: {  	[hbm4b:s21+s2] =	stream.linear.scatter [tilespmem:s8], [sflag:$0x4], $0x8000, $0x38;
	[tilespmem:$0x1B400] =	vst v63  }
0x125: {  	_ =	swait.ge [sflag:s6], $0x8000  }
0x126: {  	[sflag:s6] =	ssyncset.done $0x0  }
0x127: {  	s21 =	simm.s32 $0x1200;
	[sflag:s6] =	ssyncadd.s32 $0xFFFF8000  }
0x128: {  	[tilespmem:s8], [sflag:$0x1] =	stream.indirect.gather [hbm4b:s3+s4], $0x40, s21, s4, $0xb8;
	[tilespmem:$0x1B400] =	vst v63  }
0x129: {  	_ =	swait.ge [sflag:s10], $0x8000  }
0x12a: {  	s21 =	sld [smem:$0x7EB]  }
0x12b: {  	[sflag:s10] =	ssyncset.done $0x0  }
0x12c: {  	[sflag:s10] =	ssyncadd.s32 $0xFFFF8000  }
0x12d: {  	[hbm4b:s21+s2] =	stream.linear.scatter [tilespmem:s7], [sflag:$0x5], $0x8000, $0x38;
	[tilespmem:$0x1B400] =	vst v63  }
0x12e: {  	_ =	swait.ge [sflag:s5], $0x8000  }
0x12f: {  	[sflag:s5] =	ssyncset.done $0x0  }
0x130: {  	[sflag:s5] =	ssyncadd.s32 $0xFFFF8000  }
0x131: {  	[tilespmem:s7], [sflag:$0x2] =	stream.indirect.gather [hbm4b:s3+s4], $0x40, s18, s4, $0xb8;
	[tilespmem:$0x1B400] =	vst v63  }
0x132: {  	_ =	swait.ge [sflag:s14], $0x8000  }
0x133: {  	s21 =	sld [smem:$0x7EC]  }
0x134: {  	[sflag:s14] =	ssyncset.done $0x0  }
0x135: {  	[sflag:s14] =	ssyncadd.s32 $0xFFFF8000  }
0x136: {  	[hbm4b:s21+s2] =	stream.linear.scatter [tilespmem:s12], [sflag:$0x6], $0x8000, $0x38;
	[tilespmem:$0x1B400] =	vst v63  }
0x137: {  	_ =	swait.ge [sflag:s9], $0x8000  }
0x138: {  	[sflag:s9] =	ssyncset.done $0x0  }
0x139: {  	[sflag:s9] =	ssyncadd.s32 $0xFFFF8000  }
0x13a: {  	[tilespmem:s12], [sflag:$0x3] =	stream.indirect.gather [hbm4b:s3+s4], $0x40, s17, s4, $0xb8;
	[tilespmem:$0x1B400] =	vst v63  }
0x13b: {  	_ =	swait.ge [sflag:s11], $0x8000  }
0x13c: {  	s21 =	sld [smem:$0x7ED]  }
0x13d: {  	[sflag:s11] =	ssyncset.done $0x0  }
0x13e: {  	[sflag:s11] =	ssyncadd.s32 $0xFFFF8000  }
0x13f: {  	[hbm4b:s21+s2] =	stream.linear.scatter [tilespmem:s8], [sflag:$0x4], $0x8000, $0x38;
	[tilespmem:$0x1B400] =	vst v63  }
0x140: {  	_ =	swait.ge [sflag:s6], $0x8000  }
0x141: {  	[sflag:s6] =	ssyncset.done $0x0  }
0x142: {  	[sflag:s6] =	ssyncadd.s32 $0xFFFF8000  }
0x143: {  	[tilespmem:s8], [sflag:$0x1] =	stream.indirect.gather [hbm4b:s3+s4], $0x40, s16, s4, $0xb8;
	[tilespmem:$0x1B400] =	vst v63  }
0x144: {  	_ =	swait.ge [sflag:s10], $0x8000  }
0x145: {  	s21 =	sld [smem:$0x7EE]  }
0x146: {  	[sflag:s10] =	ssyncset.done $0x0  }
0x147: {  	[sflag:s10] =	ssyncadd.s32 $0xFFFF8000  }
0x148: {  	[hbm4b:s21+s2] =	stream.linear.scatter [tilespmem:s7], [sflag:$0x5], $0x8000, $0x38;
	[tilespmem:$0x1B400] =	vst v63  }
0x149: {  	_ =	swait.ge [sflag:s5], $0x8000  }
0x14a: {  	[sflag:s5] =	ssyncset.done $0x0  }
0x14b: {  	[sflag:s5] =	ssyncadd.s32 $0xFFFF8000  }
0x14c: {  	[tilespmem:s7], [sflag:$0x2] =	stream.indirect.gather [hbm4b:s3+s4], $0x40, s15, s4, $0xb8;
	[tilespmem:$0x1B400] =	vst v63  }
0x14d: {  	_ =	swait.ge [sflag:s14], $0x8000  }
0x14e: {  	s21 =	sld [smem:$0x7EF]  }
0x14f: {  	[sflag:s14] =	ssyncset.done $0x0  }
0x150: {  	[sflag:s14] =	ssyncadd.s32 $0xFFFF8000  }
0x151: {  	[hbm4b:s21+s2] =	stream.linear.scatter [tilespmem:s12], [sflag:$0x6], $0x8000, $0x38;
	[tilespmem:$0x1B400] =	vst v63  }
0x152: {  	_ =	swait.ge [sflag:s9], $0x8000  }
0x153: {  	[sflag:s9] =	ssyncset.done $0x0  }
0x154: {  	[sflag:s9] =	ssyncadd.s32 $0xFFFF8000  }
0x155: {  	[tilespmem:s12], [sflag:$0x3] =	stream.indirect.gather [hbm4b:s3+s4], $0x40, s13, s4, $0xb8;
	[tilespmem:$0x1B400] =	vst v63  }
0x156: {  	_ =	swait.ge [sflag:s11], $0x8000  }
0x157: {  	s21 =	sld [smem:$0x7F0]  }
0x158: {  	[sflag:s11] =	ssyncset.done $0x0  }
0x159: {  	[sflag:s11] =	ssyncadd.s32 $0xFFFF8000  }
0x15a: {  	[hbm4b:s21+s2] =	stream.linear.scatter [tilespmem:s8], [sflag:$0x4], $0x8000, $0x38;
	[tilespmem:$0x1B400] =	vst v63  }
0x15b: {  	_ =	swait.ge [sflag:s6], $0x8000  }
0x15c: {  	[sflag:s6] =	ssyncset.done $0x0  }
0x15d: {  	[sflag:s6] =	ssyncadd.s32 $0xFFFF8000  }
0x15e: {  	[tilespmem:s8], [sflag:$0x1] =	stream.indirect.gather [hbm4b:s3+s4], $0x40, s1, s4, $0xb8;
	[tilespmem:$0x1B400] =	vst v63  }
0x15f: {  	_ =	swait.ge [sflag:s10], $0x8000  }
0x160: {  	s21 =	sld [smem:$0x7F1]  }
0x161: {  	[sflag:s10] =	ssyncset.done $0x0  }
0x162: {  	[sflag:s10] =	ssyncadd.s32 $0xFFFF8000  }
0x163: {  	[hbm4b:s21+s2] =	stream.linear.scatter [tilespmem:s7], [sflag:$0x5], $0x8000, $0x38;
	[tilespmem:$0x1B400] =	vst v63  }
0x164: {  	_ =	swait.ge [sflag:s5], $0x8000  }
0x165: {  	[sflag:s5] =	ssyncset.done $0x0  }
0x166: {  	[sflag:s5] =	ssyncadd.s32 $0xFFFF8000  }
0x167: {  	[tilespmem:s7], [sflag:$0x2] =	stream.indirect.gather [hbm4b:s3+s4], $0x40, s0, s4, $0xb8;
	[tilespmem:$0x1B400] =	vst v63  }
0x168: {  	_ =	swait.ge [sflag:s14], $0x8000  }
0x169: {  	s21 =	sld [smem:$0x7F2]  }
0x16a: {  	[sflag:s14] =	ssyncset.done $0x0  }
0x16b: {  	[sflag:s14] =	ssyncadd.s32 $0xFFFF8000  }
0x16c: {  	[hbm4b:s21+s2] =	stream.linear.scatter [tilespmem:s12], [sflag:$0x6], $0x8000, $0x38;
	[tilespmem:$0x1B400] =	vst v63  }
0x16d: {  	_ =	swait.ge [sflag:s9], $0x8000  }
0x16e: {  	[sflag:s9] =	ssyncset.done $0x0  }
0x16f: {  	[sflag:s9] =	ssyncadd.s32 $0xFFFF8000  }
0x170: {  	[tilespmem:s12], [sflag:$0x3] =	stream.indirect.gather [hbm4b:s3+s4], $0x40, s31, s4, $0xb8;
	[tilespmem:$0x1B400] =	vst v63  }
0x171: {  	_ =	swait.ge [sflag:s11], $0x8000  }
0x172: {  	s21 =	sld [smem:$0x7F3]  }
0x173: {  	[sflag:s11] =	ssyncset.done $0x0  }
0x174: {  	[sflag:s11] =	ssyncadd.s32 $0xFFFF8000  }
0x175: {  	[hbm4b:s21+s2] =	stream.linear.scatter [tilespmem:s8], [sflag:$0x4], $0x8000, $0x38;
	[tilespmem:$0x1B400] =	vst v63  }
0x176: {  	_ =	swait.ge [sflag:s6], $0x8000  }
0x177: {  	[sflag:s6] =	ssyncset.done $0x0  }
0x178: {  	[sflag:s6] =	ssyncadd.s32 $0xFFFF8000  }
0x179: {  	[tilespmem:s8], [sflag:$0x1] =	stream.indirect.gather [hbm4b:s3+s4], $0x40, s30, s4, $0xb8;
	[tilespmem:$0x1B400] =	vst v63  }
0x17a: {  	_ =	swait.ge [sflag:s10], $0x8000  }
0x17b: {  	s21 =	sld [smem:$0x7F4]  }
0x17c: {  	[sflag:s10] =	ssyncset.done $0x0  }
0x17d: {  	[sflag:s10] =	ssyncadd.s32 $0xFFFF8000  }
0x17e: {  	[hbm4b:s21+s2] =	stream.linear.scatter [tilespmem:s7], [sflag:$0x5], $0x8000, $0x38;
	[tilespmem:$0x1B400] =	vst v63  }
0x17f: {  	_ =	swait.ge [sflag:s5], $0x8000  }
0x180: {  	[sflag:s5] =	ssyncset.done $0x0  }
0x181: {  	[sflag:s5] =	ssyncadd.s32 $0xFFFF8000  }
0x182: {  	[tilespmem:s7], [sflag:$0x2] =	stream.indirect.gather [hbm4b:s3+s4], $0x40, s29, s4, $0xb8;
	[tilespmem:$0x1B400] =	vst v63  }
0x183: {  	_ =	swait.ge [sflag:s14], $0x8000  }
0x184: {  	s21 =	sld [smem:$0x7F5]  }
0x185: {  	[sflag:s14] =	ssyncset.done $0x0  }
0x186: {  	[sflag:s14] =	ssyncadd.s32 $0xFFFF8000  }
0x187: {  	[hbm4b:s21+s2] =	stream.linear.scatter [tilespmem:s12], [sflag:$0x6], $0x8000, $0x38;
	[tilespmem:$0x1B400] =	vst v63  }
0x188: {  	_ =	swait.ge [sflag:s9], $0x8000  }
0x189: {  	[sflag:s9] =	ssyncset.done $0x0  }
0x18a: {  	[sflag:s9] =	ssyncadd.s32 $0xFFFF8000  }
0x18b: {  	[tilespmem:s12], [sflag:$0x3] =	stream.indirect.gather [hbm4b:s3+s4], $0x40, s28, s4, $0xb8;
	[tilespmem:$0x1B400] =	vst v63  }
0x18c: {  	_ =	swait.ge [sflag:s11], $0x8000  }
0x18d: {  	s21 =	sld [smem:$0x7F6]  }
0x18e: {  	[sflag:s11] =	ssyncset.done $0x0  }
0x18f: {  	[sflag:s11] =	ssyncadd.s32 $0xFFFF8000  }
0x190: {  	[hbm4b:s21+s2] =	stream.linear.scatter [tilespmem:s8], [sflag:$0x4], $0x8000, $0x38;
	[tilespmem:$0x1B400] =	vst v63  }
0x191: {  	_ =	swait.ge [sflag:s6], $0x8000  }
0x192: {  	[sflag:s6] =	ssyncset.done $0x0  }
0x193: {  	[sflag:s6] =	ssyncadd.s32 $0xFFFF8000  }
0x194: {  	[tilespmem:s8], [sflag:$0x1] =	stream.indirect.gather [hbm4b:s3+s4], $0x40, s26, s4, $0xb8;
	[tilespmem:$0x1B400] =	vst v63  }
0x195: {  	_ =	swait.ge [sflag:s10], $0x8000  }
0x196: {  	s21 =	sld [smem:$0x7F7]  }
0x197: {  	[sflag:s10] =	ssyncset.done $0x0  }
0x198: {  	[sflag:s10] =	ssyncadd.s32 $0xFFFF8000  }
0x199: {  	[hbm4b:s21+s2] =	stream.linear.scatter [tilespmem:s7], [sflag:$0x5], $0x8000, $0x38;
	[tilespmem:$0x1B400] =	vst v63  }
0x19a: {  	_ =	swait.ge [sflag:s5], $0x8000  }
0x19b: {  	[sflag:s5] =	ssyncset.done $0x0  }
0x19c: {  	[sflag:s5] =	ssyncadd.s32 $0xFFFF8000  }
0x19d: {  	[tilespmem:s7], [sflag:$0x2] =	stream.indirect.gather [hbm4b:s3+s4], $0x40, s25, s4, $0xb8;
	[tilespmem:$0x1B400] =	vst v63  }
0x19e: {  	_ =	swait.ge [sflag:s14], $0x8000  }
0x19f: {  	s21 =	sld [smem:$0x7F8]  }
0x1a0: {  	[sflag:s14] =	ssyncset.done $0x0  }
0x1a1: {  	[sflag:s14] =	ssyncadd.s32 $0xFFFF8000  }
0x1a2: {  	[hbm4b:s21+s2] =	stream.linear.scatter [tilespmem:s12], [sflag:$0x6], $0x8000, $0x38;
	[tilespmem:$0x1B400] =	vst v63  }
0x1a3: {  	_ =	swait.ge [sflag:s9], $0x8000  }
0x1a4: {  	[sflag:s9] =	ssyncset.done $0x0  }
0x1a5: {  	[sflag:s9] =	ssyncadd.s32 $0xFFFF8000  }
0x1a6: {  	[tilespmem:s12], [sflag:$0x3] =	stream.indirect.gather [hbm4b:s3+s4], $0x40, s24, s4, $0xb8;
	[tilespmem:$0x1B400] =	vst v63  }
0x1a7: {  	_ =	swait.ge [sflag:s11], $0x8000  }
0x1a8: {  	s21 =	sld [smem:$0x7F9]  }
0x1a9: {  	[sflag:s11] =	ssyncset.done $0x0  }
0x1aa: {  	[sflag:s11] =	ssyncadd.s32 $0xFFFF8000  }
0x1ab: {  	[hbm4b:s21+s2] =	stream.linear.scatter [tilespmem:s8], [sflag:$0x4], $0x8000, $0x38;
	[tilespmem:$0x1B400] =	vst v63  }
0x1ac: {  	_ =	swait.ge [sflag:s6], $0x8000  }
0x1ad: {  	[sflag:s6] =	ssyncset.done $0x0  }
0x1ae: {  	[sflag:s6] =	ssyncadd.s32 $0xFFFF8000  }
0x1af: {  	[tilespmem:s8], [sflag:$0x1] =	stream.indirect.gather [hbm4b:s3+s4], $0x40, s23, s4, $0xb8;
	[tilespmem:$0x1B400] =	vst v63  }
0x1b0: {  	_ =	swait.ge [sflag:s10], $0x8000  }
0x1b1: {  	s21 =	sld [smem:$0x7FA]  }
0x1b2: {  	[sflag:s10] =	ssyncset.done $0x0  }
0x1b3: {  	[sflag:s10] =	ssyncadd.s32 $0xFFFF8000  }
0x1b4: {  	[hbm4b:s21+s2] =	stream.linear.scatter [tilespmem:s7], [sflag:$0x5], $0x8000, $0x38;
	[tilespmem:$0x1B400] =	vst v63  }
0x1b5: {  	_ =	swait.ge [sflag:s5], $0x8000  }
0x1b6: {  	[sflag:s5] =	ssyncset.done $0x0  }
0x1b7: {  	[sflag:s5] =	ssyncadd.s32 $0xFFFF8000  }
0x1b8: {  	[tilespmem:s7], [sflag:$0x2] =	stream.indirect.gather [hbm4b:s3+s4], $0x40, s22, s4, $0xb8;
	[tilespmem:$0x1B400] =	vst v63  }
0x1b9: {  	_ =	swait.ge [sflag:s14], $0x8000  }
0x1ba: {  	s21 =	sld [smem:$0x7FB]  }
0x1bb: {  	[sflag:s14] =	ssyncset.done $0x0  }
0x1bc: {  	[sflag:s14] =	ssyncadd.s32 $0xFFFF8000  }
0x1bd: {  	[hbm4b:s21+s2] =	stream.linear.scatter [tilespmem:s12], [sflag:$0x6], $0x8000, $0x38;
	[tilespmem:$0x1B400] =	vst v63  }
0x1be: {  	_ =	swait.ge [sflag:s11], $0x8000  }
0x1bf: {  	s21 =	sld [smem:$0x7FC]  }
0x1c0: {  	[sflag:s11] =	ssyncset.done $0x0  }
0x1c1: {  	[sflag:s11] =	ssyncadd.s32 $0xFFFF8000  }
0x1c2: {  	[hbm4b:s21+s2] =	stream.linear.scatter [tilespmem:s8], [sflag:$0x4], $0x8000, $0x38;
	[tilespmem:$0x1B400] =	vst v63  }
0x1c3: {  	_ =	swait.ge [sflag:s10], $0x8000  }
0x1c4: {  	s21 =	sld [smem:$0x7FD]  }
0x1c5: {  	[sflag:s10] =	ssyncset.done $0x0  }
0x1c6: {  	[sflag:s10] =	ssyncadd.s32 $0xFFFF8000  }
0x1c7: {  	[hbm4b:s21+s2] =	stream.linear.scatter [tilespmem:s7], [sflag:$0x5], $0x8000, $0x38;
	[tilespmem:$0x1B400] =	vst v63  }
0x1c8: {  	_ =	swait.ge [sflag:s9], $0x8000  }
0x1c9: {  	[sflag:s9] =	ssyncset.done $0x0  }
0x1ca: {  	[sflag:s9] =	ssyncadd.s32 $0xFFFF8000  }
0x1cb: {  	_ =	swait.ge [sflag:s6], $0x8000  }
0x1cc: {  	s21 =	sld [smem:$0x7E5];
	_ =	sdelay $0x2  }
0x1cd: {  	p1 =	sne.s32 s21, $0x1  }
.Ltmp1:
0x1ce: {  	_ = 	snop;
	(pc) =	sbr.rel @!p1 .LBB2_3-.Ltmp1, $4  }
0x1cf: {  	[sflag:s6] =	ssyncset.done $0x0  }
0x1d0: {  	[sflag:s6] =	ssyncadd.s32 $0xFFFF8000  }
0x1d1: {  	p0 =	por $0x1, $0x1;
	_ =	swait.ge [sflag:s5], $0x8000  }
0x1d2: {  	s20 =	sadd.s32 $0xFFFFFFFF, s21;
	s21 =	rddreg [dreg:$0x3];
	[sflag:s5] =	ssyncset.done $0x0  }
.LBB2_2:
0x1d3: {  	[sflag:s5] =	ssyncadd.s32 $0xFFFF8000  }
0x1d4: {  	[tilespmem:s2], [sflag:$0x7] =	stream.linear.gather [hbm4b:s21+s2], $0x200, $0x38;
	[tilespmem:$0x1B400] =	vst v63  }
0x1d5: {  	s22 =	rddreg [dreg:$0x4]  }
0x1d6: {  	[tilespmem:s4], [sflag:$0x7] =	stream.linear.gather [hbm4b:s22+s2], $0x200, $0x38;
	[tilespmem:$0x1B400] =	vst v63  }
0x1d7: {  	s7 =	simm.s32 $0x400;
	s21 =	rddreg [dreg:$0x5]  }
0x1d8: {  	[tilespmem:s7], [sflag:$0x7] =	stream.linear.gather [hbm4b:s21+s2], $0x200, $0x38;
	[tilespmem:$0x1B400] =	vst v63  }
0x1d9: {  	s22 =	rddreg [dreg:$0x6];
	s7 =	simm.s32 $0x600  }
0x1da: {  	[tilespmem:s7], [sflag:$0x7] =	stream.linear.gather [hbm4b:s22+s2], $0x200, $0x38;
	[tilespmem:$0x1B400] =	vst v63  }
0x1db: {  	s21 =	rddreg [dreg:$0x7];
	s7 =	simm.s32 $0x800  }
0x1dc: {  	[tilespmem:s7], [sflag:$0x7] =	stream.linear.gather [hbm4b:s21+s2], $0x200, $0x38;
	[tilespmem:$0x1B400] =	vst v63  }
0x1dd: {  	s22 =	rddreg [dreg:$0x8];
	s7 =	simm.s32 $0xA00  }
0x1de: {  	[tilespmem:s7], [sflag:$0x7] =	stream.linear.gather [hbm4b:s22+s2], $0x200, $0x38;
	[tilespmem:$0x1B400] =	vst v63  }
0x1df: {  	s21 =	rddreg [dreg:$0x9];
	s7 =	simm.s32 $0xC00  }
0x1e0: {  	[tilespmem:s7], [sflag:$0x7] =	stream.linear.gather [hbm4b:s21+s2], $0x200, $0x38;
	[tilespmem:$0x1B400] =	vst v63  }
0x1e1: {  	s22 =	rddreg [dreg:$0xa];
	s7 =	simm.s32 $0xE00  }
0x1e2: {  	[tilespmem:s7], [sflag:$0x7] =	stream.linear.gather [hbm4b:s22+s2], $0x200, $0x38;
	[tilespmem:$0x1B400] =	vst v63  }
0x1e3: {  	s21 =	rddreg [dreg:$0xb];
	s7 =	simm.s32 $0x1000  }
0x1e4: {  	[tilespmem:s7], [sflag:$0x7] =	stream.linear.gather [hbm4b:s21+s2], $0x200, $0x38;
	[tilespmem:$0x1B400] =	vst v63  }
0x1e5: {  	s22 =	rddreg [dreg:$0xc];
	s7 =	simm.s32 $0x1200  }
0x1e6: {  	[tilespmem:s7], [sflag:$0x7] =	stream.linear.gather [hbm4b:s22+s2], $0x200, $0x38;
	[tilespmem:$0x1B400] =	vst v63  }
0x1e7: {  	s12 =	simm.s32 $0x1400;
	s21 =	rddreg [dreg:$0xd]  }
0x1e8: {  	[tilespmem:s12], [sflag:$0x7] =	stream.linear.gather [hbm4b:s21+s2], $0x200, $0x38;
	[tilespmem:$0x1B400] =	vst v63  }
0x1e9: {  	s18 =	simm.s32 $0x1600;
	s22 =	rddreg [dreg:$0xe]  }
0x1ea: {  	[tilespmem:s18], [sflag:$0x7] =	stream.linear.gather [hbm4b:s22+s2], $0x200, $0x38;
	[tilespmem:$0x1B400] =	vst v63  }
0x1eb: {  	s17 =	simm.s32 $0x1800;
	s21 =	rddreg [dreg:$0xf]  }
0x1ec: {  	[tilespmem:s17], [sflag:$0x7] =	stream.linear.gather [hbm4b:s21+s2], $0x200, $0x38;
	[tilespmem:$0x1B400] =	vst v63  }
0x1ed: {  	s16 =	simm.s32 $0x1A00;
	s22 =	rddreg [dreg:$0x10]  }
0x1ee: {  	[tilespmem:s16], [sflag:$0x7] =	stream.linear.gather [hbm4b:s22+s2], $0x200, $0x38;
	[tilespmem:$0x1B400] =	vst v63  }
0x1ef: {  	s15 =	simm.s32 $0x1C00;
	s21 =	rddreg [dreg:$0x11]  }
0x1f0: {  	[tilespmem:s15], [sflag:$0x7] =	stream.linear.gather [hbm4b:s21+s2], $0x200, $0x38;
	[tilespmem:$0x1B400] =	vst v63  }
0x1f1: {  	s13 =	simm.s32 $0x1E00;
	s22 =	rddreg [dreg:$0x12]  }
0x1f2: {  	[tilespmem:s13], [sflag:$0x7] =	stream.linear.gather [hbm4b:s22+s2], $0x200, $0x38;
	[tilespmem:$0x1B400] =	vst v63  }
0x1f3: {  	s1 =	simm.s32 $0x2000;
	s21 =	rddreg [dreg:$0x13]  }
0x1f4: {  	[tilespmem:s1], [sflag:$0x7] =	stream.linear.gather [hbm4b:s21+s2], $0x200, $0x38;
	[tilespmem:$0x1B400] =	vst v63  }
0x1f5: {  	s0 =	simm.s32 $0x2200;
	s22 =	rddreg [dreg:$0x14]  }
0x1f6: {  	[tilespmem:s0], [sflag:$0x7] =	stream.linear.gather [hbm4b:s22+s2], $0x200, $0x38;
	[tilespmem:$0x1B400] =	vst v63  }
0x1f7: {  	s31 =	simm.s32 $0x2400;
	s21 =	rddreg [dreg:$0x15]  }
0x1f8: {  	[tilespmem:s31], [sflag:$0x7] =	stream.linear.gather [hbm4b:s21+s2], $0x200, $0x38;
	[tilespmem:$0x1B400] =	vst v63  }
0x1f9: {  	s30 =	simm.s32 $0x2600;
	s22 =	rddreg [dreg:$0x16]  }
0x1fa: {  	[tilespmem:s30], [sflag:$0x7] =	stream.linear.gather [hbm4b:s22+s2], $0x200, $0x38;
	[tilespmem:$0x1B400] =	vst v63  }
0x1fb: {  	s29 =	simm.s32 $0x2800;
	s21 =	rddreg [dreg:$0x17]  }
0x1fc: {  	[tilespmem:s29], [sflag:$0x7] =	stream.linear.gather [hbm4b:s21+s2], $0x200, $0x38;
	[tilespmem:$0x1B400] =	vst v63  }
0x1fd: {  	s28 =	simm.s32 $0x2A00;
	s22 =	rddreg [dreg:$0x18]  }
0x1fe: {  	[tilespmem:s28], [sflag:$0x7] =	stream.linear.gather [hbm4b:s22+s2], $0x200, $0x38;
	[tilespmem:$0x1B400] =	vst v63  }
0x1ff: {  	s26 =	simm.s32 $0x2C00;
	s21 =	rddreg [dreg:$0x19]  }
0x200: {  	[tilespmem:s26], [sflag:$0x7] =	stream.linear.gather [hbm4b:s21+s2], $0x200, $0x38;
	[tilespmem:$0x1B400] =	vst v63  }
0x201: {  	s25 =	simm.s32 $0x2E00;
	s22 =	rddreg [dreg:$0x1a]  }
0x202: {  	[tilespmem:s25], [sflag:$0x7] =	stream.linear.gather [hbm4b:s22+s2], $0x200, $0x38;
	[tilespmem:$0x1B400] =	vst v63  }
0x203: {  	s24 =	simm.s32 $0x3000;
	s21 =	rddreg [dreg:$0x1b]  }
0x204: {  	[tilespmem:s24], [sflag:$0x7] =	stream.linear.gather [hbm4b:s21+s2], $0x200, $0x38;
	[tilespmem:$0x1B400] =	vst v63  }
0x205: {  	s23 =	simm.s32 $0x3200;
	s22 =	rddreg [dreg:$0x1c]  }
0x206: {  	[tilespmem:s23], [sflag:$0x7] =	stream.linear.gather [hbm4b:s22+s2], $0x200, $0x38;
	[tilespmem:$0x1B400] =	vst v63  }
0x207: {  	_ =	swait.ge [sflag:s19], $0x200  }
0x208: {  	[sflag:s19] =	ssyncset.done $0x0  }
0x209: {  	[sflag:s19] =	ssyncadd.s32 $0xFFFFFE00  }
0x20a: {  	_ =	swait.ge [sflag:s19], $0x200  }
0x20b: {  	[sflag:s19] =	ssyncset.done $0x0  }
0x20c: {  	[sflag:s19] =	ssyncadd.s32 $0xFFFFFE00  }
0x20d: {  	_ =	swait.ge [sflag:s19], $0x200  }
0x20e: {  	[sflag:s19] =	ssyncset.done $0x0  }
0x20f: {  	[sflag:s19] =	ssyncadd.s32 $0xFFFFFE00  }
0x210: {  	_ =	swait.ge [sflag:s19], $0x200  }
0x211: {  	[sflag:s19] =	ssyncset.done $0x0  }
0x212: {  	[sflag:s19] =	ssyncadd.s32 $0xFFFFFE00  }
0x213: {  	_ =	swait.ge [sflag:s19], $0x200  }
0x214: {  	[sflag:s19] =	ssyncset.done $0x0  }
0x215: {  	[sflag:s19] =	ssyncadd.s32 $0xFFFFFE00  }
0x216: {  	_ =	swait.ge [sflag:s19], $0x200  }
0x217: {  	[sflag:s19] =	ssyncset.done $0x0  }
0x218: {  	[sflag:s19] =	ssyncadd.s32 $0xFFFFFE00  }
0x219: {  	_ =	swait.ge [sflag:s19], $0x200  }
0x21a: {  	[sflag:s19] =	ssyncset.done $0x0  }
0x21b: {  	[sflag:s19] =	ssyncadd.s32 $0xFFFFFE00  }
0x21c: {  	_ =	swait.ge [sflag:s19], $0x200  }
0x21d: {  	[sflag:s19] =	ssyncset.done $0x0  }
0x21e: {  	[sflag:s19] =	ssyncadd.s32 $0xFFFFFE00  }
0x21f: {  	_ =	swait.ge [sflag:s19], $0x200  }
0x220: {  	[sflag:s19] =	ssyncset.done $0x0  }
0x221: {  	[sflag:s19] =	ssyncadd.s32 $0xFFFFFE00  }
0x222: {  	_ =	swait.ge [sflag:s19], $0x200  }
0x223: {  	[sflag:s19] =	ssyncset.done $0x0  }
0x224: {  	[sflag:s19] =	ssyncadd.s32 $0xFFFFFE00  }
0x225: {  	_ =	swait.ge [sflag:s19], $0x200  }
0x226: {  	[sflag:s19] =	ssyncset.done $0x0  }
0x227: {  	[sflag:s19] =	ssyncadd.s32 $0xFFFFFE00  }
0x228: {  	_ =	swait.ge [sflag:s19], $0x200  }
0x229: {  	[sflag:s19] =	ssyncset.done $0x0  }
0x22a: {  	[sflag:s19] =	ssyncadd.s32 $0xFFFFFE00  }
0x22b: {  	_ =	swait.ge [sflag:s19], $0x200  }
0x22c: {  	[sflag:s19] =	ssyncset.done $0x0  }
0x22d: {  	[sflag:s19] =	ssyncadd.s32 $0xFFFFFE00  }
0x22e: {  	_ =	swait.ge [sflag:s19], $0x200  }
0x22f: {  	[sflag:s19] =	ssyncset.done $0x0  }
0x230: {  	[sflag:s19] =	ssyncadd.s32 $0xFFFFFE00  }
0x231: {  	_ =	swait.ge [sflag:s19], $0x200  }
0x232: {  	[sflag:s19] =	ssyncset.done $0x0  }
0x233: {  	[sflag:s19] =	ssyncadd.s32 $0xFFFFFE00  }
0x234: {  	_ =	swait.ge [sflag:s19], $0x200  }
0x235: {  	[sflag:s19] =	ssyncset.done $0x0  }
0x236: {  	[sflag:s19] =	ssyncadd.s32 $0xFFFFFE00  }
0x237: {  	_ =	swait.ge [sflag:s19], $0x200  }
0x238: {  	[sflag:s19] =	ssyncset.done $0x0  }
0x239: {  	[sflag:s19] =	ssyncadd.s32 $0xFFFFFE00  }
0x23a: {  	_ =	swait.ge [sflag:s19], $0x200  }
0x23b: {  	[sflag:s19] =	ssyncset.done $0x0  }
0x23c: {  	[sflag:s19] =	ssyncadd.s32 $0xFFFFFE00  }
0x23d: {  	_ =	swait.ge [sflag:s19], $0x200  }
0x23e: {  	[sflag:s19] =	ssyncset.done $0x0  }
0x23f: {  	[sflag:s19] =	ssyncadd.s32 $0xFFFFFE00  }
0x240: {  	_ =	swait.ge [sflag:s19], $0x200  }
0x241: {  	[sflag:s19] =	ssyncset.done $0x0  }
0x242: {  	[sflag:s19] =	ssyncadd.s32 $0xFFFFFE00  }
0x243: {  	_ =	swait.ge [sflag:s19], $0x200  }
0x244: {  	[sflag:s19] =	ssyncset.done $0x0  }
0x245: {  	[sflag:s19] =	ssyncadd.s32 $0xFFFFFE00  }
0x246: {  	_ =	swait.ge [sflag:s19], $0x200  }
0x247: {  	[sflag:s19] =	ssyncset.done $0x0  }
0x248: {  	[sflag:s19] =	ssyncadd.s32 $0xFFFFFE00  }
0x249: {  	_ =	swait.ge [sflag:s19], $0x200  }
0x24a: {  	[sflag:s19] =	ssyncset.done $0x0  }
0x24b: {  	[sflag:s19] =	ssyncadd.s32 $0xFFFFFE00  }
0x24c: {  	_ =	swait.ge [sflag:s19], $0x200  }
0x24d: {  	[sflag:s19] =	ssyncset.done $0x0  }
0x24e: {  	[sflag:s19] =	ssyncadd.s32 $0xFFFFFE00  }
0x24f: {  	_ =	swait.ge [sflag:s19], $0x200  }
0x250: {  	[sflag:s19] =	ssyncset.done $0x0  }
0x251: {  	[sflag:s19] =	ssyncadd.s32 $0xFFFFFE00  }
0x252: {  	_ =	swait.ge [sflag:s19], $0x200  }
0x253: {  	[sflag:s19] =	ssyncset.done $0x0  }
0x254: {  	[sflag:s19] =	ssyncadd.s32 $0xFFFFFE00  }
0x255: {  	[tilespmem:s8], [sflag:$0x1] =	stream.indirect.gather [hbm4b:s3+s4], $0x40, s2, s4, $0xb8;
	[tilespmem:$0x1B400] =	vst v63  }
0x256: {  	s7 =	simm.s32 $0xB400  }
0x257: {  	[tilespmem:s7], [sflag:$0x2] =	stream.indirect.gather [hbm4b:s3+s4], $0x40, s4, s4, $0xb8;
	[tilespmem:$0x1B400] =	vst v63  }
0x258: {  	s12 =	simm.s32 $0x13400;
	s21 =	simm.s32 $0x400  }
0x259: {  	[tilespmem:s12], [sflag:$0x3] =	stream.indirect.gather [hbm4b:s3+s4], $0x40, s21, s4, $0xb8;
	[tilespmem:$0x1B400] =	vst v63  }
0x25a: {  	_ =	swait.ge [sflag:s11], $0x8000  }
0x25b: {  	[sflag:s11] =	ssyncset.done $0x0  }
0x25c: {  	s21 =	rddreg [dreg:$0x1d];
	[sflag:s11] =	ssyncadd.s32 $0xFFFF8000  }
0x25d: {  	[hbm4b:s21+s2] =	stream.linear.scatter [tilespmem:s8], [sflag:$0x4], $0x8000, $0x38;
	[tilespmem:$0x1B400] =	vst v63  }
0x25e: {  	_ =	swait.ge [sflag:s6], $0x8000  }
0x25f: {  	[sflag:s6] =	ssyncset.done $0x0  }
0x260: {  	s21 =	simm.s32 $0x600;
	[sflag:s6] =	ssyncadd.s32 $0xFFFF8000  }
0x261: {  	[tilespmem:s8], [sflag:$0x1] =	stream.indirect.gather [hbm4b:s3+s4], $0x40, s21, s4, $0xb8;
	[tilespmem:$0x1B400] =	vst v63  }
0x262: {  	_ =	swait.ge [sflag:s10], $0x8000  }
0x263: {  	[sflag:s10] =	ssyncset.done $0x0  }
0x264: {  	s21 =	rddreg [dreg:$0x1e];
	[sflag:s10] =	ssyncadd.s32 $0xFFFF8000  }
0x265: {  	[hbm4b:s21+s2] =	stream.linear.scatter [tilespmem:s7], [sflag:$0x5], $0x8000, $0x38;
	[tilespmem:$0x1B400] =	vst v63  }
0x266: {  	_ =	swait.ge [sflag:s5], $0x8000  }
0x267: {  	[sflag:s5] =	ssyncset.done $0x0  }
0x268: {  	s21 =	simm.s32 $0x800;
	[sflag:s5] =	ssyncadd.s32 $0xFFFF8000  }
0x269: {  	[tilespmem:s7], [sflag:$0x2] =	stream.indirect.gather [hbm4b:s3+s4], $0x40, s21, s4, $0xb8;
	[tilespmem:$0x1B400] =	vst v63  }
0x26a: {  	_ =	swait.ge [sflag:s14], $0x8000  }
0x26b: {  	[sflag:s14] =	ssyncset.done $0x0  }
0x26c: {  	s21 =	rddreg [dreg:$0x1f];
	[sflag:s14] =	ssyncadd.s32 $0xFFFF8000  }
0x26d: {  	[hbm4b:s21+s2] =	stream.linear.scatter [tilespmem:s12], [sflag:$0x6], $0x8000, $0x38;
	[tilespmem:$0x1B400] =	vst v63  }
0x26e: {  	_ =	swait.ge [sflag:s9], $0x8000  }
0x26f: {  	[sflag:s9] =	ssyncset.done $0x0  }
0x270: {  	s21 =	simm.s32 $0xA00;
	[sflag:s9] =	ssyncadd.s32 $0xFFFF8000  }
0x271: {  	[tilespmem:s12], [sflag:$0x3] =	stream.indirect.gather [hbm4b:s3+s4], $0x40, s21, s4, $0xb8;
	[tilespmem:$0x1B400] =	vst v63  }
0x272: {  	_ =	swait.ge [sflag:s11], $0x8000  }
0x273: {  	s21 =	sld [smem:$0x7E6]  }
0x274: {  	[sflag:s11] =	ssyncset.done $0x0  }
0x275: {  	[sflag:s11] =	ssyncadd.s32 $0xFFFF8000  }
0x276: {  	[hbm4b:s21+s2] =	stream.linear.scatter [tilespmem:s8], [sflag:$0x4], $0x8000, $0x38;
	[tilespmem:$0x1B400] =	vst v63  }
0x277: {  	_ =	swait.ge [sflag:s6], $0x8000  }
0x278: {  	[sflag:s6] =	ssyncset.done $0x0  }
0x279: {  	s21 =	simm.s32 $0xC00;
	[sflag:s6] =	ssyncadd.s32 $0xFFFF8000  }
0x27a: {  	[tilespmem:s8], [sflag:$0x1] =	stream.indirect.gather [hbm4b:s3+s4], $0x40, s21, s4, $0xb8;
	[tilespmem:$0x1B400] =	vst v63  }
0x27b: {  	_ =	swait.ge [sflag:s10], $0x8000  }
0x27c: {  	s21 =	sld [smem:$0x7E7]  }
0x27d: {  	[sflag:s10] =	ssyncset.done $0x0  }
0x27e: {  	[sflag:s10] =	ssyncadd.s32 $0xFFFF8000  }
0x27f: {  	[hbm4b:s21+s2] =	stream.linear.scatter [tilespmem:s7], [sflag:$0x5], $0x8000, $0x38;
	[tilespmem:$0x1B400] =	vst v63  }
0x280: {  	_ =	swait.ge [sflag:s5], $0x8000  }
0x281: {  	[sflag:s5] =	ssyncset.done $0x0  }
0x282: {  	s21 =	simm.s32 $0xE00;
	[sflag:s5] =	ssyncadd.s32 $0xFFFF8000  }
0x283: {  	[tilespmem:s7], [sflag:$0x2] =	stream.indirect.gather [hbm4b:s3+s4], $0x40, s21, s4, $0xb8;
	[tilespmem:$0x1B400] =	vst v63  }
0x284: {  	_ =	swait.ge [sflag:s14], $0x8000  }
0x285: {  	s21 =	sld [smem:$0x7E8]  }
0x286: {  	[sflag:s14] =	ssyncset.done $0x0  }
0x287: {  	[sflag:s14] =	ssyncadd.s32 $0xFFFF8000  }
0x288: {  	[hbm4b:s21+s2] =	stream.linear.scatter [tilespmem:s12], [sflag:$0x6], $0x8000, $0x38;
	[tilespmem:$0x1B400] =	vst v63  }
0x289: {  	_ =	swait.ge [sflag:s9], $0x8000  }
0x28a: {  	[sflag:s9] =	ssyncset.done $0x0  }
0x28b: {  	s21 =	simm.s32 $0x1000;
	[sflag:s9] =	ssyncadd.s32 $0xFFFF8000  }
0x28c: {  	[tilespmem:s12], [sflag:$0x3] =	stream.indirect.gather [hbm4b:s3+s4], $0x40, s21, s4, $0xb8;
	[tilespmem:$0x1B400] =	vst v63  }
0x28d: {  	_ =	swait.ge [sflag:s11], $0x8000  }
0x28e: {  	s21 =	sld [smem:$0x7EA]  }
0x28f: {  	[sflag:s11] =	ssyncset.done $0x0  }
0x290: {  	[sflag:s11] =	ssyncadd.s32 $0xFFFF8000  }
0x291: {  	[hbm4b:s21+s2] =	stream.linear.scatter [tilespmem:s8], [sflag:$0x4], $0x8000, $0x38;
	[tilespmem:$0x1B400] =	vst v63  }
0x292: {  	_ =	swait.ge [sflag:s6], $0x8000  }
0x293: {  	[sflag:s6] =	ssyncset.done $0x0  }
0x294: {  	s21 =	simm.s32 $0x1200;
	[sflag:s6] =	ssyncadd.s32 $0xFFFF8000  }
0x295: {  	[tilespmem:s8], [sflag:$0x1] =	stream.indirect.gather [hbm4b:s3+s4], $0x40, s21, s4, $0xb8;
	[tilespmem:$0x1B400] =	vst v63  }
0x296: {  	_ =	swait.ge [sflag:s10], $0x8000  }
0x297: {  	s21 =	sld [smem:$0x7EB]  }
0x298: {  	[sflag:s10] =	ssyncset.done $0x0  }
0x299: {  	[sflag:s10] =	ssyncadd.s32 $0xFFFF8000  }
0x29a: {  	[hbm4b:s21+s2] =	stream.linear.scatter [tilespmem:s7], [sflag:$0x5], $0x8000, $0x38;
	[tilespmem:$0x1B400] =	vst v63  }
0x29b: {  	_ =	swait.ge [sflag:s5], $0x8000  }
0x29c: {  	[sflag:s5] =	ssyncset.done $0x0  }
0x29d: {  	s18 =	simm.s32 $0x1400;
	[sflag:s5] =	ssyncadd.s32 $0xFFFF8000  }
0x29e: {  	[tilespmem:s7], [sflag:$0x2] =	stream.indirect.gather [hbm4b:s3+s4], $0x40, s18, s4, $0xb8;
	[tilespmem:$0x1B400] =	vst v63  }
0x29f: {  	_ =	swait.ge [sflag:s14], $0x8000  }
0x2a0: {  	s21 =	sld [smem:$0x7EC]  }
0x2a1: {  	[sflag:s14] =	ssyncset.done $0x0  }
0x2a2: {  	[sflag:s14] =	ssyncadd.s32 $0xFFFF8000  }
0x2a3: {  	[hbm4b:s21+s2] =	stream.linear.scatter [tilespmem:s12], [sflag:$0x6], $0x8000, $0x38;
	[tilespmem:$0x1B400] =	vst v63  }
0x2a4: {  	_ =	swait.ge [sflag:s9], $0x8000  }
0x2a5: {  	[sflag:s9] =	ssyncset.done $0x0  }
0x2a6: {  	s17 =	simm.s32 $0x1600;
	[sflag:s9] =	ssyncadd.s32 $0xFFFF8000  }
0x2a7: {  	[tilespmem:s12], [sflag:$0x3] =	stream.indirect.gather [hbm4b:s3+s4], $0x40, s17, s4, $0xb8;
	[tilespmem:$0x1B400] =	vst v63  }
0x2a8: {  	_ =	swait.ge [sflag:s11], $0x8000  }
0x2a9: {  	s21 =	sld [smem:$0x7ED]  }
0x2aa: {  	[sflag:s11] =	ssyncset.done $0x0  }
0x2ab: {  	[sflag:s11] =	ssyncadd.s32 $0xFFFF8000  }
0x2ac: {  	[hbm4b:s21+s2] =	stream.linear.scatter [tilespmem:s8], [sflag:$0x4], $0x8000, $0x38;
	[tilespmem:$0x1B400] =	vst v63  }
0x2ad: {  	_ =	swait.ge [sflag:s6], $0x8000  }
0x2ae: {  	[sflag:s6] =	ssyncset.done $0x0  }
0x2af: {  	s16 =	simm.s32 $0x1800;
	[sflag:s6] =	ssyncadd.s32 $0xFFFF8000  }
0x2b0: {  	[tilespmem:s8], [sflag:$0x1] =	stream.indirect.gather [hbm4b:s3+s4], $0x40, s16, s4, $0xb8;
	[tilespmem:$0x1B400] =	vst v63  }
0x2b1: {  	_ =	swait.ge [sflag:s10], $0x8000  }
0x2b2: {  	s21 =	sld [smem:$0x7EE]  }
0x2b3: {  	[sflag:s10] =	ssyncset.done $0x0  }
0x2b4: {  	[sflag:s10] =	ssyncadd.s32 $0xFFFF8000  }
0x2b5: {  	[hbm4b:s21+s2] =	stream.linear.scatter [tilespmem:s7], [sflag:$0x5], $0x8000, $0x38;
	[tilespmem:$0x1B400] =	vst v63  }
0x2b6: {  	_ =	swait.ge [sflag:s5], $0x8000  }
0x2b7: {  	[sflag:s5] =	ssyncset.done $0x0  }
0x2b8: {  	s15 =	simm.s32 $0x1A00;
	[sflag:s5] =	ssyncadd.s32 $0xFFFF8000  }
0x2b9: {  	[tilespmem:s7], [sflag:$0x2] =	stream.indirect.gather [hbm4b:s3+s4], $0x40, s15, s4, $0xb8;
	[tilespmem:$0x1B400] =	vst v63  }
0x2ba: {  	_ =	swait.ge [sflag:s14], $0x8000  }
0x2bb: {  	s21 =	sld [smem:$0x7EF]  }
0x2bc: {  	[sflag:s14] =	ssyncset.done $0x0  }
0x2bd: {  	[sflag:s14] =	ssyncadd.s32 $0xFFFF8000  }
0x2be: {  	[hbm4b:s21+s2] =	stream.linear.scatter [tilespmem:s12], [sflag:$0x6], $0x8000, $0x38;
	[tilespmem:$0x1B400] =	vst v63  }
0x2bf: {  	_ =	swait.ge [sflag:s9], $0x8000  }
0x2c0: {  	[sflag:s9] =	ssyncset.done $0x0  }
0x2c1: {  	s13 =	simm.s32 $0x1C00;
	[sflag:s9] =	ssyncadd.s32 $0xFFFF8000  }
0x2c2: {  	[tilespmem:s12], [sflag:$0x3] =	stream.indirect.gather [hbm4b:s3+s4], $0x40, s13, s4, $0xb8;
	[tilespmem:$0x1B400] =	vst v63  }
0x2c3: {  	_ =	swait.ge [sflag:s11], $0x8000  }
0x2c4: {  	s21 =	sld [smem:$0x7F0]  }
0x2c5: {  	[sflag:s11] =	ssyncset.done $0x0  }
0x2c6: {  	[sflag:s11] =	ssyncadd.s32 $0xFFFF8000  }
0x2c7: {  	[hbm4b:s21+s2] =	stream.linear.scatter [tilespmem:s8], [sflag:$0x4], $0x8000, $0x38;
	[tilespmem:$0x1B400] =	vst v63  }
0x2c8: {  	_ =	swait.ge [sflag:s6], $0x8000  }
0x2c9: {  	[sflag:s6] =	ssyncset.done $0x0  }
0x2ca: {  	s1 =	simm.s32 $0x1E00;
	[sflag:s6] =	ssyncadd.s32 $0xFFFF8000  }
0x2cb: {  	[tilespmem:s8], [sflag:$0x1] =	stream.indirect.gather [hbm4b:s3+s4], $0x40, s1, s4, $0xb8;
	[tilespmem:$0x1B400] =	vst v63  }
0x2cc: {  	_ =	swait.ge [sflag:s10], $0x8000  }
0x2cd: {  	s21 =	sld [smem:$0x7F1]  }
0x2ce: {  	[sflag:s10] =	ssyncset.done $0x0  }
0x2cf: {  	[sflag:s10] =	ssyncadd.s32 $0xFFFF8000  }
0x2d0: {  	[hbm4b:s21+s2] =	stream.linear.scatter [tilespmem:s7], [sflag:$0x5], $0x8000, $0x38;
	[tilespmem:$0x1B400] =	vst v63  }
0x2d1: {  	_ =	swait.ge [sflag:s5], $0x8000  }
0x2d2: {  	[sflag:s5] =	ssyncset.done $0x0  }
0x2d3: {  	s0 =	simm.s32 $0x2000;
	[sflag:s5] =	ssyncadd.s32 $0xFFFF8000  }
0x2d4: {  	[tilespmem:s7], [sflag:$0x2] =	stream.indirect.gather [hbm4b:s3+s4], $0x40, s0, s4, $0xb8;
	[tilespmem:$0x1B400] =	vst v63  }
0x2d5: {  	_ =	swait.ge [sflag:s14], $0x8000  }
0x2d6: {  	s21 =	sld [smem:$0x7F2]  }
0x2d7: {  	[sflag:s14] =	ssyncset.done $0x0  }
0x2d8: {  	[sflag:s14] =	ssyncadd.s32 $0xFFFF8000  }
0x2d9: {  	[hbm4b:s21+s2] =	stream.linear.scatter [tilespmem:s12], [sflag:$0x6], $0x8000, $0x38;
	[tilespmem:$0x1B400] =	vst v63  }
0x2da: {  	_ =	swait.ge [sflag:s9], $0x8000  }
0x2db: {  	[sflag:s9] =	ssyncset.done $0x0  }
0x2dc: {  	s31 =	simm.s32 $0x2200;
	[sflag:s9] =	ssyncadd.s32 $0xFFFF8000  }
0x2dd: {  	[tilespmem:s12], [sflag:$0x3] =	stream.indirect.gather [hbm4b:s3+s4], $0x40, s31, s4, $0xb8;
	[tilespmem:$0x1B400] =	vst v63  }
0x2de: {  	_ =	swait.ge [sflag:s11], $0x8000  }
0x2df: {  	s21 =	sld [smem:$0x7F3]  }
0x2e0: {  	[sflag:s11] =	ssyncset.done $0x0  }
0x2e1: {  	[sflag:s11] =	ssyncadd.s32 $0xFFFF8000  }
0x2e2: {  	[hbm4b:s21+s2] =	stream.linear.scatter [tilespmem:s8], [sflag:$0x4], $0x8000, $0x38;
	[tilespmem:$0x1B400] =	vst v63  }
0x2e3: {  	_ =	swait.ge [sflag:s6], $0x8000  }
0x2e4: {  	[sflag:s6] =	ssyncset.done $0x0  }
0x2e5: {  	s30 =	simm.s32 $0x2400;
	[sflag:s6] =	ssyncadd.s32 $0xFFFF8000  }
0x2e6: {  	[tilespmem:s8], [sflag:$0x1] =	stream.indirect.gather [hbm4b:s3+s4], $0x40, s30, s4, $0xb8;
	[tilespmem:$0x1B400] =	vst v63  }
0x2e7: {  	_ =	swait.ge [sflag:s10], $0x8000  }
0x2e8: {  	s21 =	sld [smem:$0x7F4]  }
0x2e9: {  	[sflag:s10] =	ssyncset.done $0x0  }
0x2ea: {  	[sflag:s10] =	ssyncadd.s32 $0xFFFF8000  }
0x2eb: {  	[hbm4b:s21+s2] =	stream.linear.scatter [tilespmem:s7], [sflag:$0x5], $0x8000, $0x38;
	[tilespmem:$0x1B400] =	vst v63  }
0x2ec: {  	_ =	swait.ge [sflag:s5], $0x8000  }
0x2ed: {  	[sflag:s5] =	ssyncset.done $0x0  }
0x2ee: {  	s29 =	simm.s32 $0x2600;
	[sflag:s5] =	ssyncadd.s32 $0xFFFF8000  }
0x2ef: {  	[tilespmem:s7], [sflag:$0x2] =	stream.indirect.gather [hbm4b:s3+s4], $0x40, s29, s4, $0xb8;
	[tilespmem:$0x1B400] =	vst v63  }
0x2f0: {  	_ =	swait.ge [sflag:s14], $0x8000  }
0x2f1: {  	s21 =	sld [smem:$0x7F5]  }
0x2f2: {  	[sflag:s14] =	ssyncset.done $0x0  }
0x2f3: {  	[sflag:s14] =	ssyncadd.s32 $0xFFFF8000  }
0x2f4: {  	[hbm4b:s21+s2] =	stream.linear.scatter [tilespmem:s12], [sflag:$0x6], $0x8000, $0x38;
	[tilespmem:$0x1B400] =	vst v63  }
0x2f5: {  	_ =	swait.ge [sflag:s9], $0x8000  }
0x2f6: {  	[sflag:s9] =	ssyncset.done $0x0  }
0x2f7: {  	s28 =	simm.s32 $0x2800;
	[sflag:s9] =	ssyncadd.s32 $0xFFFF8000  }
0x2f8: {  	[tilespmem:s12], [sflag:$0x3] =	stream.indirect.gather [hbm4b:s3+s4], $0x40, s28, s4, $0xb8;
	[tilespmem:$0x1B400] =	vst v63  }
0x2f9: {  	_ =	swait.ge [sflag:s11], $0x8000  }
0x2fa: {  	s21 =	sld [smem:$0x7F6]  }
0x2fb: {  	[sflag:s11] =	ssyncset.done $0x0  }
0x2fc: {  	[sflag:s11] =	ssyncadd.s32 $0xFFFF8000  }
0x2fd: {  	[hbm4b:s21+s2] =	stream.linear.scatter [tilespmem:s8], [sflag:$0x4], $0x8000, $0x38;
	[tilespmem:$0x1B400] =	vst v63  }
0x2fe: {  	_ =	swait.ge [sflag:s6], $0x8000  }
0x2ff: {  	[sflag:s6] =	ssyncset.done $0x0  }
0x300: {  	s26 =	simm.s32 $0x2A00;
	[sflag:s6] =	ssyncadd.s32 $0xFFFF8000  }
0x301: {  	[tilespmem:s8], [sflag:$0x1] =	stream.indirect.gather [hbm4b:s3+s4], $0x40, s26, s4, $0xb8;
	[tilespmem:$0x1B400] =	vst v63  }
0x302: {  	_ =	swait.ge [sflag:s10], $0x8000  }
0x303: {  	s21 =	sld [smem:$0x7F7]  }
0x304: {  	[sflag:s10] =	ssyncset.done $0x0  }
0x305: {  	[sflag:s10] =	ssyncadd.s32 $0xFFFF8000  }
0x306: {  	[hbm4b:s21+s2] =	stream.linear.scatter [tilespmem:s7], [sflag:$0x5], $0x8000, $0x38;
	[tilespmem:$0x1B400] =	vst v63  }
0x307: {  	_ =	swait.ge [sflag:s5], $0x8000  }
0x308: {  	[sflag:s5] =	ssyncset.done $0x0  }
0x309: {  	s25 =	simm.s32 $0x2C00;
	[sflag:s5] =	ssyncadd.s32 $0xFFFF8000  }
0x30a: {  	[tilespmem:s7], [sflag:$0x2] =	stream.indirect.gather [hbm4b:s3+s4], $0x40, s25, s4, $0xb8;
	[tilespmem:$0x1B400] =	vst v63  }
0x30b: {  	_ =	swait.ge [sflag:s14], $0x8000  }
0x30c: {  	s21 =	sld [smem:$0x7F8]  }
0x30d: {  	[sflag:s14] =	ssyncset.done $0x0  }
0x30e: {  	[sflag:s14] =	ssyncadd.s32 $0xFFFF8000  }
0x30f: {  	[hbm4b:s21+s2] =	stream.linear.scatter [tilespmem:s12], [sflag:$0x6], $0x8000, $0x38;
	[tilespmem:$0x1B400] =	vst v63  }
0x310: {  	_ =	swait.ge [sflag:s9], $0x8000  }
0x311: {  	[sflag:s9] =	ssyncset.done $0x0  }
0x312: {  	s24 =	simm.s32 $0x2E00;
	[sflag:s9] =	ssyncadd.s32 $0xFFFF8000  }
0x313: {  	[tilespmem:s12], [sflag:$0x3] =	stream.indirect.gather [hbm4b:s3+s4], $0x40, s24, s4, $0xb8;
	[tilespmem:$0x1B400] =	vst v63  }
0x314: {  	_ =	swait.ge [sflag:s11], $0x8000  }
0x315: {  	s21 =	sld [smem:$0x7F9]  }
0x316: {  	[sflag:s11] =	ssyncset.done $0x0  }
0x317: {  	[sflag:s11] =	ssyncadd.s32 $0xFFFF8000  }
0x318: {  	[hbm4b:s21+s2] =	stream.linear.scatter [tilespmem:s8], [sflag:$0x4], $0x8000, $0x38;
	[tilespmem:$0x1B400] =	vst v63  }
0x319: {  	_ =	swait.ge [sflag:s6], $0x8000  }
0x31a: {  	[sflag:s6] =	ssyncset.done $0x0  }
0x31b: {  	s23 =	simm.s32 $0x3000;
	[sflag:s6] =	ssyncadd.s32 $0xFFFF8000  }
0x31c: {  	[tilespmem:s8], [sflag:$0x1] =	stream.indirect.gather [hbm4b:s3+s4], $0x40, s23, s4, $0xb8;
	[tilespmem:$0x1B400] =	vst v63  }
0x31d: {  	_ =	swait.ge [sflag:s10], $0x8000  }
0x31e: {  	s21 =	sld [smem:$0x7FA]  }
0x31f: {  	[sflag:s10] =	ssyncset.done $0x0  }
0x320: {  	[sflag:s10] =	ssyncadd.s32 $0xFFFF8000  }
0x321: {  	[hbm4b:s21+s2] =	stream.linear.scatter [tilespmem:s7], [sflag:$0x5], $0x8000, $0x38;
	[tilespmem:$0x1B400] =	vst v63  }
0x322: {  	_ =	swait.ge [sflag:s5], $0x8000  }
0x323: {  	[sflag:s5] =	ssyncset.done $0x0  }
0x324: {  	s22 =	simm.s32 $0x3200;
	[sflag:s5] =	ssyncadd.s32 $0xFFFF8000  }
0x325: {  	[tilespmem:s7], [sflag:$0x2] =	stream.indirect.gather [hbm4b:s3+s4], $0x40, s22, s4, $0xb8;
	[tilespmem:$0x1B400] =	vst v63  }
0x326: {  	_ =	swait.ge [sflag:s14], $0x8000  }
0x327: {  	s21 =	sld [smem:$0x7FB]  }
0x328: {  	[sflag:s14] =	ssyncset.done $0x0  }
0x329: {  	[sflag:s14] =	ssyncadd.s32 $0xFFFF8000  }
0x32a: {  	[hbm4b:s21+s2] =	stream.linear.scatter [tilespmem:s12], [sflag:$0x6], $0x8000, $0x38;
	[tilespmem:$0x1B400] =	vst v63  }
0x32b: {  	_ =	swait.ge [sflag:s11], $0x8000  }
0x32c: {  	s21 =	sld [smem:$0x7FC]  }
0x32d: {  	[sflag:s11] =	ssyncset.done $0x0  }
0x32e: {  	[sflag:s11] =	ssyncadd.s32 $0xFFFF8000  }
0x32f: {  	[hbm4b:s21+s2] =	stream.linear.scatter [tilespmem:s8], [sflag:$0x4], $0x8000, $0x38;
	[tilespmem:$0x1B400] =	vst v63  }
0x330: {  	_ =	swait.ge [sflag:s10], $0x8000  }
0x331: {  	s21 =	sld [smem:$0x7FD]  }
0x332: {  	[sflag:s10] =	ssyncset.done $0x0  }
0x333: {  	[sflag:s10] =	ssyncadd.s32 $0xFFFF8000  }
0x334: {  	[hbm4b:s21+s2] =	stream.linear.scatter [tilespmem:s7], [sflag:$0x5], $0x8000, $0x38;
	[tilespmem:$0x1B400] =	vst v63  }
0x335: {  	_ =	swait.ge [sflag:s9], $0x8000  }
0x336: {  	[sflag:s9] =	ssyncset.done $0x0  }
0x337: {  	p1 =	sne.s32 s20, $0x1;
	[sflag:s9] =	ssyncadd.s32 $0xFFFF8000  }
.Ltmp2:
0x338: {  	_ =	swait.ge [sflag:s6], $0x8000;
	(pc) =	sbr.rel @p1 .LBB2_2-.Ltmp2, $4  }
0x339: {  	[sflag:s6] =	ssyncset.done $0x0  }
0x33a: {  	[sflag:s6] =	ssyncadd.s32 $0xFFFF8000  }
0x33b: {  	_ =	swait.ge [sflag:s5], $0x8000  }
0x33c: {  	s20 =	sadd.s32 $0xFFFFFFFF, s20;
	s21 =	rddreg [dreg:$0x3];
	[sflag:s5] =	ssyncset.done $0x0  }
.LBB2_3:
0x33d: {  	[sflag:s5] =	ssyncadd.s32 @p0 $0xFFFF8000;
	s20 =	rddreg [dreg:$0x4]  }
0x33e: {  	[tilespmem:s2], [sflag:$0x7] =	stream.linear.gather [hbm4b:s21+s2], $0x200, $0x38;
	[tilespmem:$0x1B400] =	vst v63  }
0x33f: {  	s21 =	rddreg [dreg:$0x5]  }
0x340: {  	[tilespmem:s4], [sflag:$0x7] =	stream.linear.gather [hbm4b:s20+s2], $0x200, $0x38;
	[tilespmem:$0x1B400] =	vst v63  }
0x341: {  	s20 =	rddreg [dreg:$0x6]  }
0x342: {  	[smem:$0x7D5] =	sst s20;
	s20 =	simm.s32 $0x400  }
0x343: {  	[tilespmem:s20], [sflag:$0x7] =	stream.linear.gather [hbm4b:s21+s2], $0x200, $0x38;
	[tilespmem:$0x1B400] =	vst v63  }
0x344: {  	s21 =	rddreg [dreg:$0x7]  }
0x345: {  	[smem:$0x7D6] =	sst s21  }
0x346: {  	s21 =	sld [smem:$0x7D5];
	_ =	sdelay $0x1  }
0x347: {  	s20 =	simm.s32 $0x600  }
0x348: {  	[tilespmem:s20], [sflag:$0x7] =	stream.linear.gather [hbm4b:s21+s2], $0x200, $0x38;
	[tilespmem:$0x1B400] =	vst v63  }
0x349: {  	s21 =	rddreg [dreg:$0x8]  }
0x34a: {  	[smem:$0x7D7] =	sst s21  }
0x34b: {  	s21 =	sld [smem:$0x7D6];
	_ =	sdelay $0x1  }
0x34c: {  	s20 =	simm.s32 $0x800  }
0x34d: {  	[tilespmem:s20], [sflag:$0x7] =	stream.linear.gather [hbm4b:s21+s2], $0x200, $0x38;
	[tilespmem:$0x1B400] =	vst v63  }
0x34e: {  	s21 =	rddreg [dreg:$0x9]  }
0x34f: {  	[smem:$0x7D8] =	sst s21  }
0x350: {  	s21 =	sld [smem:$0x7D7];
	_ =	sdelay $0x1  }
0x351: {  	s20 =	simm.s32 $0xA00  }
0x352: {  	[tilespmem:s20], [sflag:$0x7] =	stream.linear.gather [hbm4b:s21+s2], $0x200, $0x38;
	[tilespmem:$0x1B400] =	vst v63  }
0x353: {  	s21 =	rddreg [dreg:$0xa]  }
0x354: {  	[smem:$0x7D9] =	sst s21  }
0x355: {  	s21 =	sld [smem:$0x7D8];
	_ =	sdelay $0x1  }
0x356: {  	s20 =	simm.s32 $0xC00  }
0x357: {  	[tilespmem:s20], [sflag:$0x7] =	stream.linear.gather [hbm4b:s21+s2], $0x200, $0x38;
	[tilespmem:$0x1B400] =	vst v63  }
0x358: {  	s21 =	rddreg [dreg:$0xb]  }
0x359: {  	[smem:$0x7DA] =	sst s21  }
0x35a: {  	s21 =	sld [smem:$0x7D9];
	_ =	sdelay $0x1  }
0x35b: {  	s20 =	simm.s32 $0xE00  }
0x35c: {  	[tilespmem:s20], [sflag:$0x7] =	stream.linear.gather [hbm4b:s21+s2], $0x200, $0x38;
	[tilespmem:$0x1B400] =	vst v63  }
0x35d: {  	s21 =	rddreg [dreg:$0xc]  }
0x35e: {  	[smem:$0x7DB] =	sst s21  }
0x35f: {  	s21 =	sld [smem:$0x7DA];
	_ =	sdelay $0x1  }
0x360: {  	s20 =	simm.s32 $0x1000  }
0x361: {  	[tilespmem:s20], [sflag:$0x7] =	stream.linear.gather [hbm4b:s21+s2], $0x200, $0x38;
	[tilespmem:$0x1B400] =	vst v63  }
0x362: {  	s21 =	rddreg [dreg:$0xd]  }
0x363: {  	[smem:$0x7DC] =	sst s21  }
0x364: {  	s21 =	sld [smem:$0x7DB];
	_ =	sdelay $0x1  }
0x365: {  	s20 =	simm.s32 $0x1200  }
0x366: {  	[tilespmem:s20], [sflag:$0x7] =	stream.linear.gather [hbm4b:s21+s2], $0x200, $0x38;
	[tilespmem:$0x1B400] =	vst v63  }
0x367: {  	s21 =	sld [smem:$0x7DC];
	_ =	sdelay $0x2  }
0x368: {  	[tilespmem:s18], [sflag:$0x7] =	stream.linear.gather [hbm4b:s21+s2], $0x200, $0x38;
	[tilespmem:$0x1B400] =	vst v63  }
0x369: {  	s20 =	rddreg [dreg:$0xe]  }
0x36a: {  	[tilespmem:s17], [sflag:$0x7] =	stream.linear.gather [hbm4b:s20+s2], $0x200, $0x38;
	[tilespmem:$0x1B400] =	vst v63  }
0x36b: {  	s21 =	rddreg [dreg:$0xf]  }
0x36c: {  	[tilespmem:s16], [sflag:$0x7] =	stream.linear.gather [hbm4b:s21+s2], $0x200, $0x38;
	[tilespmem:$0x1B400] =	vst v63  }
0x36d: {  	s18 =	rddreg [dreg:$0x10]  }
0x36e: {  	[tilespmem:s15], [sflag:$0x7] =	stream.linear.gather [hbm4b:s18+s2], $0x200, $0x38;
	[tilespmem:$0x1B400] =	vst v63  }
0x36f: {  	s16 =	rddreg [dreg:$0x11]  }
0x370: {  	[tilespmem:s13], [sflag:$0x7] =	stream.linear.gather [hbm4b:s16+s2], $0x200, $0x38;
	[tilespmem:$0x1B400] =	vst v63  }
0x371: {  	s17 =	rddreg [dreg:$0x12]  }
0x372: {  	[tilespmem:s1], [sflag:$0x7] =	stream.linear.gather [hbm4b:s17+s2], $0x200, $0x38;
	[tilespmem:$0x1B400] =	vst v63  }
0x373: {  	s18 =	rddreg [dreg:$0x13]  }
0x374: {  	[tilespmem:s0], [sflag:$0x7] =	stream.linear.gather [hbm4b:s18+s2], $0x200, $0x38;
	[tilespmem:$0x1B400] =	vst v63  }
0x375: {  	s13 =	rddreg [dreg:$0x14]  }
0x376: {  	[tilespmem:s31], [sflag:$0x7] =	stream.linear.gather [hbm4b:s13+s2], $0x200, $0x38;
	[tilespmem:$0x1B400] =	vst v63  }
0x377: {  	s15 =	rddreg [dreg:$0x15]  }
0x378: {  	[tilespmem:s30], [sflag:$0x7] =	stream.linear.gather [hbm4b:s15+s2], $0x200, $0x38;
	[tilespmem:$0x1B400] =	vst v63  }
0x379: {  	s16 =	rddreg [dreg:$0x16]  }
0x37a: {  	[tilespmem:s29], [sflag:$0x7] =	stream.linear.gather [hbm4b:s16+s2], $0x200, $0x38;
	[tilespmem:$0x1B400] =	vst v63  }
0x37b: {  	s17 =	rddreg [dreg:$0x17]  }
0x37c: {  	[tilespmem:s28], [sflag:$0x7] =	stream.linear.gather [hbm4b:s17+s2], $0x200, $0x38;
	[tilespmem:$0x1B400] =	vst v63  }
0x37d: {  	s18 =	rddreg [dreg:$0x18]  }
0x37e: {  	[tilespmem:s26], [sflag:$0x7] =	stream.linear.gather [hbm4b:s18+s2], $0x200, $0x38;
	[tilespmem:$0x1B400] =	vst v63  }
0x37f: {  	s0 =	rddreg [dreg:$0x19]  }
0x380: {  	[tilespmem:s25], [sflag:$0x7] =	stream.linear.gather [hbm4b:s0+s2], $0x200, $0x38;
	[tilespmem:$0x1B400] =	vst v63  }
0x381: {  	s1 =	rddreg [dreg:$0x1a]  }
0x382: {  	[tilespmem:s24], [sflag:$0x7] =	stream.linear.gather [hbm4b:s1+s2], $0x200, $0x38;
	[tilespmem:$0x1B400] =	vst v63  }
0x383: {  	s13 =	rddreg [dreg:$0x1b]  }
0x384: {  	[tilespmem:s23], [sflag:$0x7] =	stream.linear.gather [hbm4b:s13+s2], $0x200, $0x38;
	[tilespmem:$0x1B400] =	vst v63  }
0x385: {  	s15 =	rddreg [dreg:$0x1c]  }
0x386: {  	[tilespmem:s22], [sflag:$0x7] =	stream.linear.gather [hbm4b:s15+s2], $0x200, $0x38;
	[tilespmem:$0x1B400] =	vst v63  }
0x387: {  	_ =	swait.ge [sflag:s19], $0x200  }
0x388: {  	[sflag:s19] =	ssyncset.done $0x0  }
0x389: {  	[sflag:s19] =	ssyncadd.s32 $0xFFFFFE00  }
0x38a: {  	_ =	swait.ge [sflag:s19], $0x200  }
0x38b: {  	[sflag:s19] =	ssyncset.done $0x0  }
0x38c: {  	[sflag:s19] =	ssyncadd.s32 $0xFFFFFE00  }
0x38d: {  	_ =	swait.ge [sflag:s19], $0x200  }
0x38e: {  	[sflag:s19] =	ssyncset.done $0x0  }
0x38f: {  	[sflag:s19] =	ssyncadd.s32 $0xFFFFFE00  }
0x390: {  	_ =	swait.ge [sflag:s19], $0x200  }
0x391: {  	[sflag:s19] =	ssyncset.done $0x0  }
0x392: {  	[sflag:s19] =	ssyncadd.s32 $0xFFFFFE00  }
0x393: {  	_ =	swait.ge [sflag:s19], $0x200  }
0x394: {  	[sflag:s19] =	ssyncset.done $0x0  }
0x395: {  	[sflag:s19] =	ssyncadd.s32 $0xFFFFFE00  }
0x396: {  	_ =	swait.ge [sflag:s19], $0x200  }
0x397: {  	[sflag:s19] =	ssyncset.done $0x0  }
0x398: {  	[sflag:s19] =	ssyncadd.s32 $0xFFFFFE00  }
0x399: {  	_ =	swait.ge [sflag:s19], $0x200  }
0x39a: {  	[sflag:s19] =	ssyncset.done $0x0  }
0x39b: {  	[sflag:s19] =	ssyncadd.s32 $0xFFFFFE00  }
0x39c: {  	_ =	swait.ge [sflag:s19], $0x200  }
0x39d: {  	[sflag:s19] =	ssyncset.done $0x0  }
0x39e: {  	[sflag:s19] =	ssyncadd.s32 $0xFFFFFE00  }
0x39f: {  	_ =	swait.ge [sflag:s19], $0x200  }
0x3a0: {  	[sflag:s19] =	ssyncset.done $0x0  }
0x3a1: {  	[sflag:s19] =	ssyncadd.s32 $0xFFFFFE00  }
0x3a2: {  	_ =	swait.ge [sflag:s19], $0x200  }
0x3a3: {  	[sflag:s19] =	ssyncset.done $0x0  }
0x3a4: {  	[sflag:s19] =	ssyncadd.s32 $0xFFFFFE00  }
0x3a5: {  	_ =	swait.ge [sflag:s19], $0x200  }
0x3a6: {  	[sflag:s19] =	ssyncset.done $0x0  }
0x3a7: {  	[sflag:s19] =	ssyncadd.s32 $0xFFFFFE00  }
0x3a8: {  	_ =	swait.ge [sflag:s19], $0x200  }
0x3a9: {  	[sflag:s19] =	ssyncset.done $0x0  }
0x3aa: {  	[sflag:s19] =	ssyncadd.s32 $0xFFFFFE00  }
0x3ab: {  	_ =	swait.ge [sflag:s19], $0x200  }
0x3ac: {  	[sflag:s19] =	ssyncset.done $0x0  }
0x3ad: {  	[sflag:s19] =	ssyncadd.s32 $0xFFFFFE00  }
0x3ae: {  	_ =	swait.ge [sflag:s19], $0x200  }
0x3af: {  	[sflag:s19] =	ssyncset.done $0x0  }
0x3b0: {  	[sflag:s19] =	ssyncadd.s32 $0xFFFFFE00  }
0x3b1: {  	_ =	swait.ge [sflag:s19], $0x200  }
0x3b2: {  	[sflag:s19] =	ssyncset.done $0x0  }
0x3b3: {  	[sflag:s19] =	ssyncadd.s32 $0xFFFFFE00  }
0x3b4: {  	_ =	swait.ge [sflag:s19], $0x200  }
0x3b5: {  	[sflag:s19] =	ssyncset.done $0x0  }
0x3b6: {  	[sflag:s19] =	ssyncadd.s32 $0xFFFFFE00  }
0x3b7: {  	_ =	swait.ge [sflag:s19], $0x200  }
0x3b8: {  	[sflag:s19] =	ssyncset.done $0x0  }
0x3b9: {  	[sflag:s19] =	ssyncadd.s32 $0xFFFFFE00  }
0x3ba: {  	_ =	swait.ge [sflag:s19], $0x200  }
0x3bb: {  	[sflag:s19] =	ssyncset.done $0x0  }
0x3bc: {  	[sflag:s19] =	ssyncadd.s32 $0xFFFFFE00  }
0x3bd: {  	_ =	swait.ge [sflag:s19], $0x200  }
0x3be: {  	[sflag:s19] =	ssyncset.done $0x0  }
0x3bf: {  	[sflag:s19] =	ssyncadd.s32 $0xFFFFFE00  }
0x3c0: {  	_ =	swait.ge [sflag:s19], $0x200  }
0x3c1: {  	[sflag:s19] =	ssyncset.done $0x0  }
0x3c2: {  	[sflag:s19] =	ssyncadd.s32 $0xFFFFFE00  }
0x3c3: {  	_ =	swait.ge [sflag:s19], $0x200  }
0x3c4: {  	[sflag:s19] =	ssyncset.done $0x0  }
0x3c5: {  	[sflag:s19] =	ssyncadd.s32 $0xFFFFFE00  }
0x3c6: {  	_ =	swait.ge [sflag:s19], $0x200  }
0x3c7: {  	[sflag:s19] =	ssyncset.done $0x0  }
0x3c8: {  	[sflag:s19] =	ssyncadd.s32 $0xFFFFFE00  }
0x3c9: {  	_ =	swait.ge [sflag:s19], $0x200  }
0x3ca: {  	[sflag:s19] =	ssyncset.done $0x0  }
0x3cb: {  	[sflag:s19] =	ssyncadd.s32 $0xFFFFFE00  }
0x3cc: {  	_ =	swait.ge [sflag:s19], $0x200  }
0x3cd: {  	[sflag:s19] =	ssyncset.done $0x0  }
0x3ce: {  	[sflag:s19] =	ssyncadd.s32 $0xFFFFFE00  }
0x3cf: {  	_ =	swait.ge [sflag:s19], $0x200  }
0x3d0: {  	[sflag:s19] =	ssyncset.done $0x0  }
0x3d1: {  	[sflag:s19] =	ssyncadd.s32 $0xFFFFFE00  }
0x3d2: {  	_ =	swait.ge [sflag:s19], $0x200  }
0x3d3: {  	[sflag:s19] =	ssyncset.done $0x0  }
0x3d4: {  	[sflag:s19] =	ssyncadd.s32 $0xFFFFFE00  }
0x3d5: {  	[tilespmem:s8], [sflag:$0x1] =	stream.indirect.gather [hbm4b:s3+s4], $0x40, s2, s4, $0xb8;
	[tilespmem:$0x1B400] =	vst v63  }
0x3d6: {  	_ = 	snop  }
0x3d7: {  	[tilespmem:s7], [sflag:$0x2] =	stream.indirect.gather [hbm4b:s3+s4], $0x40, s4, s4, $0xb8;
	[tilespmem:$0x1B400] =	vst v63  }
0x3d8: {  	s16 =	simm.s32 $0x400  }
0x3d9: {  	[tilespmem:s12], [sflag:$0x3] =	stream.indirect.gather [hbm4b:s3+s4], $0x40, s16, s4, $0xb8;
	[tilespmem:$0x1B400] =	vst v63  }
0x3da: {  	_ =	swait.ge [sflag:s11], $0x8000  }
0x3db: {  	[sflag:s11] =	ssyncset.done $0x0  }
0x3dc: {  	s17 =	rddreg [dreg:$0x1d];
	[sflag:s11] =	ssyncadd.s32 $0xFFFF8000  }
0x3dd: {  	[hbm4b:s17+s2] =	stream.linear.scatter [tilespmem:s8], [sflag:$0x4], $0x8000, $0x38;
	[tilespmem:$0x1B400] =	vst v63  }
0x3de: {  	_ =	swait.ge [sflag:s6], $0x8000  }
0x3df: {  	[sflag:s6] =	ssyncset.done $0x0  }
0x3e0: {  	s18 =	simm.s32 $0x600;
	[sflag:s6] =	ssyncadd.s32 $0xFFFF8000  }
0x3e1: {  	[tilespmem:s8], [sflag:$0x1] =	stream.indirect.gather [hbm4b:s3+s4], $0x40, s18, s4, $0xb8;
	[tilespmem:$0x1B400] =	vst v63  }
0x3e2: {  	_ =	swait.ge [sflag:s10], $0x8000  }
0x3e3: {  	[sflag:s10] =	ssyncset.done $0x0  }
0x3e4: {  	s20 =	rddreg [dreg:$0x1e];
	[sflag:s10] =	ssyncadd.s32 $0xFFFF8000  }
0x3e5: {  	[hbm4b:s20+s2] =	stream.linear.scatter [tilespmem:s7], [sflag:$0x5], $0x8000, $0x38;
	[tilespmem:$0x1B400] =	vst v63  }
0x3e6: {  	_ =	swait.ge [sflag:s5], $0x8000  }
0x3e7: {  	[sflag:s5] =	ssyncset.done $0x0  }
0x3e8: {  	s21 =	simm.s32 $0x800;
	[sflag:s5] =	ssyncadd.s32 $0xFFFF8000  }
0x3e9: {  	[tilespmem:s7], [sflag:$0x2] =	stream.indirect.gather [hbm4b:s3+s4], $0x40, s21, s4, $0xb8;
	[tilespmem:$0x1B400] =	vst v63  }
0x3ea: {  	_ =	swait.ge [sflag:s14], $0x8000  }
0x3eb: {  	[sflag:s14] =	ssyncset.done $0x0  }
0x3ec: {  	s0 =	rddreg [dreg:$0x1f];
	[sflag:s14] =	ssyncadd.s32 $0xFFFF8000  }
0x3ed: {  	[hbm4b:s0+s2] =	stream.linear.scatter [tilespmem:s12], [sflag:$0x6], $0x8000, $0x38;
	[tilespmem:$0x1B400] =	vst v63  }
0x3ee: {  	_ =	swait.ge [sflag:s9], $0x8000  }
0x3ef: {  	[sflag:s9] =	ssyncset.done $0x0  }
0x3f0: {  	s1 =	simm.s32 $0xA00;
	[sflag:s9] =	ssyncadd.s32 $0xFFFF8000  }
0x3f1: {  	[tilespmem:s12], [sflag:$0x3] =	stream.indirect.gather [hbm4b:s3+s4], $0x40, s1, s4, $0xb8;
	[tilespmem:$0x1B400] =	vst v63  }
0x3f2: {  	_ =	swait.ge [sflag:s11], $0x8000  }
0x3f3: {  	s13 =	sld [smem:$0x7E6]  }
0x3f4: {  	[sflag:s11] =	ssyncset.done $0x0  }
0x3f5: {  	[sflag:s11] =	ssyncadd.s32 $0xFFFF8000  }
0x3f6: {  	[hbm4b:s13+s2] =	stream.linear.scatter [tilespmem:s8], [sflag:$0x4], $0x8000, $0x38;
	[tilespmem:$0x1B400] =	vst v63  }
0x3f7: {  	_ =	swait.ge [sflag:s6], $0x8000  }
0x3f8: {  	[sflag:s6] =	ssyncset.done $0x0  }
0x3f9: {  	s15 =	simm.s32 $0xC00;
	[sflag:s6] =	ssyncadd.s32 $0xFFFF8000  }
0x3fa: {  	[tilespmem:s8], [sflag:$0x1] =	stream.indirect.gather [hbm4b:s3+s4], $0x40, s15, s4, $0xb8;
	[tilespmem:$0x1B400] =	vst v63  }
0x3fb: {  	_ =	swait.ge [sflag:s10], $0x8000  }
0x3fc: {  	s20 =	sld [smem:$0x7E7]  }
0x3fd: {  	[sflag:s10] =	ssyncset.done $0x0  }
0x3fe: {  	[sflag:s10] =	ssyncadd.s32 $0xFFFF8000  }
0x3ff: {  	[hbm4b:s20+s2] =	stream.linear.scatter [tilespmem:s7], [sflag:$0x5], $0x8000, $0x38;
	[tilespmem:$0x1B400] =	vst v63  }
0x400: {  	_ =	swait.ge [sflag:s5], $0x8000  }
0x401: {  	[sflag:s5] =	ssyncset.done $0x0  }
0x402: {  	s21 =	simm.s32 $0xE00;
	[sflag:s5] =	ssyncadd.s32 $0xFFFF8000  }
0x403: {  	[tilespmem:s7], [sflag:$0x2] =	stream.indirect.gather [hbm4b:s3+s4], $0x40, s21, s4, $0xb8;
	[tilespmem:$0x1B400] =	vst v63  }
0x404: {  	_ =	swait.ge [sflag:s14], $0x8000  }
0x405: {  	s0 =	sld [smem:$0x7E8]  }
0x406: {  	[sflag:s14] =	ssyncset.done $0x0  }
0x407: {  	[sflag:s14] =	ssyncadd.s32 $0xFFFF8000  }
0x408: {  	[hbm4b:s0+s2] =	stream.linear.scatter [tilespmem:s12], [sflag:$0x6], $0x8000, $0x38;
	[tilespmem:$0x1B400] =	vst v63  }
0x409: {  	_ =	swait.ge [sflag:s9], $0x8000  }
0x40a: {  	[sflag:s9] =	ssyncset.done $0x0  }
0x40b: {  	s1 =	simm.s32 $0x1000;
	[sflag:s9] =	ssyncadd.s32 $0xFFFF8000  }
0x40c: {  	[tilespmem:s12], [sflag:$0x3] =	stream.indirect.gather [hbm4b:s3+s4], $0x40, s1, s4, $0xb8;
	[tilespmem:$0x1B400] =	vst v63  }
0x40d: {  	_ =	swait.ge [sflag:s11], $0x8000  }
0x40e: {  	s20 =	sld [smem:$0x7EA]  }
0x40f: {  	[sflag:s11] =	ssyncset.done $0x0  }
0x410: {  	[sflag:s11] =	ssyncadd.s32 $0xFFFF8000  }
0x411: {  	[hbm4b:s20+s2] =	stream.linear.scatter [tilespmem:s8], [sflag:$0x4], $0x8000, $0x38;
	[tilespmem:$0x1B400] =	vst v63  }
0x412: {  	_ =	swait.ge [sflag:s6], $0x8000  }
0x413: {  	[sflag:s6] =	ssyncset.done $0x0  }
0x414: {  	s21 =	simm.s32 $0x1200;
	[sflag:s6] =	ssyncadd.s32 $0xFFFF8000  }
0x415: {  	[tilespmem:s8], [sflag:$0x1] =	stream.indirect.gather [hbm4b:s3+s4], $0x40, s21, s4, $0xb8;
	[tilespmem:$0x1B400] =	vst v63  }
0x416: {  	_ =	swait.ge [sflag:s10], $0x8000  }
0x417: {  	s20 =	sld [smem:$0x7EB]  }
0x418: {  	[sflag:s10] =	ssyncset.done $0x0  }
0x419: {  	[sflag:s10] =	ssyncadd.s32 $0xFFFF8000  }
0x41a: {  	[hbm4b:s20+s2] =	stream.linear.scatter [tilespmem:s7], [sflag:$0x5], $0x8000, $0x38;
	[tilespmem:$0x1B400] =	vst v63  }
0x41b: {  	_ =	swait.ge [sflag:s5], $0x8000  }
0x41c: {  	[sflag:s5] =	ssyncset.done $0x0  }
0x41d: {  	s19 =	simm.s32 $0x1400;
	[sflag:s5] =	ssyncadd.s32 $0xFFFF8000  }
0x41e: {  	[tilespmem:s7], [sflag:$0x2] =	stream.indirect.gather [hbm4b:s3+s4], $0x40, s19, s4, $0xb8;
	[tilespmem:$0x1B400] =	vst v63  }
0x41f: {  	_ =	swait.ge [sflag:s14], $0x8000  }
0x420: {  	s21 =	sld [smem:$0x7EC]  }
0x421: {  	[sflag:s14] =	ssyncset.done $0x0  }
0x422: {  	[sflag:s14] =	ssyncadd.s32 $0xFFFF8000  }
0x423: {  	[hbm4b:s21+s2] =	stream.linear.scatter [tilespmem:s12], [sflag:$0x6], $0x8000, $0x38;
	[tilespmem:$0x1B400] =	vst v63  }
0x424: {  	_ =	swait.ge [sflag:s9], $0x8000  }
0x425: {  	[sflag:s9] =	ssyncset.done $0x0  }
0x426: {  	s18 =	simm.s32 $0x1600;
	[sflag:s9] =	ssyncadd.s32 $0xFFFF8000  }
0x427: {  	[tilespmem:s12], [sflag:$0x3] =	stream.indirect.gather [hbm4b:s3+s4], $0x40, s18, s4, $0xb8;
	[tilespmem:$0x1B400] =	vst v63  }
0x428: {  	_ =	swait.ge [sflag:s11], $0x8000  }
0x429: {  	s18 =	sld [smem:$0x7ED]  }
0x42a: {  	[sflag:s11] =	ssyncset.done $0x0  }
0x42b: {  	[sflag:s11] =	ssyncadd.s32 $0xFFFF8000  }
0x42c: {  	[hbm4b:s18+s2] =	stream.linear.scatter [tilespmem:s8], [sflag:$0x4], $0x8000, $0x38;
	[tilespmem:$0x1B400] =	vst v63  }
0x42d: {  	_ =	swait.ge [sflag:s6], $0x8000  }
0x42e: {  	[sflag:s6] =	ssyncset.done $0x0  }
0x42f: {  	s17 =	simm.s32 $0x1800;
	[sflag:s6] =	ssyncadd.s32 $0xFFFF8000  }
0x430: {  	[tilespmem:s8], [sflag:$0x1] =	stream.indirect.gather [hbm4b:s3+s4], $0x40, s17, s4, $0xb8;
	[tilespmem:$0x1B400] =	vst v63  }
0x431: {  	_ =	swait.ge [sflag:s10], $0x8000  }
0x432: {  	s19 =	sld [smem:$0x7EE]  }
0x433: {  	[sflag:s10] =	ssyncset.done $0x0  }
0x434: {  	[sflag:s10] =	ssyncadd.s32 $0xFFFF8000  }
0x435: {  	[hbm4b:s19+s2] =	stream.linear.scatter [tilespmem:s7], [sflag:$0x5], $0x8000, $0x38;
	[tilespmem:$0x1B400] =	vst v63  }
0x436: {  	_ =	swait.ge [sflag:s5], $0x8000  }
0x437: {  	[sflag:s5] =	ssyncset.done $0x0  }
0x438: {  	s16 =	simm.s32 $0x1A00;
	[sflag:s5] =	ssyncadd.s32 $0xFFFF8000  }
0x439: {  	[tilespmem:s7], [sflag:$0x2] =	stream.indirect.gather [hbm4b:s3+s4], $0x40, s16, s4, $0xb8;
	[tilespmem:$0x1B400] =	vst v63  }
0x43a: {  	_ =	swait.ge [sflag:s14], $0x8000  }
0x43b: {  	s20 =	sld [smem:$0x7EF]  }
0x43c: {  	[sflag:s14] =	ssyncset.done $0x0  }
0x43d: {  	[sflag:s14] =	ssyncadd.s32 $0xFFFF8000  }
0x43e: {  	[hbm4b:s20+s2] =	stream.linear.scatter [tilespmem:s12], [sflag:$0x6], $0x8000, $0x38;
	[tilespmem:$0x1B400] =	vst v63  }
0x43f: {  	_ =	swait.ge [sflag:s9], $0x8000  }
0x440: {  	[sflag:s9] =	ssyncset.done $0x0  }
0x441: {  	s15 =	simm.s32 $0x1C00;
	[sflag:s9] =	ssyncadd.s32 $0xFFFF8000  }
0x442: {  	[tilespmem:s12], [sflag:$0x3] =	stream.indirect.gather [hbm4b:s3+s4], $0x40, s15, s4, $0xb8;
	[tilespmem:$0x1B400] =	vst v63  }
0x443: {  	_ =	swait.ge [sflag:s11], $0x8000  }
0x444: {  	s21 =	sld [smem:$0x7F0]  }
0x445: {  	[sflag:s11] =	ssyncset.done $0x0  }
0x446: {  	[sflag:s11] =	ssyncadd.s32 $0xFFFF8000  }
0x447: {  	[hbm4b:s21+s2] =	stream.linear.scatter [tilespmem:s8], [sflag:$0x4], $0x8000, $0x38;
	[tilespmem:$0x1B400] =	vst v63  }
0x448: {  	_ =	swait.ge [sflag:s6], $0x8000  }
0x449: {  	[sflag:s6] =	ssyncset.done $0x0  }
0x44a: {  	s13 =	simm.s32 $0x1E00;
	[sflag:s6] =	ssyncadd.s32 $0xFFFF8000  }
0x44b: {  	[tilespmem:s8], [sflag:$0x1] =	stream.indirect.gather [hbm4b:s3+s4], $0x40, s13, s4, $0xb8;
	[tilespmem:$0x1B400] =	vst v63  }
0x44c: {  	_ =	swait.ge [sflag:s10], $0x8000  }
0x44d: {  	s13 =	sld [smem:$0x7F1]  }
0x44e: {  	[sflag:s10] =	ssyncset.done $0x0  }
0x44f: {  	[sflag:s10] =	ssyncadd.s32 $0xFFFF8000  }
0x450: {  	[hbm4b:s13+s2] =	stream.linear.scatter [tilespmem:s7], [sflag:$0x5], $0x8000, $0x38;
	[tilespmem:$0x1B400] =	vst v63  }
0x451: {  	_ =	swait.ge [sflag:s5], $0x8000  }
0x452: {  	[sflag:s5] =	ssyncset.done $0x0  }
0x453: {  	s1 =	simm.s32 $0x2000;
	[sflag:s5] =	ssyncadd.s32 $0xFFFF8000  }
0x454: {  	[tilespmem:s7], [sflag:$0x2] =	stream.indirect.gather [hbm4b:s3+s4], $0x40, s1, s4, $0xb8;
	[tilespmem:$0x1B400] =	vst v63  }
0x455: {  	_ =	swait.ge [sflag:s14], $0x8000  }
0x456: {  	s15 =	sld [smem:$0x7F2]  }
0x457: {  	[sflag:s14] =	ssyncset.done $0x0  }
0x458: {  	[sflag:s14] =	ssyncadd.s32 $0xFFFF8000  }
0x459: {  	[hbm4b:s15+s2] =	stream.linear.scatter [tilespmem:s12], [sflag:$0x6], $0x8000, $0x38;
	[tilespmem:$0x1B400] =	vst v63  }
0x45a: {  	_ =	swait.ge [sflag:s9], $0x8000  }
0x45b: {  	[sflag:s9] =	ssyncset.done $0x0  }
0x45c: {  	[sflag:s9] =	ssyncadd.s32 $0xFFFF8000  }
0x45d: {  	[tilespmem:s12], [sflag:$0x3] =	stream.indirect.gather [hbm4b:s3+s4], $0x40, s31, s4, $0xb8;
	[tilespmem:$0x1B400] =	vst v63  }
0x45e: {  	_ =	swait.ge [sflag:s11], $0x8000  }
0x45f: {  	s16 =	sld [smem:$0x7F3]  }
0x460: {  	[sflag:s11] =	ssyncset.done $0x0  }
0x461: {  	[sflag:s11] =	ssyncadd.s32 $0xFFFF8000  }
0x462: {  	[hbm4b:s16+s2] =	stream.linear.scatter [tilespmem:s8], [sflag:$0x4], $0x8000, $0x38;
	[tilespmem:$0x1B400] =	vst v63  }
0x463: {  	_ =	swait.ge [sflag:s6], $0x8000  }
0x464: {  	[sflag:s6] =	ssyncset.done $0x0  }
0x465: {  	[sflag:s6] =	ssyncadd.s32 $0xFFFF8000  }
0x466: {  	[tilespmem:s8], [sflag:$0x1] =	stream.indirect.gather [hbm4b:s3+s4], $0x40, s30, s4, $0xb8;
	[tilespmem:$0x1B400] =	vst v63  }
0x467: {  	_ =	swait.ge [sflag:s10], $0x8000  }
0x468: {  	s17 =	sld [smem:$0x7F4]  }
0x469: {  	[sflag:s10] =	ssyncset.done $0x0  }
0x46a: {  	[sflag:s10] =	ssyncadd.s32 $0xFFFF8000  }
0x46b: {  	[hbm4b:s17+s2] =	stream.linear.scatter [tilespmem:s7], [sflag:$0x5], $0x8000, $0x38;
	[tilespmem:$0x1B400] =	vst v63  }
0x46c: {  	_ =	swait.ge [sflag:s5], $0x8000  }
0x46d: {  	[sflag:s5] =	ssyncset.done $0x0  }
0x46e: {  	[sflag:s5] =	ssyncadd.s32 $0xFFFF8000  }
0x46f: {  	[tilespmem:s7], [sflag:$0x2] =	stream.indirect.gather [hbm4b:s3+s4], $0x40, s29, s4, $0xb8;
	[tilespmem:$0x1B400] =	vst v63  }
0x470: {  	_ =	swait.ge [sflag:s14], $0x8000  }
0x471: {  	s18 =	sld [smem:$0x7F5]  }
0x472: {  	[sflag:s14] =	ssyncset.done $0x0  }
0x473: {  	[sflag:s14] =	ssyncadd.s32 $0xFFFF8000  }
0x474: {  	[hbm4b:s18+s2] =	stream.linear.scatter [tilespmem:s12], [sflag:$0x6], $0x8000, $0x38;
	[tilespmem:$0x1B400] =	vst v63  }
0x475: {  	_ =	swait.ge [sflag:s9], $0x8000  }
0x476: {  	[sflag:s9] =	ssyncset.done $0x0  }
0x477: {  	[sflag:s9] =	ssyncadd.s32 $0xFFFF8000  }
0x478: {  	[tilespmem:s12], [sflag:$0x3] =	stream.indirect.gather [hbm4b:s3+s4], $0x40, s28, s4, $0xb8;
	[tilespmem:$0x1B400] =	vst v63  }
0x479: {  	_ =	swait.ge [sflag:s11], $0x8000  }
0x47a: {  	s19 =	sld [smem:$0x7F6]  }
0x47b: {  	[sflag:s11] =	ssyncset.done $0x0  }
0x47c: {  	[sflag:s11] =	ssyncadd.s32 $0xFFFF8000  }
0x47d: {  	[hbm4b:s19+s2] =	stream.linear.scatter [tilespmem:s8], [sflag:$0x4], $0x8000, $0x38;
	[tilespmem:$0x1B400] =	vst v63  }
0x47e: {  	_ =	swait.ge [sflag:s6], $0x8000  }
0x47f: {  	[sflag:s6] =	ssyncset.done $0x0  }
0x480: {  	[sflag:s6] =	ssyncadd.s32 $0xFFFF8000  }
0x481: {  	[tilespmem:s8], [sflag:$0x1] =	stream.indirect.gather [hbm4b:s3+s4], $0x40, s26, s4, $0xb8;
	[tilespmem:$0x1B400] =	vst v63  }
0x482: {  	_ =	swait.ge [sflag:s10], $0x8000  }
0x483: {  	s20 =	sld [smem:$0x7F7]  }
0x484: {  	[sflag:s10] =	ssyncset.done $0x0  }
0x485: {  	[sflag:s10] =	ssyncadd.s32 $0xFFFF8000  }
0x486: {  	[hbm4b:s20+s2] =	stream.linear.scatter [tilespmem:s7], [sflag:$0x5], $0x8000, $0x38;
	[tilespmem:$0x1B400] =	vst v63  }
0x487: {  	_ =	swait.ge [sflag:s5], $0x8000  }
0x488: {  	[sflag:s5] =	ssyncset.done $0x0  }
0x489: {  	[sflag:s5] =	ssyncadd.s32 $0xFFFF8000  }
0x48a: {  	[tilespmem:s7], [sflag:$0x2] =	stream.indirect.gather [hbm4b:s3+s4], $0x40, s25, s4, $0xb8;
	[tilespmem:$0x1B400] =	vst v63  }
0x48b: {  	_ =	swait.ge [sflag:s14], $0x8000  }
0x48c: {  	s21 =	sld [smem:$0x7F8]  }
0x48d: {  	[sflag:s14] =	ssyncset.done $0x0  }
0x48e: {  	[sflag:s14] =	ssyncadd.s32 $0xFFFF8000  }
0x48f: {  	[hbm4b:s21+s2] =	stream.linear.scatter [tilespmem:s12], [sflag:$0x6], $0x8000, $0x38;
	[tilespmem:$0x1B400] =	vst v63  }
0x490: {  	_ =	swait.ge [sflag:s9], $0x8000  }
0x491: {  	[sflag:s9] =	ssyncset.done $0x0  }
0x492: {  	[sflag:s9] =	ssyncadd.s32 $0xFFFF8000  }
0x493: {  	[tilespmem:s12], [sflag:$0x3] =	stream.indirect.gather [hbm4b:s3+s4], $0x40, s24, s4, $0xb8;
	[tilespmem:$0x1B400] =	vst v63  }
0x494: {  	_ =	swait.ge [sflag:s11], $0x8000  }
0x495: {  	s25 =	sld [smem:$0x7F9]  }
0x496: {  	[sflag:s11] =	ssyncset.done $0x0  }
0x497: {  	[sflag:s11] =	ssyncadd.s32 $0xFFFF8000  }
0x498: {  	[hbm4b:s25+s2] =	stream.linear.scatter [tilespmem:s8], [sflag:$0x4], $0x8000, $0x38;
	[tilespmem:$0x1B400] =	vst v63  }
0x499: {  	_ =	swait.ge [sflag:s6], $0x8000  }
0x49a: {  	[sflag:s6] =	ssyncset.done $0x0  }
0x49b: {  	[sflag:s6] =	ssyncadd.s32 $0xFFFF8000  }
0x49c: {  	[tilespmem:s8], [sflag:$0x1] =	stream.indirect.gather [hbm4b:s3+s4], $0x40, s23, s4, $0xb8;
	[tilespmem:$0x1B400] =	vst v63  }
0x49d: {  	_ =	swait.ge [sflag:s10], $0x8000  }
0x49e: {  	s26 =	sld [smem:$0x7FA]  }
0x49f: {  	[sflag:s10] =	ssyncset.done $0x0  }
0x4a0: {  	[sflag:s10] =	ssyncadd.s32 $0xFFFF8000  }
0x4a1: {  	[hbm4b:s26+s2] =	stream.linear.scatter [tilespmem:s7], [sflag:$0x5], $0x8000, $0x38;
	[tilespmem:$0x1B400] =	vst v63  }
0x4a2: {  	_ =	swait.ge [sflag:s5], $0x8000  }
0x4a3: {  	[sflag:s5] =	ssyncset.done $0x0  }
0x4a4: {  	[sflag:s5] =	ssyncadd.s32 $0xFFFF8000  }
0x4a5: {  	[tilespmem:s7], [sflag:$0x2] =	stream.indirect.gather [hbm4b:s3+s4], $0x40, s22, s4, $0xb8;
	[tilespmem:$0x1B400] =	vst v63  }
0x4a6: {  	_ =	swait.ge [sflag:s14], $0x8000  }
0x4a7: {  	s28 =	sld [smem:$0x7FB]  }
0x4a8: {  	[sflag:s14] =	ssyncset.done $0x0  }
0x4a9: {  	[sflag:s14] =	ssyncadd.s32 $0xFFFF8000  }
0x4aa: {  	[hbm4b:s28+s2] =	stream.linear.scatter [tilespmem:s12], [sflag:$0x6], $0x8000, $0x38;
	[tilespmem:$0x1B400] =	vst v63  }
0x4ab: {  	_ =	swait.ge [sflag:s11], $0x8000  }
0x4ac: {  	s29 =	sld [smem:$0x7FC]  }
0x4ad: {  	[sflag:s11] =	ssyncset.done $0x0  }
0x4ae: {  	[sflag:s11] =	ssyncadd.s32 $0xFFFF8000  }
0x4af: {  	[hbm4b:s29+s2] =	stream.linear.scatter [tilespmem:s8], [sflag:$0x4], $0x8000, $0x38;
	[tilespmem:$0x1B400] =	vst v63  }
0x4b0: {  	_ =	swait.ge [sflag:s10], $0x8000  }
0x4b1: {  	s30 =	sld [smem:$0x7FD]  }
0x4b2: {  	[sflag:s10] =	ssyncset.done $0x0  }
0x4b3: {  	[sflag:s10] =	ssyncadd.s32 $0xFFFF8000  }
0x4b4: {  	[hbm4b:s30+s2] =	stream.linear.scatter [tilespmem:s7], [sflag:$0x5], $0x8000, $0x38;
	[tilespmem:$0x1B400] =	vst v63  }
0x4b5: {  	_ =	swait.ge [sflag:s9], $0x8000  }
0x4b6: {  	[sflag:s9] =	ssyncset.done $0x0  }
0x4b7: {  	[sflag:s9] =	ssyncadd.s32 $0xFFFF8000  }
0x4b8: {  	_ =	swait.ge [sflag:s6], $0x8000  }
0x4b9: {  	[sflag:s6] =	ssyncset.done $0x0  }
0x4ba: {  	[sflag:s6] =	ssyncadd.s32 $0xFFFF8000  }
0x4bb: {  	_ =	swait.ge [sflag:s5], $0x8000  }
0x4bc: {  	[sflag:s5] =	ssyncset.done $0x0  }
0x4bd: {  	[sflag:s5] =	ssyncadd.s32 $0xFFFF8000  }
0x4be: {  	_ =	sfence.sel $0x180000  }
0x4bf: {  	[bflag:$0x0] =	sbarrier.arrive $0xFFFF  }
0x4c0: {  	_ =	strace $0x90000047  }
0x4c1: {  	s31 =	stileid.u32;
	[bflag:$0x2] =	sbarrier.arrive $0xFFFF  }
0x4c2: {  	p0 =	sne.s32 s31, $0x0;
	s0 =	rddreg [dreg:$0x2]  }
0x4c3: {  	s0 =	sadd.s32 @!p0 $0x100000, s0  }
0x4c4: {  	[sflag:s0] =	ssyncadd.tile.s32 @!p0 $0x1;
	_ =	shalt  }
.Lfunc_end2:
_tile_overlayer_lowered:
.L_overlay_start_2:
0x4c5: {  	(tag) =	ssettag $0x2  }
0x4c6: {  	s0 =	rddreg [dreg:$0x0];
	s2 =	stileid.u32  }
0x4c7: {  	s1 =	rddreg [dreg:$0x1];
	p0 =	sne.s32 s2, $0x0  }
0x4c8: {  	s3 =	rddreg [dreg:$0x2];
	[bflag:$0x3] =	sbarrier.arrive $0xFFFF;
	s2 =	simm.s32 @!p0 $0x1C08  }
0x4c9: {  	[timem:s3], [sflag:s2] =	dma.local @!p0 [hbm:s0], s1  }
0x4ca: {  	s0 =	simm.s32 @!p0 $0x8  }
0x4cb: {  	_ =	swait.ge @!p0 [sflag:s0], s1  }
0x4cc: {  	s1 =	ssub.s32 @!p0 $0x0, s1;
	[sflag:s0] =	ssyncset.done @!p0 $0x0  }
0x4cd: {  	[sflag:s0] =	ssyncadd.s32 @!p0 s1  }
0x4ce: {  	[bflag:$0x3] =	sbarrier.arrive $0xFFFF  }
0x4cf: {  	_ =	shalt  }

// kernel: sparse-core-data-format-call.cloned.1.call-start
scs
called_computation_lowered:
.L_overlay_start_0:
0x0: {  	s2 =	sld [smem:$0x3FD9]  }
0x1: {  	s3 =	sld [smem:$0x3FFE];
	_ =	sdelay $0x1  }
0x2: {  	s1 =	srdreg.scid  }
0x3: {  	s0 =	sand.u32 $0x1, s1  }
0x4: {  	s18 =	sshll.u32 s0, $0xA;
	s2 =	sadd.s32 s3, s2  }
0x5: {  	s2 =	sadd.s32 s2, s18  }
0x6: {  	[smem:$0x3FC6] =	sst s2  }
0x7: {  	_ = 	snop  }
0x8: {  	s2 =	sld [smem:$0x3FD0];
	(tm) =	ssettm $0x1  }
0x9: {  	s19 =	sld [smem:$0x3FFB];
	_ =	sdelay $0x3  }
0xa: {  	_ =	strace s19  }
0xb: {  	s3 =	sld [smem:$0x3FFC];
	_ =	sdelay $0x3  }
0xc: {  	_ =	strace s3  }
0xd: {  	s3 =	sld [smem:$0x3FFD];
	_ =	sdelay $0x3  }
0xe: {  	_ =	strace s3  }
0xf: {  	_ =	strace $0x8FFFFFFF  }
0x10: {  	s20 =	sld [smem:$0x3FDB];
	_ =	sdelay $0x1  }
0x11: {  	s4 =	simm.s32 $_scs_section_size  }
0x12: {  	s5 =	simm.s32 $_size__tile_overlayer_lowered;
	s6 =	simm.s32 $_tile_overlayer_lowered  }
0x13: {  	s23 =	simm.s32 $0x1BFF;
	s22 =	sshll.u32 s6, $0x1;
	s3 =	sadd.s32 s4, s20  }
0x14: {  	s7 =	simm.s32 $0x0;
	s21 =	sshll.u32 s5, $0x1;
	s5 =	sadd.s32 s22, s3  }
0x15: {  	[timem:s7], [sflag:s23] =	dma.local [hbm:s5], s21  }
0x16: {  	_ =	swait.ge [sflag:s23], s21  }
0x17: {  	s4 =	ssub.s32 $0x0, s21;
	[sflag:s23] =	ssyncset.done $0x0  }
0x18: {  	[sflag:s23] =	ssyncadd.s32 s4;
	_ =	sdelay $0x1  }
0x19: {  	s24 =	simm.s32 $0x1B8B  }
0x1a: {  	_ =	swait.ge [sflag:s24], $0x1  }
0x1b: {  	[sflag:s24] =	ssyncset.done $0x0  }
0x1c: {  	s26 =	simm.s32 $0x1B8E;
	s25 =	sld [smem:$0x3FFE];
	[sflag:s24] =	ssyncadd.s32 $0xFFFFFFFF  }
0x1d: {  	s27 =	simm.s32 $execute0_lowered;
	[smem:$0x3FD2] =	sst s26  }
0x1e: {  	s5 =	sshll.u32 s27, $0x1;
	_ =	strace $0x80000049;
	[dreg:$0x1] =	wrdreg $0xFFFFFFFF  }
0x1f: {  	s28 =	simm.s32 $_size_execute0_lowered;
	s3 =	sadd.s32 s3, s5;
	[dreg:$0x0] =	wrdreg $0x0  }
0x20: {  	s5 =	sshll.u32 s28, $0x1;
	[dreg:$0x2] =	wrdreg s3  }
0x21: {  	[dreg:$0x3] =	wrdreg s5  }
0x22: {  	[dreg:$0x4] =	wrdreg $0xC0  }
0x23: {  	_ =	task [dreg:s7], $0x5FFFF  }
0x24: {  	[dreg:$0x1] =	wrdreg $0xFFFFFFFF  }
0x25: {  	[dreg:$0x0] =	wrdreg $0x60  }
0x26: {  	[dreg:$0x2] =	wrdreg s25  }
0x27: {  	[dreg:$0x3] =	wrdreg s2  }
0x28: {  	[dreg:$0x4] =	wrdreg $0x9  }
0x29: {  	_ =	task.clear_ibuf [dreg:s7], $0x5FFFF;
	_ =	strace $0x90000049  }
0x2a: {  	s29 =	simm.s32 $0x9;
	_ =	strace $0x8000004B  }
0x2b: {  	_ =	swait.ge [sflag:s29], $0x1  }
0x2c: {  	[sflag:s29] =	ssyncadd.s32 $0xFFFFFFFF  }
0x2d: {  	_ =	strace $0x9000004B  }
0x2e: {  	_ =	sfence  }
0x2f: {  	s30 =	sld [smem:$0x0];
	_ =	sdelay $0x2  }
0x30: {  	s31 =	sshll.u32 s1, $0xD;
	s1 =	sshrl.u32 s1, $0x2  }
0x31: {  	s3 =	sand.u32 $0x4000, s31;
	s1 =	sadd.s32 s1, s30  }
0x32: {  	s0 =	sor.u32 s3, s0;
	s1 =	sshll.u32 s1, $0x11  }
0x33: {  	s0 =	sor.u32 s1, s0  }
0x34: {  	s0 =	sadd.s32 $0x8F2B, s0  }
0x35: {  	[sflag:s0] =	ssyncadd.remote.s32 $0x1  }
0x36: {  	_ =	sfence.sel $0xFFFF  }
0x37: {  	[dreg:$0x0] =	wrdreg $0xFFFFFFFF;
	(pc) =	sbr.abs _section_cstart, $3  }
0x38: {  	[dreg:$0x1] =	wrdreg $0xFFFFFFFF  }
0x39: {  	_ =	task.clear_ibuf [dreg:s7], $0x2FFFF;
	_ =	strace $0x9FFFFFFF  }
0x3a: {  	(tm) =	ssettm $0x7FFFFFFF  }
0x3b: {  	_ =	shalt  }
tec
execute0_lowered:
.L_overlay_start_1:
0x0: {  	(tag) =	ssettag $0x1  }
0x1: {  	s0 =	srdreg.scid  }
0x2: {  	s1 =	sshll.u32 s0, $0x4  }
0x3: {  	s0 =	stileid.u32;
	s1 =	sand.u32 $0x10, s1  }
0x4: {  	s7 =	rddreg [dreg:$0x0];
	s1 =	sor.u32 s0, s1  }
0x5: {  	s4 =	simm.s32 $0x1;
	s8 =	simm.s32 $0x2;
	s2 =	sshll.u32 s1, $0x7  }
0x6: {  	s13 =	simm.s32 $0x0;
	s9 =	simm.s32 $0x20000;
	s1 =	ssub.s32 $0x4000, s2  }
0x7: {  	s14 =	simm.s32 $0x0;
	s11 =	simm.s32 $0x0;
	s3 =	sand.u32 $0xF80, s1  }
0x8: {  	s12 =	simm.s32 $0x0;
	s5 =	sshrl.u32 s1, $0xC;
	p0 =	sne.s32 s3, $0x0  }
.Ltmp0:
0x9: {  	s1 =	rddreg [dreg:$0x2];
	s4 =	simm.s32 @!p0 $0x0;
	(pc) =	sbr.rel .LBB1_1-.Ltmp0, $4  }
0xa: {  	s6 =	sadd.s32 $0xA00, s7;
	s3 =	rddreg [dreg:$0x1];
	s5 =	sadd.s32 s4, s5  }
0xb: {  	_ =	strace $0x8000004A;
	s4 =	simm.s32 $0x1;
	s5 =	smul.u32 $0xD, s5  }
0xc: {  	s7 =	sadd.s32 $0x40A00, s7;
	s10 =	smov.u32 s2;
	[sflag:s4] =	ssyncpa.u1 $0x0  }
0xd: {  	p0 =	por $0x0, $0x0;
	[sflag:s8] =	ssyncpa.u1 $0x0;
	s8 =	sadd.s32 $0x1, s5  }
.LBB1_7:
0xe: {  	s15 =	sadd.s32 $0x1000, s10  }
0xf: {  	s13 =	sadd.s32 $0x2, s11;
	s17 =	smov.u32 s11;
	p2 =	sgt.s32 s15, $0x3FFF  }
0x10: {  	s17 =	smov.u32 @p2 s13  }
0x11: {  	s15 =	smov.u32 @p2 s2;
	p2 =	sgt.s32 s17, $0x19  }
0x12: {  	s17 =	simm.s32 @p2 $0x0;
	p2 =	sne.s32 s12, s8  }
.Ltmp1:
0x13: {  	p1 =	slt.u32 s12, $0x2;
	(pc) =	sbr.rel @!p2 .LBB1_8-.Ltmp1, $4  }
0x14: {  	s16 =	simm.s32 @!p1 $0x2  }
0x15: {  	s14 =	smov.u32 s11;
	p0 =	por !p0, !p0;
	_ =	swait.ge @!p1 [sflag:s16], $0x4000  }
0x16: {  	s13 =	smov.u32 s10;
	[sflag:s16] =	ssyncset.done @!p1 $0x0;
	s10 =	smov.u32 s15  }
0x17: {  	s12 =	sadd.s32 $0x1, s12;
	[sflag:s16] =	ssyncadd.s32 @!p1 $0xFFFFC000;
	s11 =	smov.u32 s17  }
.LBB1_1:
0x18: {  	p1 =	sge.u32 s12, s5  }
0x19: {  	s15 =	sxor.u32 @!p1 $0xFFFFFFFF, s12;
	s16 =	sshll.u32 @!p1 s11, $0x12  }
0x1a: {  	s17 =	sshll.u32 @!p1 s10, $0x4;
	s19 =	simm.s32 @!p1 $0x40;
	s20 =	simm.s32 @!p1 $0x80  }
0x1b: {  	s15 =	sshll.u32 @!p1 s15, $0xE;
	s17 =	sand.u32 @!p1 $0x3FFF0, s17;
	s18 =	sadd.s32 @!p1 s6, s16  }
0x1c: {  	s16 =	sadd.s32 @!p1 s16, s7;
	s15 =	sand.u32 @!p1 $0x4000, s15;
	s18 =	sadd.s32 @!p1 s17, s18  }
0x1d: {  	[tilespmem:s15], [sflag:$0x1] =	stream.strided.gather @!p1 [hbm4b:s18+s19], $0x2000, s20, s19, $0x38;
	[tilespmem:$0x10100] =	vst v63  }
0x1e: {  	s31 =	sadd.s32 $0xFFFFFFFF, s12;
	s16 =	sadd.s32 @!p1 s17, s16;
	s15 =	sor.u32 @!p1 $0x2000, s15  }
0x1f: {  	[tilespmem:s15], [sflag:$0x1] =	stream.strided.gather @!p1 [hbm4b:s16+s19], $0x2000, s20, s19, $0x38;
	[tilespmem:$0x10100] =	vst v63  }
0x20: {  	p1 =	sge.u32 s31, s5  }
.Ltmp2:
0x21: {  	_ = 	snop;
	(pc) =	sbr.rel @p1 .LBB1_7-.Ltmp2, $1  }
0x22: {  	_ =	sdelay $0x3  }
0x23: {  	s15 =	simm.s32 $0x1;
	s17 =	sand.u32 $0x1, s12  }
0x24: {  	_ =	swait.ge [sflag:s4], $0x4000;
	s15 =	simm.s32 @!p0 $0x0;
	s17 =	smul.u32 $0x10200, s17  }
0x25: {  	p2 =	por $0x1, $0x1;
	[sflag:s4] =	ssyncset.done $0x0;
	s16 =	smul.u32 $0x10200, s15  }
0x26: {  	s18 =	sshll.u32 s15, $0x10;
	[sflag:s4] =	ssyncadd.s32 $0xFFFFC000;
	s30 =	sshrl.u32 s17, $0x2  }
0x27: {  	s31 =	sshrl.u32 s18, $0x2;
	s18 =	simm.s32 $0x0;
	s16 =	sshrl.u32 s16, $0x2  }
0x28: {  	s15 =	sor.u32 $0x8000, s30;
	s17 =	sadd.s32 $0x20, s31;
	s16 =	sor.u32 $0x8000, s16  }
.LBB1_3:
0x29: {  	s19 =	sshll.u32 s18, $0xD  }
0x2a: {  	s19 =	sand.u32 $0x3FFFE000, s19  }
0x2b: {  	s21 =	sadd.s32 s19, s17  }
0x2c: {  	s31 =	smul.u32 $0x8100, s18;
	v3 =	vld [tilespmem:s21+$0x10]  }
0x2d: {  	v1 =	vld [tilespmem:s21+$0xFFFFFFF0]  }
0x2e: {  	s18 =	sshra.s32 s31, $0x2;
	v0 =	vld [tilespmem:s21+$0x0]  }
0x2f: {  	s18 =	sadd.s32 s18, s16;
	v2 =	vld [tilespmem:s21+$0xFFFFFFE0]  }
0x30: {  	s19 =	sadd.s32 $0x0, s18  }
0x31: {  	p1 =	por p2, p2;
	s20 =	simm.s32 $0x4;
	s21 =	sadd.s32 $0x40, s21;
	[tilespmem:s19+$0x1830 ss:$0x81] =	vst.msk $0xffff, v3  }
.LBB1_4:
0x32: {  	v3 =	vld [tilespmem:s21+$0x10];
	p2 =	sne.s32 s20, $0x1FC;
	[tilespmem:s19+$0x810 ss:$0x81] =	vst.msk $0xffff, v1;
	s22 =	smov.u32 s20;
	s20 =	sadd.s32 $0x4, s20  }
.Ltmp3:
0x33: {  	v1 =	vld [tilespmem:s21+$0xFFFFFFF0];
	[tilespmem:s19+$0x1020 ss:$0x81] =	vst.msk $0xffff, v0;
	(pc) =	sbr.rel @p2 .LBB1_4-.Ltmp3, $4  }
0x34: {  	v0 =	vld [tilespmem:s21+$0x0];
	[tilespmem:s19+$0x0 ss:$0x81] =	vst.msk $0xffff, v2  }
0x35: {  	s19 =	sshra.s32 s22, $0x2;
	v2 =	vld [tilespmem:s21+$0xFFFFFFE0]  }
0x36: {  	s19 =	sadd.s32 s19, s18  }
0x37: {  	s21 =	sadd.s32 $0x40, s21;
	[tilespmem:s19+$0x1830 ss:$0x81] =	vst.msk $0xffff, v3  }
.Ltmp4:
0x38: {  	(pc) =	sbr.rel @p1 .LBB1_3-.Ltmp4, $4  }
0x39: {  	_ = 	snop  }
0x3a: {  	[tilespmem:s19+$0x810 ss:$0x81] =	vst.msk $0xffff, v1  }
0x3b: {  	[tilespmem:s19+$0x1020 ss:$0x81] =	vst.msk $0xffff, v0  }
0x3c: {  	s18 =	simm.s32 $0x1;
	p2 =	por $0x0, $0x0;
	[tilespmem:s19+$0x0 ss:$0x81] =	vst.msk $0xffff, v2  }
0x3d: {  	s16 =	sshll.u32 s13, $0x3;
	s17 =	sand.u32 $0x78, s13;
	s14 =	sshll.u32 s14, $0x11  }
.Ltmp5:
0x3e: {  	s30 =	sand.u32 $0x1F800, s13;
	s16 =	sand.u32 $0x3C00, s16;
	(pc) =	sbr.rel .LBB1_7-.Ltmp5, $4  }
0x3f: {  	s31 =	sand.u32 $0x7, s13;
	s14 =	sadd.s32 s3, s14;
	s16 =	sor.u32 s17, s16  }
0x40: {  	s13 =	sshll.u32 s31, $0x12;
	s14 =	sadd.s32 s30, s14;
	s16 =	sshrl.u32 s16, $0x3  }
0x41: {  	s13 =	sor.u32 $0x400, s13;
	s14 =	sadd.s32 s16, s14  }
0x42: {  	[hbm4b:s14+s13] =	stream.strided.scatter [tilespmem:s15], [sflag:$0x2], $0x4000, s9, s13, $0x20;
	[tilespmem:$0x10100] =	vst v63  }
.LBB1_8:
0x43: {  	_ =	sfence.sel $0x180000  }
0x44: {  	s2 =	simm.s32 $0x1;
	[bflag:$0x0] =	sbarrier.arrive $0xFFFF  }
0x45: {  	s31 =	simm.s32 $0x2;
	[sflag:s2] =	ssyncpa.u1 $0x1  }
0x46: {  	[sflag:s31] =	ssyncpa.u1 $0x1  }
0x47: {  	p0 =	sne.s32 s0, $0x0;
	_ =	strace $0x9000004A  }
0x48: {  	s0 =	sadd.s32 @!p0 $0x100000, s1;
	[bflag:$0x2] =	sbarrier.arrive $0xFFFF  }
0x49: {  	[sflag:s0] =	ssyncadd.tile.s32 @!p0 $0x1;
	_ =	shalt  }
.Lfunc_end1:
_tile_overlayer_lowered:
.L_overlay_start_2:
0x4a: {  	(tag) =	ssettag $0x2  }
0x4b: {  	s0 =	rddreg [dreg:$0x0];
	s2 =	stileid.u32  }
0x4c: {  	s1 =	rddreg [dreg:$0x1];
	p0 =	sne.s32 s2, $0x0  }
0x4d: {  	s3 =	rddreg [dreg:$0x2];
	[bflag:$0x3] =	sbarrier.arrive $0xFFFF;
	s2 =	simm.s32 @!p0 $0x1C01  }
0x4e: {  	[timem:s3], [sflag:s2] =	dma.local @!p0 [hbm:s0], s1  }
0x4f: {  	s0 =	simm.s32 @!p0 $0x1  }
0x50: {  	_ =	swait.ge @!p0 [sflag:s0], s1  }
0x51: {  	s1 =	ssub.s32 @!p0 $0x0, s1;
	[sflag:s0] =	ssyncset.done @!p0 $0x0  }
0x52: {  	[sflag:s0] =	ssyncadd.s32 @!p0 s1  }
0x53: {  	[bflag:$0x3] =	sbarrier.arrive $0xFFFF  }
0x54: {  	_ =	shalt  }

</sc_bundles>
